<compile_context>
chip_gen: v7x
topology: tpu7x:2x2x1
jax: 0.10.2.dev20260603
libtpu: 0.0.44.dev20260713+nightly
codegen_flags: <defaults>
</compile_context>

<pallas_src>
import functools

import jax
import jax.numpy as jnp
from jax import lax
from jax.experimental import pallas as pl
from jax.experimental.pallas import tpu as pltpu
from jax.experimental.pallas import tpu_sc as plsc

_B = 16384
_F = 32
_NW = 32
_BPW = _B // _NW
_G = 16


def _gmf_body(user_hbm, item_hbm, euT_hbm, eiT_hbm, w_hbm, b_hbm, out_hbm,
              uidx_v, iidx_v, blk_v, cols_v, w_v, b_v, out_v, sem):
    wid = lax.axis_index("s") * 2 + lax.axis_index("c")
    base = wid * _BPW

    pltpu.sync_copy(user_hbm.at[pl.ds(base, _BPW)], uidx_v)
    pltpu.sync_copy(item_hbm.at[pl.ds(base, _BPW)], iidx_v)
    pltpu.sync_copy(w_hbm, w_v)
    pltpu.sync_copy(b_hbm, b_v)

    w0 = w_v[0, :]
    w1 = w_v[1, :]
    ws = [w0[f] for f in range(16)] + [w1[f] for f in range(16)]
    bias = b_v[:]
    e_iota = lax.iota(jnp.int32, _G)
    zero = jnp.zeros((_G,), jnp.float32)

    def fetch(idx_vec):
        tc = lax.shift_right_logical(idx_vec, 7)
        copies = []
        for e in range(_G):
            c0 = pl.multiple_of(tc[e] * 128, 128)
            copies.append(pltpu.async_copy(
                euT_hbm.at[:, pl.ds(c0, 128)], blk_v.at[e], sem))
        for c in copies:
            c.wait()

    def fetch_i(idx_vec):
        tc = lax.shift_right_logical(idx_vec, 7)
        copies = []
        for e in range(_G):
            c0 = pl.multiple_of(tc[e] * 128, 128)
            copies.append(pltpu.async_copy(
                eiT_hbm.at[:, pl.ds(c0, 128)], blk_v.at[e], sem))
        for c in copies:
            c.wait()

    def body(g, carry):
        off = pl.multiple_of(g * _G, _G)
        uvec = uidx_v[pl.ds(off, _G)]
        ivec = iidx_v[pl.ds(off, _G)]
        lanes_u = uvec & jnp.int32(127)
        lanes_i = ivec & jnp.int32(127)

        fetch(uvec)
        for f in range(_F):
            f_splat = jnp.full((_G,), f, jnp.int32)
            cols_v[f] = plsc.load_gather(blk_v, [e_iota, f_splat, lanes_u])

        fetch_i(ivec)
        acc = zero
        for f in range(_F):
            f_splat = jnp.full((_G,), f, jnp.int32)
            gi = plsc.load_gather(blk_v, [e_iota, f_splat, lanes_i])
            acc = acc + gi * cols_v[f] * ws[f]
        out_v[pl.ds(off, _G)] = acc + bias
        return carry

    lax.fori_loop(0, _BPW // _G, body, 0)

    pltpu.sync_copy(out_v, out_hbm.at[pl.ds(base, _BPW)])


_gmf = functools.partial(
    pl.kernel,
    out_type=jax.ShapeDtypeStruct((_B,), jnp.float32),
    mesh=plsc.VectorSubcoreMesh(core_axis_name="c", subcore_axis_name="s"),
    compiler_params=pltpu.CompilerParams(disable_bounds_checks=True,
                                         needs_layout_passes=False),
    scratch_types=[
        pltpu.VMEM((_BPW,), jnp.int32),
        pltpu.VMEM((_BPW,), jnp.int32),
        pltpu.VMEM((_G, _F, 128), jnp.float32),
        pltpu.VMEM((_F, _G), jnp.float32),
        pltpu.VMEM((2, 16), jnp.float32),
        pltpu.VMEM((16,), jnp.float32),
        pltpu.VMEM((_BPW,), jnp.float32),
        pltpu.SemaphoreType.DMA,
    ],
)(_gmf_body)


def kernel(user, item, embed_user, embed_item, predict_w, predict_b):
    w2 = predict_w.reshape(2, 16)
    bvec = jnp.broadcast_to(predict_b, (16,))
    return _gmf(user, item, embed_user.T, embed_item.T, w2, bvec)

# --- scband reference (transcript-rebuilt; emitter-appended) ---
"""Pipeline reference for scband-gmf-60567628808701 (READ-ONLY COPY).

The authoritative reference and input builder live on the scoring server;
editing this copy changes nothing except your own understanding.
"""

import jax, jax.numpy as jnp
import numpy as np

USER_NUM = 1000000
ITEM_NUM = 1000000
FACTOR = 32
BATCH = 16384

def setup_inputs(seed: int = 0) -> dict:
    key = jax.random.key(seed)
    k1, k2, k3, k4, k5, k6 = jax.random.split(key, 6)
    user = jax.random.randint(k1, (BATCH,), 0, USER_NUM, dtype=jnp.int64 if jax.config.jax_enable_x64 else jnp.int32)
    item = jax.random.randint(k2, (BATCH,), 0, ITEM_NUM, dtype=jnp.int64 if jax.config.jax_enable_x64 else jnp.int32)
    embed_user = jax.random.normal(k3, (USER_NUM, FACTOR), dtype=jnp.float32) * 0.01
    embed_item = jax.random.normal(k4, (ITEM_NUM, FACTOR), dtype=jnp.float32) * 0.01
    # kaiming uniform with a=1: bound = sqrt(6 / ((1 + a^2) * fan_in)) = sqrt(3 / fan_in)
    bound = float(np.sqrt(3.0 / FACTOR))
    predict_w = jax.random.uniform(k5, (1, FACTOR), dtype=jnp.float32, minval=-bound, maxval=bound)
    predict_b = jnp.zeros((1,), dtype=jnp.float32)
    return {"user": user, "item": item, "embed_user": embed_user, "embed_item": embed_item, "predict_w": predict_w, "predict_b": predict_b}

def reference(user, item, embed_user, embed_item, predict_w, predict_b):
    eu = jnp.take(embed_user, user, axis=0)            # [B, F] gather
    ei = jnp.take(embed_item, item, axis=0)            # [B, F] gather
    output_gmf = eu * ei                                # [B, F]
    prediction = output_gmf @ predict_w.T + predict_b   # [B, 1]
    return prediction.reshape(-1)                       # [B]

if __name__ == "__main__":
    import jax
    _d = setup_inputs()
    print(jax.jit(kernel)(*tuple(_d.values())))

</pallas_src>

<mosaic_0001>
#map = affine_map<(d0, d1) -> (0)>
#map1 = affine_map<(d0, d1) -> (0, 0)>
module attributes {stable_mosaic.version = 14 : i64} {
  func.func @_gmf_body(%arg0: i32, %arg1: i32, %arg2: memref<16384xi32, #tpu.memory_space<hbm>>, %arg3: memref<16384xi32, #tpu.memory_space<hbm>>, %arg4: memref<32x1000000xf32, #tpu.memory_space<hbm>>, %arg5: memref<32x1000000xf32, #tpu.memory_space<hbm>>, %arg6: memref<2x16xf32, #tpu.memory_space<hbm>>, %arg7: memref<16xf32, #tpu.memory_space<hbm>>, %arg8: memref<16384xf32, #tpu.memory_space<hbm>>, %arg9: memref<512xi32, #tpu.memory_space<vmem>>, %arg10: memref<512xi32, #tpu.memory_space<vmem>>, %arg11: memref<16x32x128xf32, #tpu.memory_space<vmem>>, %arg12: memref<32x16xf32, #tpu.memory_space<vmem>>, %arg13: memref<2x16xf32, #tpu.memory_space<vmem>>, %arg14: memref<16xf32, #tpu.memory_space<vmem>>, %arg15: memref<512xf32, #tpu.memory_space<vmem>>, %arg16: memref<!tpu.dma_semaphore, #tpu.memory_space<semaphore_mem>>) attributes {dimension_semantics = [#tpu.dimension_semantics<core_parallel>, #tpu.dimension_semantics<subcore_parallel>], iteration_bounds = array<i64: 2, 16>, scalar_prefetch = 0 : i64, scratch_operands = 8 : i64, tpu.core_type = #tpu.core_type<sc_vector_subcore>, window_params = [{transform_indices = #map}, {transform_indices = #map}, {transform_indices = #map1}, {transform_indices = #map1}, {transform_indices = #map1}, {transform_indices = #map}, {transform_indices = #map}]} {
    %mul3A = arith.constant 2 : i32
    %mul3A_0 = arith.muli %arg1, %mul3A : i32
    %add3A = arith.addi %mul3A_0, %arg0 : i32
    %mul3A_1 = arith.constant 512 : i32
    %mul3A_2 = arith.muli %add3A, %mul3A_1 : i32
    "tpu.region"() ({
      %run_scoped3A = tpu.sem_alloc : memref<!tpu.dma_semaphore, #tpu.memory_space<semaphore_mem>>
      %dma_start3A = tpu.memref_slice %arg2[%mul3A_2] : memref<16384xi32, #tpu.memory_space<hbm>> -> memref<512xi32, #tpu.memory_space<hbm>>
      %dma_start3A_80 = tpu.memref_slice %arg2[%mul3A_2] : memref<16384xi32, #tpu.memory_space<hbm>> -> memref<512xi32, #tpu.memory_space<hbm>>
      tpu.enqueue_dma source(%dma_start3A_80 : memref<512xi32, #tpu.memory_space<hbm>>) target(%arg9 : memref<512xi32, #tpu.memory_space<vmem>>) target_semaphore(%run_scoped3A : memref<!tpu.dma_semaphore, #tpu.memory_space<semaphore_mem>>)
      %dma_wait3A = tpu.memref_slice %arg2[%mul3A_2] : memref<16384xi32, #tpu.memory_space<hbm>> -> memref<512xi32, #tpu.memory_space<hbm>>
      %dma_wait3A_81 = tpu.memref_slice %arg2[%mul3A_2] : memref<16384xi32, #tpu.memory_space<hbm>> -> memref<512xi32, #tpu.memory_space<hbm>>
      tpu.wait_dma2 semaphore(%run_scoped3A : memref<!tpu.dma_semaphore, #tpu.memory_space<semaphore_mem>>) src(%dma_wait3A_81 : memref<512xi32, #tpu.memory_space<hbm>>) dst(%arg9 : memref<512xi32, #tpu.memory_space<vmem>>)
      tpu.yield
    }) : () -> ()
    "tpu.region"() ({
      %run_scoped3A = tpu.sem_alloc : memref<!tpu.dma_semaphore, #tpu.memory_space<semaphore_mem>>
      %dma_start3A = tpu.memref_slice %arg3[%mul3A_2] : memref<16384xi32, #tpu.memory_space<hbm>> -> memref<512xi32, #tpu.memory_space<hbm>>
      %dma_start3A_80 = tpu.memref_slice %arg3[%mul3A_2] : memref<16384xi32, #tpu.memory_space<hbm>> -> memref<512xi32, #tpu.memory_space<hbm>>
      tpu.enqueue_dma source(%dma_start3A_80 : memref<512xi32, #tpu.memory_space<hbm>>) target(%arg10 : memref<512xi32, #tpu.memory_space<vmem>>) target_semaphore(%run_scoped3A : memref<!tpu.dma_semaphore, #tpu.memory_space<semaphore_mem>>)
      %dma_wait3A = tpu.memref_slice %arg3[%mul3A_2] : memref<16384xi32, #tpu.memory_space<hbm>> -> memref<512xi32, #tpu.memory_space<hbm>>
      %dma_wait3A_81 = tpu.memref_slice %arg3[%mul3A_2] : memref<16384xi32, #tpu.memory_space<hbm>> -> memref<512xi32, #tpu.memory_space<hbm>>
      tpu.wait_dma2 semaphore(%run_scoped3A : memref<!tpu.dma_semaphore, #tpu.memory_space<semaphore_mem>>) src(%dma_wait3A_81 : memref<512xi32, #tpu.memory_space<hbm>>) dst(%arg10 : memref<512xi32, #tpu.memory_space<vmem>>)
      tpu.yield
    }) : () -> ()
    "tpu.region"() ({
      %run_scoped3A = tpu.sem_alloc : memref<!tpu.dma_semaphore, #tpu.memory_space<semaphore_mem>>
      tpu.enqueue_dma source(%arg6 : memref<2x16xf32, #tpu.memory_space<hbm>>) target(%arg13 : memref<2x16xf32, #tpu.memory_space<vmem>>) target_semaphore(%run_scoped3A : memref<!tpu.dma_semaphore, #tpu.memory_space<semaphore_mem>>)
      tpu.wait_dma2 semaphore(%run_scoped3A : memref<!tpu.dma_semaphore, #tpu.memory_space<semaphore_mem>>) src(%arg6 : memref<2x16xf32, #tpu.memory_space<hbm>>) dst(%arg13 : memref<2x16xf32, #tpu.memory_space<vmem>>)
      tpu.yield
    }) : () -> ()
    "tpu.region"() ({
      %run_scoped3A = tpu.sem_alloc : memref<!tpu.dma_semaphore, #tpu.memory_space<semaphore_mem>>
      tpu.enqueue_dma source(%arg7 : memref<16xf32, #tpu.memory_space<hbm>>) target(%arg14 : memref<16xf32, #tpu.memory_space<vmem>>) target_semaphore(%run_scoped3A : memref<!tpu.dma_semaphore, #tpu.memory_space<semaphore_mem>>)
      tpu.wait_dma2 semaphore(%run_scoped3A : memref<!tpu.dma_semaphore, #tpu.memory_space<semaphore_mem>>) src(%arg7 : memref<16xf32, #tpu.memory_space<hbm>>) dst(%arg14 : memref<16xf32, #tpu.memory_space<vmem>>)
      tpu.yield
    }) : () -> ()
    %get3A = arith.constant 0 : i32
    %get3A_3 = arith.index_cast %get3A : i32 to index
    %get3A_4 = arith.constant 0 : index
    %get3A_5 = tpu.vector_load %arg13[%get3A_3, %get3A_4] {strides = array<i32>} : memref<2x16xf32, #tpu.memory_space<vmem>>, vector<16xf32>,
    %get3A_6 = arith.constant 1 : i32
    %get3A_7 = arith.index_cast %get3A_6 : i32 to index
    %get3A_8 = arith.constant 0 : index
    %get3A_9 = tpu.vector_load %arg13[%get3A_7, %get3A_8] {strides = array<i32>} : memref<2x16xf32, #tpu.memory_space<vmem>>, vector<16xf32>,
    %slice3A = vector.extract_strided_slice %get3A_5 {offsets = [0], sizes = [1], strides = [1]} : vector<16xf32> to vector<1xf32>
    %squeeze3A = vector.extract %slice3A[0] : f32 from vector<1xf32>
    %slice3A_10 = vector.extract_strided_slice %get3A_5 {offsets = [1], sizes = [1], strides = [1]} : vector<16xf32> to vector<1xf32>
    %squeeze3A_11 = vector.extract %slice3A_10[0] : f32 from vector<1xf32>
    %slice3A_12 = vector.extract_strided_slice %get3A_5 {offsets = [2], sizes = [1], strides = [1]} : vector<16xf32> to vector<1xf32>
    %squeeze3A_13 = vector.extract %slice3A_12[0] : f32 from vector<1xf32>
    %slice3A_14 = vector.extract_strided_slice %get3A_5 {offsets = [3], sizes = [1], strides = [1]} : vector<16xf32> to vector<1xf32>
    %squeeze3A_15 = vector.extract %slice3A_14[0] : f32 from vector<1xf32>
    %slice3A_16 = vector.extract_strided_slice %get3A_5 {offsets = [4], sizes = [1], strides = [1]} : vector<16xf32> to vector<1xf32>
    %squeeze3A_17 = vector.extract %slice3A_16[0] : f32 from vector<1xf32>
    %slice3A_18 = vector.extract_strided_slice %get3A_5 {offsets = [5], sizes = [1], strides = [1]} : vector<16xf32> to vector<1xf32>
    %squeeze3A_19 = vector.extract %slice3A_18[0] : f32 from vector<1xf32>
    %slice3A_20 = vector.extract_strided_slice %get3A_5 {offsets = [6], sizes = [1], strides = [1]} : vector<16xf32> to vector<1xf32>
    %squeeze3A_21 = vector.extract %slice3A_20[0] : f32 from vector<1xf32>
    %slice3A_22 = vector.extract_strided_slice %get3A_5 {offsets = [7], sizes = [1], strides = [1]} : vector<16xf32> to vector<1xf32>
    %squeeze3A_23 = vector.extract %slice3A_22[0] : f32 from vector<1xf32>
    %slice3A_24 = vector.extract_strided_slice %get3A_5 {offsets = [8], sizes = [1], strides = [1]} : vector<16xf32> to vector<1xf32>
    %squeeze3A_25 = vector.extract %slice3A_24[0] : f32 from vector<1xf32>
    %slice3A_26 = vector.extract_strided_slice %get3A_5 {offsets = [9], sizes = [1], strides = [1]} : vector<16xf32> to vector<1xf32>
    %squeeze3A_27 = vector.extract %slice3A_26[0] : f32 from vector<1xf32>
    %slice3A_28 = vector.extract_strided_slice %get3A_5 {offsets = [10], sizes = [1], strides = [1]} : vector<16xf32> to vector<1xf32>
    %squeeze3A_29 = vector.extract %slice3A_28[0] : f32 from vector<1xf32>
    %slice3A_30 = vector.extract_strided_slice %get3A_5 {offsets = [11], sizes = [1], strides = [1]} : vector<16xf32> to vector<1xf32>
    %squeeze3A_31 = vector.extract %slice3A_30[0] : f32 from vector<1xf32>
    %slice3A_32 = vector.extract_strided_slice %get3A_5 {offsets = [12], sizes = [1], strides = [1]} : vector<16xf32> to vector<1xf32>
    %squeeze3A_33 = vector.extract %slice3A_32[0] : f32 from vector<1xf32>
    %slice3A_34 = vector.extract_strided_slice %get3A_5 {offsets = [13], sizes = [1], strides = [1]} : vector<16xf32> to vector<1xf32>
    %squeeze3A_35 = vector.extract %slice3A_34[0] : f32 from vector<1xf32>
    %slice3A_36 = vector.extract_strided_slice %get3A_5 {offsets = [14], sizes = [1], strides = [1]} : vector<16xf32> to vector<1xf32>
    %squeeze3A_37 = vector.extract %slice3A_36[0] : f32 from vector<1xf32>
    %slice3A_38 = vector.extract_strided_slice %get3A_5 {offsets = [15], sizes = [1], strides = [1]} : vector<16xf32> to vector<1xf32>
    %squeeze3A_39 = vector.extract %slice3A_38[0] : f32 from vector<1xf32>
    %slice3A_40 = vector.extract_strided_slice %get3A_9 {offsets = [0], sizes = [1], strides = [1]} : vector<16xf32> to vector<1xf32>
    %squeeze3A_41 = vector.extract %slice3A_40[0] : f32 from vector<1xf32>
    %slice3A_42 = vector.extract_strided_slice %get3A_9 {offsets = [1], sizes = [1], strides = [1]} : vector<16xf32> to vector<1xf32>
    %squeeze3A_43 = vector.extract %slice3A_42[0] : f32 from vector<1xf32>
    %slice3A_44 = vector.extract_strided_slice %get3A_9 {offsets = [2], sizes = [1], strides = [1]} : vector<16xf32> to vector<1xf32>
    %squeeze3A_45 = vector.extract %slice3A_44[0] : f32 from vector<1xf32>
    %slice3A_46 = vector.extract_strided_slice %get3A_9 {offsets = [3], sizes = [1], strides = [1]} : vector<16xf32> to vector<1xf32>
    %squeeze3A_47 = vector.extract %slice3A_46[0] : f32 from vector<1xf32>
    %slice3A_48 = vector.extract_strided_slice %get3A_9 {offsets = [4], sizes = [1], strides = [1]} : vector<16xf32> to vector<1xf32>
    %squeeze3A_49 = vector.extract %slice3A_48[0] : f32 from vector<1xf32>
    %slice3A_50 = vector.extract_strided_slice %get3A_9 {offsets = [5], sizes = [1], strides = [1]} : vector<16xf32> to vector<1xf32>
    %squeeze3A_51 = vector.extract %slice3A_50[0] : f32 from vector<1xf32>
    %slice3A_52 = vector.extract_strided_slice %get3A_9 {offsets = [6], sizes = [1], strides = [1]} : vector<16xf32> to vector<1xf32>
    %squeeze3A_53 = vector.extract %slice3A_52[0] : f32 from vector<1xf32>
    %slice3A_54 = vector.extract_strided_slice %get3A_9 {offsets = [7], sizes = [1], strides = [1]} : vector<16xf32> to vector<1xf32>
    %squeeze3A_55 = vector.extract %slice3A_54[0] : f32 from vector<1xf32>
    %slice3A_56 = vector.extract_strided_slice %get3A_9 {offsets = [8], sizes = [1], strides = [1]} : vector<16xf32> to vector<1xf32>
    %squeeze3A_57 = vector.extract %slice3A_56[0] : f32 from vector<1xf32>
    %slice3A_58 = vector.extract_strided_slice %get3A_9 {offsets = [9], sizes = [1], strides = [1]} : vector<16xf32> to vector<1xf32>
    %squeeze3A_59 = vector.extract %slice3A_58[0] : f32 from vector<1xf32>
    %slice3A_60 = vector.extract_strided_slice %get3A_9 {offsets = [10], sizes = [1], strides = [1]} : vector<16xf32> to vector<1xf32>
    %squeeze3A_61 = vector.extract %slice3A_60[0] : f32 from vector<1xf32>
    %slice3A_62 = vector.extract_strided_slice %get3A_9 {offsets = [11], sizes = [1], strides = [1]} : vector<16xf32> to vector<1xf32>
    %squeeze3A_63 = vector.extract %slice3A_62[0] : f32 from vector<1xf32>
    %slice3A_64 = vector.extract_strided_slice %get3A_9 {offsets = [12], sizes = [1], strides = [1]} : vector<16xf32> to vector<1xf32>
    %squeeze3A_65 = vector.extract %slice3A_64[0] : f32 from vector<1xf32>
    %slice3A_66 = vector.extract_strided_slice %get3A_9 {offsets = [13], sizes = [1], strides = [1]} : vector<16xf32> to vector<1xf32>
    %squeeze3A_67 = vector.extract %slice3A_66[0] : f32 from vector<1xf32>
    %slice3A_68 = vector.extract_strided_slice %get3A_9 {offsets = [14], sizes = [1], strides = [1]} : vector<16xf32> to vector<1xf32>
    %squeeze3A_69 = vector.extract %slice3A_68[0] : f32 from vector<1xf32>
    %slice3A_70 = vector.extract_strided_slice %get3A_9 {offsets = [15], sizes = [1], strides = [1]} : vector<16xf32> to vector<1xf32>
    %squeeze3A_71 = vector.extract %slice3A_70[0] : f32 from vector<1xf32>
    %get3A_72 = arith.constant 0 : index
    %get3A_73 = tpu.vector_load %arg14[%get3A_72] {strides = array<i32>} : memref<16xf32, #tpu.memory_space<vmem>>, vector<16xf32>,
    %iota3A = tpu.iota {dimensions = array<i32: 0>} : vector<16xi32>
    %broadcast_in_dim3A = arith.constant 0.000000e+00 : f32
    %broadcast_in_dim3A_74 = vector.broadcast %broadcast_in_dim3A : f32 to vector<16xf32>
    %scan3A = arith.constant 0 : i32
    %scan3A_75 = arith.constant 0 : i32
    %scan3A_76 = arith.constant 32 : i32
    %scan3A_77 = arith.addi %scan3A_75, %scan3A_76 : i32
    %scan3A_78 = arith.constant 1 : i32
    scf.for %scan3A_80 = %scan3A_75 to %scan3A_77 step %scan3A_78  : i32 {
      %mul3A_81 = arith.constant 16 : i32
      %mul3A_82 = arith.muli %scan3A_80, %mul3A_81 : i32
      %multiple_of3A = tpu.assume_multiple %mul3A_82, 16 : i32
      %get3A_83 = arith.index_cast %multiple_of3A : i32 to index
      %get3A_84 = tpu.vector_load %arg9[%get3A_83] {strides = array<i32>} : memref<512xi32, #tpu.memory_space<vmem>>, vector<16xi32>,
      %get3A_85 = arith.index_cast %multiple_of3A : i32 to index
      %get3A_86 = tpu.vector_load %arg10[%get3A_85] {strides = array<i32>} : memref<512xi32, #tpu.memory_space<vmem>>, vector<16xi32>,
      %and3A = arith.constant 127 : i32
      %and3A_87 = vector.broadcast %and3A : i32 to vector<16xi32>
      %and3A_88 = arith.andi %get3A_84, %and3A_87 : vector<16xi32>
      %and3A_89 = arith.constant 127 : i32
      %and3A_90 = vector.broadcast %and3A_89 : i32 to vector<16xi32>
      %and3A_91 = arith.andi %get3A_86, %and3A_90 : vector<16xi32>
      %shift_right_logical3A = arith.constant 7 : i32
      %shift_right_logical3A_92 = vector.broadcast %shift_right_logical3A : i32 to vector<16xi32>
      %shift_right_logical3A_93 = arith.shrui %get3A_84, %shift_right_logical3A_92 : vector<16xi32>
      %slice3A_94 = vector.extract_strided_slice %shift_right_logical3A_93 {offsets = [0], sizes = [1], strides = [1]} : vector<16xi32> to vector<1xi32>
      %squeeze3A_95 = vector.extract %slice3A_94[0] : i32 from vector<1xi32>
      %mul3A_96 = arith.constant 128 : i32
      %mul3A_97 = arith.muli %squeeze3A_95, %mul3A_96 : i32
      %multiple_of3A_98 = tpu.assume_multiple %mul3A_97, 128 : i32
      %dma_start3A = arith.constant 0 : i32
      %dma_start3A_99 = arith.constant 0 : i32
      %dma_start3A_100 = arith.constant 0 : i32
      %dma_start3A_101 = tpu.memref_slice %arg11[%dma_start3A, %dma_start3A_99, %dma_start3A_100] : memref<16x32x128xf32, #tpu.memory_space<vmem>> -> memref<1x32x128xf32, #tpu.memory_space<vmem>>
      %dma_start3A_102 = tpu.memref_squeeze %dma_start3A_101 : memref<1x32x128xf32, #tpu.memory_space<vmem>> -> memref<32x128xf32, #tpu.memory_space<vmem>>
      %dma_start3A_103 = arith.constant 0 : i32
      %dma_start3A_104 = tpu.memref_slice %arg4[%dma_start3A_103, %multiple_of3A_98] : memref<32x1000000xf32, #tpu.memory_space<hbm>> -> memref<32x128xf32, #tpu.memory_space<hbm>>
      %dma_start3A_105 = arith.constant 0 : i32
      %dma_start3A_106 = arith.constant 0 : i32
      %dma_start3A_107 = tpu.memref_slice %arg11[%dma_start3A, %dma_start3A_105, %dma_start3A_106] : memref<16x32x128xf32, #tpu.memory_space<vmem>> -> memref<1x32x128xf32, #tpu.memory_space<vmem>>
      %dma_start3A_108 = tpu.memref_squeeze %dma_start3A_107 : memref<1x32x128xf32, #tpu.memory_space<vmem>> -> memref<32x128xf32, #tpu.memory_space<vmem>>
      %dma_start3A_109 = arith.constant 0 : i32
      %dma_start3A_110 = tpu.memref_slice %arg4[%dma_start3A_109, %multiple_of3A_98] : memref<32x1000000xf32, #tpu.memory_space<hbm>> -> memref<32x128xf32, #tpu.memory_space<hbm>>
      tpu.enqueue_dma source(%dma_start3A_110 : memref<32x128xf32, #tpu.memory_space<hbm>>) target(%dma_start3A_108 : memref<32x128xf32, #tpu.memory_space<vmem>>) target_semaphore(%arg16 : memref<!tpu.dma_semaphore, #tpu.memory_space<semaphore_mem>>)
      %slice3A_111 = vector.extract_strided_slice %shift_right_logical3A_93 {offsets = [1], sizes = [1], strides = [1]} : vector<16xi32> to vector<1xi32>
      %squeeze3A_112 = vector.extract %slice3A_111[0] : i32 from vector<1xi32>
      %mul3A_113 = arith.constant 128 : i32
      %mul3A_114 = arith.muli %squeeze3A_112, %mul3A_113 : i32
      %multiple_of3A_115 = tpu.assume_multiple %mul3A_114, 128 : i32
      %dma_start3A_116 = arith.constant 1 : i32
      %dma_start3A_117 = arith.constant 0 : i32
      %dma_start3A_118 = arith.constant 0 : i32
      %dma_start3A_119 = tpu.memref_slice %arg11[%dma_start3A_116, %dma_start3A_117, %dma_start3A_118] : memref<16x32x128xf32, #tpu.memory_space<vmem>> -> memref<1x32x128xf32, #tpu.memory_space<vmem>>
      %dma_start3A_120 = tpu.memref_squeeze %dma_start3A_119 : memref<1x32x128xf32, #tpu.memory_space<vmem>> -> memref<32x128xf32, #tpu.memory_space<vmem>>
      %dma_start3A_121 = arith.constant 0 : i32
      %dma_start3A_122 = tpu.memref_slice %arg4[%dma_start3A_121, %multiple_of3A_115] : memref<32x1000000xf32, #tpu.memory_space<hbm>> -> memref<32x128xf32, #tpu.memory_space<hbm>>
      %dma_start3A_123 = arith.constant 0 : i32
      %dma_start3A_124 = arith.constant 0 : i32
      %dma_start3A_125 = tpu.memref_slice %arg11[%dma_start3A_116, %dma_start3A_123, %dma_start3A_124] : memref<16x32x128xf32, #tpu.memory_space<vmem>> -> memref<1x32x128xf32, #tpu.memory_space<vmem>>
      %dma_start3A_126 = tpu.memref_squeeze %dma_start3A_125 : memref<1x32x128xf32, #tpu.memory_space<vmem>> -> memref<32x128xf32, #tpu.memory_space<vmem>>
      %dma_start3A_127 = arith.constant 0 : i32
      %dma_start3A_128 = tpu.memref_slice %arg4[%dma_start3A_127, %multiple_of3A_115] : memref<32x1000000xf32, #tpu.memory_space<hbm>> -> memref<32x128xf32, #tpu.memory_space<hbm>>
      tpu.enqueue_dma source(%dma_start3A_128 : memref<32x128xf32, #tpu.memory_space<hbm>>) target(%dma_start3A_126 : memref<32x128xf32, #tpu.memory_space<vmem>>) target_semaphore(%arg16 : memref<!tpu.dma_semaphore, #tpu.memory_space<semaphore_mem>>)
      %slice3A_129 = vector.extract_strided_slice %shift_right_logical3A_93 {offsets = [2], sizes = [1], strides = [1]} : vector<16xi32> to vector<1xi32>
      %squeeze3A_130 = vector.extract %slice3A_129[0] : i32 from vector<1xi32>
      %mul3A_131 = arith.constant 128 : i32
      %mul3A_132 = arith.muli %squeeze3A_130, %mul3A_131 : i32
      %multiple_of3A_133 = tpu.assume_multiple %mul3A_132, 128 : i32
      %dma_start3A_134 = arith.constant 2 : i32
      %dma_start3A_135 = arith.constant 0 : i32
      %dma_start3A_136 = arith.constant 0 : i32
      %dma_start3A_137 = tpu.memref_slice %arg11[%dma_start3A_134, %dma_start3A_135, %dma_start3A_136] : memref<16x32x128xf32, #tpu.memory_space<vmem>> -> memref<1x32x128xf32, #tpu.memory_space<vmem>>
      %dma_start3A_138 = tpu.memref_squeeze %dma_start3A_137 : memref<1x32x128xf32, #tpu.memory_space<vmem>> -> memref<32x128xf32, #tpu.memory_space<vmem>>
      %dma_start3A_139 = arith.constant 0 : i32
      %dma_start3A_140 = tpu.memref_slice %arg4[%dma_start3A_139, %multiple_of3A_133] : memref<32x1000000xf32, #tpu.memory_space<hbm>> -> memref<32x128xf32, #tpu.memory_space<hbm>>
      %dma_start3A_141 = arith.constant 0 : i32
      %dma_start3A_142 = arith.constant 0 : i32
      %dma_start3A_143 = tpu.memref_slice %arg11[%dma_start3A_134, %dma_start3A_141, %dma_start3A_142] : memref<16x32x128xf32, #tpu.memory_space<vmem>> -> memref<1x32x128xf32, #tpu.memory_space<vmem>>
      %dma_start3A_144 = tpu.memref_squeeze %dma_start3A_143 : memref<1x32x128xf32, #tpu.memory_space<vmem>> -> memref<32x128xf32, #tpu.memory_space<vmem>>
      %dma_start3A_145 = arith.constant 0 : i32
      %dma_start3A_146 = tpu.memref_slice %arg4[%dma_start3A_145, %multiple_of3A_133] : memref<32x1000000xf32, #tpu.memory_space<hbm>> -> memref<32x128xf32, #tpu.memory_space<hbm>>
      tpu.enqueue_dma source(%dma_start3A_146 : memref<32x128xf32, #tpu.memory_space<hbm>>) target(%dma_start3A_144 : memref<32x128xf32, #tpu.memory_space<vmem>>) target_semaphore(%arg16 : memref<!tpu.dma_semaphore, #tpu.memory_space<semaphore_mem>>)
      %slice3A_147 = vector.extract_strided_slice %shift_right_logical3A_93 {offsets = [3], sizes = [1], strides = [1]} : vector<16xi32> to vector<1xi32>
      %squeeze3A_148 = vector.extract %slice3A_147[0] : i32 from vector<1xi32>
      %mul3A_149 = arith.constant 128 : i32
      %mul3A_150 = arith.muli %squeeze3A_148, %mul3A_149 : i32
      %multiple_of3A_151 = tpu.assume_multiple %mul3A_150, 128 : i32
      %dma_start3A_152 = arith.constant 3 : i32
      %dma_start3A_153 = arith.constant 0 : i32
      %dma_start3A_154 = arith.constant 0 : i32
      %dma_start3A_155 = tpu.memref_slice %arg11[%dma_start3A_152, %dma_start3A_153, %dma_start3A_154] : memref<16x32x128xf32, #tpu.memory_space<vmem>> -> memref<1x32x128xf32, #tpu.memory_space<vmem>>
      %dma_start3A_156 = tpu.memref_squeeze %dma_start3A_155 : memref<1x32x128xf32, #tpu.memory_space<vmem>> -> memref<32x128xf32, #tpu.memory_space<vmem>>
      %dma_start3A_157 = arith.constant 0 : i32
      %dma_start3A_158 = tpu.memref_slice %arg4[%dma_start3A_157, %multiple_of3A_151] : memref<32x1000000xf32, #tpu.memory_space<hbm>> -> memref<32x128xf32, #tpu.memory_space<hbm>>
      %dma_start3A_159 = arith.constant 0 : i32
      %dma_start3A_160 = arith.constant 0 : i32
      %dma_start3A_161 = tpu.memref_slice %arg11[%dma_start3A_152, %dma_start3A_159, %dma_start3A_160] : memref<16x32x128xf32, #tpu.memory_space<vmem>> -> memref<1x32x128xf32, #tpu.memory_space<vmem>>
      %dma_start3A_162 = tpu.memref_squeeze %dma_start3A_161 : memref<1x32x128xf32, #tpu.memory_space<vmem>> -> memref<32x128xf32, #tpu.memory_space<vmem>>
      %dma_start3A_163 = arith.constant 0 : i32
      %dma_start3A_164 = tpu.memref_slice %arg4[%dma_start3A_163, %multiple_of3A_151] : memref<32x1000000xf32, #tpu.memory_space<hbm>> -> memref<32x128xf32, #tpu.memory_space<hbm>>
      tpu.enqueue_dma source(%dma_start3A_164 : memref<32x128xf32, #tpu.memory_space<hbm>>) target(%dma_start3A_162 : memref<32x128xf32, #tpu.memory_space<vmem>>) target_semaphore(%arg16 : memref<!tpu.dma_semaphore, #tpu.memory_space<semaphore_mem>>)
      %slice3A_165 = vector.extract_strided_slice %shift_right_logical3A_93 {offsets = [4], sizes = [1], strides = [1]} : vector<16xi32> to vector<1xi32>
      %squeeze3A_166 = vector.extract %slice3A_165[0] : i32 from vector<1xi32>
      %mul3A_167 = arith.constant 128 : i32
      %mul3A_168 = arith.muli %squeeze3A_166, %mul3A_167 : i32
      %multiple_of3A_169 = tpu.assume_multiple %mul3A_168, 128 : i32
      %dma_start3A_170 = arith.constant 4 : i32
      %dma_start3A_171 = arith.constant 0 : i32
      %dma_start3A_172 = arith.constant 0 : i32
      %dma_start3A_173 = tpu.memref_slice %arg11[%dma_start3A_170, %dma_start3A_171, %dma_start3A_172] : memref<16x32x128xf32, #tpu.memory_space<vmem>> -> memref<1x32x128xf32, #tpu.memory_space<vmem>>
      %dma_start3A_174 = tpu.memref_squeeze %dma_start3A_173 : memref<1x32x128xf32, #tpu.memory_space<vmem>> -> memref<32x128xf32, #tpu.memory_space<vmem>>
      %dma_start3A_175 = arith.constant 0 : i32
      %dma_start3A_176 = tpu.memref_slice %arg4[%dma_start3A_175, %multiple_of3A_169] : memref<32x1000000xf32, #tpu.memory_space<hbm>> -> memref<32x128xf32, #tpu.memory_space<hbm>>
      %dma_start3A_177 = arith.constant 0 : i32
      %dma_start3A_178 = arith.constant 0 : i32
      %dma_start3A_179 = tpu.memref_slice %arg11[%dma_start3A_170, %dma_start3A_177, %dma_start3A_178] : memref<16x32x128xf32, #tpu.memory_space<vmem>> -> memref<1x32x128xf32, #tpu.memory_space<vmem>>
      %dma_start3A_180 = tpu.memref_squeeze %dma_start3A_179 : memref<1x32x128xf32, #tpu.memory_space<vmem>> -> memref<32x128xf32, #tpu.memory_space<vmem>>
      %dma_start3A_181 = arith.constant 0 : i32
      %dma_start3A_182 = tpu.memref_slice %arg4[%dma_start3A_181, %multiple_of3A_169] : memref<32x1000000xf32, #tpu.memory_space<hbm>> -> memref<32x128xf32, #tpu.memory_space<hbm>>
      tpu.enqueue_dma source(%dma_start3A_182 : memref<32x128xf32, #tpu.memory_space<hbm>>) target(%dma_start3A_180 : memref<32x128xf32, #tpu.memory_space<vmem>>) target_semaphore(%arg16 : memref<!tpu.dma_semaphore, #tpu.memory_space<semaphore_mem>>)
      %slice3A_183 = vector.extract_strided_slice %shift_right_logical3A_93 {offsets = [5], sizes = [1], strides = [1]} : vector<16xi32> to vector<1xi32>
      %squeeze3A_184 = vector.extract %slice3A_183[0] : i32 from vector<1xi32>
      %mul3A_185 = arith.constant 128 : i32
      %mul3A_186 = arith.muli %squeeze3A_184, %mul3A_185 : i32
      %multiple_of3A_187 = tpu.assume_multiple %mul3A_186, 128 : i32
      %dma_start3A_188 = arith.constant 5 : i32
      %dma_start3A_189 = arith.constant 0 : i32
      %dma_start3A_190 = arith.constant 0 : i32
      %dma_start3A_191 = tpu.memref_slice %arg11[%dma_start3A_188, %dma_start3A_189, %dma_start3A_190] : memref<16x32x128xf32, #tpu.memory_space<vmem>> -> memref<1x32x128xf32, #tpu.memory_space<vmem>>
      %dma_start3A_192 = tpu.memref_squeeze %dma_start3A_191 : memref<1x32x128xf32, #tpu.memory_space<vmem>> -> memref<32x128xf32, #tpu.memory_space<vmem>>
      %dma_start3A_193 = arith.constant 0 : i32
      %dma_start3A_194 = tpu.memref_slice %arg4[%dma_start3A_193, %multiple_of3A_187] : memref<32x1000000xf32, #tpu.memory_space<hbm>> -> memref<32x128xf32, #tpu.memory_space<hbm>>
      %dma_start3A_195 = arith.constant 0 : i32
      %dma_start3A_196 = arith.constant 0 : i32
      %dma_start3A_197 = tpu.memref_slice %arg11[%dma_start3A_188, %dma_start3A_195, %dma_start3A_196] : memref<16x32x128xf32, #tpu.memory_space<vmem>> -> memref<1x32x128xf32, #tpu.memory_space<vmem>>
      %dma_start3A_198 = tpu.memref_squeeze %dma_start3A_197 : memref<1x32x128xf32, #tpu.memory_space<vmem>> -> memref<32x128xf32, #tpu.memory_space<vmem>>
      %dma_start3A_199 = arith.constant 0 : i32
      %dma_start3A_200 = tpu.memref_slice %arg4[%dma_start3A_199, %multiple_of3A_187] : memref<32x1000000xf32, #tpu.memory_space<hbm>> -> memref<32x128xf32, #tpu.memory_space<hbm>>
      tpu.enqueue_dma source(%dma_start3A_200 : memref<32x128xf32, #tpu.memory_space<hbm>>) target(%dma_start3A_198 : memref<32x128xf32, #tpu.memory_space<vmem>>) target_semaphore(%arg16 : memref<!tpu.dma_semaphore, #tpu.memory_space<semaphore_mem>>)
      %slice3A_201 = vector.extract_strided_slice %shift_right_logical3A_93 {offsets = [6], sizes = [1], strides = [1]} : vector<16xi32> to vector<1xi32>
      %squeeze3A_202 = vector.extract %slice3A_201[0] : i32 from vector<1xi32>
      %mul3A_203 = arith.constant 128 : i32
      %mul3A_204 = arith.muli %squeeze3A_202, %mul3A_203 : i32
      %multiple_of3A_205 = tpu.assume_multiple %mul3A_204, 128 : i32
      %dma_start3A_206 = arith.constant 6 : i32
      %dma_start3A_207 = arith.constant 0 : i32
      %dma_start3A_208 = arith.constant 0 : i32
      %dma_start3A_209 = tpu.memref_slice %arg11[%dma_start3A_206, %dma_start3A_207, %dma_start3A_208] : memref<16x32x128xf32, #tpu.memory_space<vmem>> -> memref<1x32x128xf32, #tpu.memory_space<vmem>>
      %dma_start3A_210 = tpu.memref_squeeze %dma_start3A_209 : memref<1x32x128xf32, #tpu.memory_space<vmem>> -> memref<32x128xf32, #tpu.memory_space<vmem>>
      %dma_start3A_211 = arith.constant 0 : i32
      %dma_start3A_212 = tpu.memref_slice %arg4[%dma_start3A_211, %multiple_of3A_205] : memref<32x1000000xf32, #tpu.memory_space<hbm>> -> memref<32x128xf32, #tpu.memory_space<hbm>>
      %dma_start3A_213 = arith.constant 0 : i32
      %dma_start3A_214 = arith.constant 0 : i32
      %dma_start3A_215 = tpu.memref_slice %arg11[%dma_start3A_206, %dma_start3A_213, %dma_start3A_214] : memref<16x32x128xf32, #tpu.memory_space<vmem>> -> memref<1x32x128xf32, #tpu.memory_space<vmem>>
      %dma_start3A_216 = tpu.memref_squeeze %dma_start3A_215 : memref<1x32x128xf32, #tpu.memory_space<vmem>> -> memref<32x128xf32, #tpu.memory_space<vmem>>
      %dma_start3A_217 = arith.constant 0 : i32
      %dma_start3A_218 = tpu.memref_slice %arg4[%dma_start3A_217, %multiple_of3A_205] : memref<32x1000000xf32, #tpu.memory_space<hbm>> -> memref<32x128xf32, #tpu.memory_space<hbm>>
      tpu.enqueue_dma source(%dma_start3A_218 : memref<32x128xf32, #tpu.memory_space<hbm>>) target(%dma_start3A_216 : memref<32x128xf32, #tpu.memory_space<vmem>>) target_semaphore(%arg16 : memref<!tpu.dma_semaphore, #tpu.memory_space<semaphore_mem>>)
      %slice3A_219 = vector.extract_strided_slice %shift_right_logical3A_93 {offsets = [7], sizes = [1], strides = [1]} : vector<16xi32> to vector<1xi32>
      %squeeze3A_220 = vector.extract %slice3A_219[0] : i32 from vector<1xi32>
      %mul3A_221 = arith.constant 128 : i32
      %mul3A_222 = arith.muli %squeeze3A_220, %mul3A_221 : i32
      %multiple_of3A_223 = tpu.assume_multiple %mul3A_222, 128 : i32
      %dma_start3A_224 = arith.constant 7 : i32
      %dma_start3A_225 = arith.constant 0 : i32
      %dma_start3A_226 = arith.constant 0 : i32
      %dma_start3A_227 = tpu.memref_slice %arg11[%dma_start3A_224, %dma_start3A_225, %dma_start3A_226] : memref<16x32x128xf32, #tpu.memory_space<vmem>> -> memref<1x32x128xf32, #tpu.memory_space<vmem>>
      %dma_start3A_228 = tpu.memref_squeeze %dma_start3A_227 : memref<1x32x128xf32, #tpu.memory_space<vmem>> -> memref<32x128xf32, #tpu.memory_space<vmem>>
      %dma_start3A_229 = arith.constant 0 : i32
      %dma_start3A_230 = tpu.memref_slice %arg4[%dma_start3A_229, %multiple_of3A_223] : memref<32x1000000xf32, #tpu.memory_space<hbm>> -> memref<32x128xf32, #tpu.memory_space<hbm>>
      %dma_start3A_231 = arith.constant 0 : i32
      %dma_start3A_232 = arith.constant 0 : i32
      %dma_start3A_233 = tpu.memref_slice %arg11[%dma_start3A_224, %dma_start3A_231, %dma_start3A_232] : memref<16x32x128xf32, #tpu.memory_space<vmem>> -> memref<1x32x128xf32, #tpu.memory_space<vmem>>
      %dma_start3A_234 = tpu.memref_squeeze %dma_start3A_233 : memref<1x32x128xf32, #tpu.memory_space<vmem>> -> memref<32x128xf32, #tpu.memory_space<vmem>>
      %dma_start3A_235 = arith.constant 0 : i32
      %dma_start3A_236 = tpu.memref_slice %arg4[%dma_start3A_235, %multiple_of3A_223] : memref<32x1000000xf32, #tpu.memory_space<hbm>> -> memref<32x128xf32, #tpu.memory_space<hbm>>
      tpu.enqueue_dma source(%dma_start3A_236 : memref<32x128xf32, #tpu.memory_space<hbm>>) target(%dma_start3A_234 : memref<32x128xf32, #tpu.memory_space<vmem>>) target_semaphore(%arg16 : memref<!tpu.dma_semaphore, #tpu.memory_space<semaphore_mem>>)
      %slice3A_237 = vector.extract_strided_slice %shift_right_logical3A_93 {offsets = [8], sizes = [1], strides = [1]} : vector<16xi32> to vector<1xi32>
      %squeeze3A_238 = vector.extract %slice3A_237[0] : i32 from vector<1xi32>
      %mul3A_239 = arith.constant 128 : i32
      %mul3A_240 = arith.muli %squeeze3A_238, %mul3A_239 : i32
      %multiple_of3A_241 = tpu.assume_multiple %mul3A_240, 128 : i32
      %dma_start3A_242 = arith.constant 8 : i32
      %dma_start3A_243 = arith.constant 0 : i32
      %dma_start3A_244 = arith.constant 0 : i32
      %dma_start3A_245 = tpu.memref_slice %arg11[%dma_start3A_242, %dma_start3A_243, %dma_start3A_244] : memref<16x32x128xf32, #tpu.memory_space<vmem>> -> memref<1x32x128xf32, #tpu.memory_space<vmem>>
      %dma_start3A_246 = tpu.memref_squeeze %dma_start3A_245 : memref<1x32x128xf32, #tpu.memory_space<vmem>> -> memref<32x128xf32, #tpu.memory_space<vmem>>
      %dma_start3A_247 = arith.constant 0 : i32
      %dma_start3A_248 = tpu.memref_slice %arg4[%dma_start3A_247, %multiple_of3A_241] : memref<32x1000000xf32, #tpu.memory_space<hbm>> -> memref<32x128xf32, #tpu.memory_space<hbm>>
      %dma_start3A_249 = arith.constant 0 : i32
      %dma_start3A_250 = arith.constant 0 : i32
      %dma_start3A_251 = tpu.memref_slice %arg11[%dma_start3A_242, %dma_start3A_249, %dma_start3A_250] : memref<16x32x128xf32, #tpu.memory_space<vmem>> -> memref<1x32x128xf32, #tpu.memory_space<vmem>>
      %dma_start3A_252 = tpu.memref_squeeze %dma_start3A_251 : memref<1x32x128xf32, #tpu.memory_space<vmem>> -> memref<32x128xf32, #tpu.memory_space<vmem>>
      %dma_start3A_253 = arith.constant 0 : i32
      %dma_start3A_254 = tpu.memref_slice %arg4[%dma_start3A_253, %multiple_of3A_241] : memref<32x1000000xf32, #tpu.memory_space<hbm>> -> memref<32x128xf32, #tpu.memory_space<hbm>>
      tpu.enqueue_dma source(%dma_start3A_254 : memref<32x128xf32, #tpu.memory_space<hbm>>) target(%dma_start3A_252 : memref<32x128xf32, #tpu.memory_space<vmem>>) target_semaphore(%arg16 : memref<!tpu.dma_semaphore, #tpu.memory_space<semaphore_mem>>)
      %slice3A_255 = vector.extract_strided_slice %shift_right_logical3A_93 {offsets = [9], sizes = [1], strides = [1]} : vector<16xi32> to vector<1xi32>
      %squeeze3A_256 = vector.extract %slice3A_255[0] : i32 from vector<1xi32>
      %mul3A_257 = arith.constant 128 : i32
      %mul3A_258 = arith.muli %squeeze3A_256, %mul3A_257 : i32
      %multiple_of3A_259 = tpu.assume_multiple %mul3A_258, 128 : i32
      %dma_start3A_260 = arith.constant 9 : i32
      %dma_start3A_261 = arith.constant 0 : i32
      %dma_start3A_262 = arith.constant 0 : i32
      %dma_start3A_263 = tpu.memref_slice %arg11[%dma_start3A_260, %dma_start3A_261, %dma_start3A_262] : memref<16x32x128xf32, #tpu.memory_space<vmem>> -> memref<1x32x128xf32, #tpu.memory_space<vmem>>
      %dma_start3A_264 = tpu.memref_squeeze %dma_start3A_263 : memref<1x32x128xf32, #tpu.memory_space<vmem>> -> memref<32x128xf32, #tpu.memory_space<vmem>>
      %dma_start3A_265 = arith.constant 0 : i32
      %dma_start3A_266 = tpu.memref_slice %arg4[%dma_start3A_265, %multiple_of3A_259] : memref<32x1000000xf32, #tpu.memory_space<hbm>> -> memref<32x128xf32, #tpu.memory_space<hbm>>
      %dma_start3A_267 = arith.constant 0 : i32
      %dma_start3A_268 = arith.constant 0 : i32
      %dma_start3A_269 = tpu.memref_slice %arg11[%dma_start3A_260, %dma_start3A_267, %dma_start3A_268] : memref<16x32x128xf32, #tpu.memory_space<vmem>> -> memref<1x32x128xf32, #tpu.memory_space<vmem>>
      %dma_start3A_270 = tpu.memref_squeeze %dma_start3A_269 : memref<1x32x128xf32, #tpu.memory_space<vmem>> -> memref<32x128xf32, #tpu.memory_space<vmem>>
      %dma_start3A_271 = arith.constant 0 : i32
      %dma_start3A_272 = tpu.memref_slice %arg4[%dma_start3A_271, %multiple_of3A_259] : memref<32x1000000xf32, #tpu.memory_space<hbm>> -> memref<32x128xf32, #tpu.memory_space<hbm>>
      tpu.enqueue_dma source(%dma_start3A_272 : memref<32x128xf32, #tpu.memory_space<hbm>>) target(%dma_start3A_270 : memref<32x128xf32, #tpu.memory_space<vmem>>) target_semaphore(%arg16 : memref<!tpu.dma_semaphore, #tpu.memory_space<semaphore_mem>>)
      %slice3A_273 = vector.extract_strided_slice %shift_right_logical3A_93 {offsets = [10], sizes = [1], strides = [1]} : vector<16xi32> to vector<1xi32>
      %squeeze3A_274 = vector.extract %slice3A_273[0] : i32 from vector<1xi32>
      %mul3A_275 = arith.constant 128 : i32
      %mul3A_276 = arith.muli %squeeze3A_274, %mul3A_275 : i32
      %multiple_of3A_277 = tpu.assume_multiple %mul3A_276, 128 : i32
      %dma_start3A_278 = arith.constant 10 : i32
      %dma_start3A_279 = arith.constant 0 : i32
      %dma_start3A_280 = arith.constant 0 : i32
      %dma_start3A_281 = tpu.memref_slice %arg11[%dma_start3A_278, %dma_start3A_279, %dma_start3A_280] : memref<16x32x128xf32, #tpu.memory_space<vmem>> -> memref<1x32x128xf32, #tpu.memory_space<vmem>>
      %dma_start3A_282 = tpu.memref_squeeze %dma_start3A_281 : memref<1x32x128xf32, #tpu.memory_space<vmem>> -> memref<32x128xf32, #tpu.memory_space<vmem>>
      %dma_start3A_283 = arith.constant 0 : i32
      %dma_start3A_284 = tpu.memref_slice %arg4[%dma_start3A_283, %multiple_of3A_277] : memref<32x1000000xf32, #tpu.memory_space<hbm>> -> memref<32x128xf32, #tpu.memory_space<hbm>>
      %dma_start3A_285 = arith.constant 0 : i32
      %dma_start3A_286 = arith.constant 0 : i32
      %dma_start3A_287 = tpu.memref_slice %arg11[%dma_start3A_278, %dma_start3A_285, %dma_start3A_286] : memref<16x32x128xf32, #tpu.memory_space<vmem>> -> memref<1x32x128xf32, #tpu.memory_space<vmem>>
      %dma_start3A_288 = tpu.memref_squeeze %dma_start3A_287 : memref<1x32x128xf32, #tpu.memory_space<vmem>> -> memref<32x128xf32, #tpu.memory_space<vmem>>
      %dma_start3A_289 = arith.constant 0 : i32
      %dma_start3A_290 = tpu.memref_slice %arg4[%dma_start3A_289, %multiple_of3A_277] : memref<32x1000000xf32, #tpu.memory_space<hbm>> -> memref<32x128xf32, #tpu.memory_space<hbm>>
      tpu.enqueue_dma source(%dma_start3A_290 : memref<32x128xf32, #tpu.memory_space<hbm>>) target(%dma_start3A_288 : memref<32x128xf32, #tpu.memory_space<vmem>>) target_semaphore(%arg16 : memref<!tpu.dma_semaphore, #tpu.memory_space<semaphore_mem>>)
      %slice3A_291 = vector.extract_strided_slice %shift_right_logical3A_93 {offsets = [11], sizes = [1], strides = [1]} : vector<16xi32> to vector<1xi32>
      %squeeze3A_292 = vector.extract %slice3A_291[0] : i32 from vector<1xi32>
      %mul3A_293 = arith.constant 128 : i32
      %mul3A_294 = arith.muli %squeeze3A_292, %mul3A_293 : i32
      %multiple_of3A_295 = tpu.assume_multiple %mul3A_294, 128 : i32
      %dma_start3A_296 = arith.constant 11 : i32
      %dma_start3A_297 = arith.constant 0 : i32
      %dma_start3A_298 = arith.constant 0 : i32
      %dma_start3A_299 = tpu.memref_slice %arg11[%dma_start3A_296, %dma_start3A_297, %dma_start3A_298] : memref<16x32x128xf32, #tpu.memory_space<vmem>> -> memref<1x32x128xf32, #tpu.memory_space<vmem>>
      %dma_start3A_300 = tpu.memref_squeeze %dma_start3A_299 : memref<1x32x128xf32, #tpu.memory_space<vmem>> -> memref<32x128xf32, #tpu.memory_space<vmem>>
      %dma_start3A_301 = arith.constant 0 : i32
      %dma_start3A_302 = tpu.memref_slice %arg4[%dma_start3A_301, %multiple_of3A_295] : memref<32x1000000xf32, #tpu.memory_space<hbm>> -> memref<32x128xf32, #tpu.memory_space<hbm>>
      %dma_start3A_303 = arith.constant 0 : i32
      %dma_start3A_304 = arith.constant 0 : i32
      %dma_start3A_305 = tpu.memref_slice %arg11[%dma_start3A_296, %dma_start3A_303, %dma_start3A_304] : memref<16x32x128xf32, #tpu.memory_space<vmem>> -> memref<1x32x128xf32, #tpu.memory_space<vmem>>
      %dma_start3A_306 = tpu.memref_squeeze %dma_start3A_305 : memref<1x32x128xf32, #tpu.memory_space<vmem>> -> memref<32x128xf32, #tpu.memory_space<vmem>>
      %dma_start3A_307 = arith.constant 0 : i32
      %dma_start3A_308 = tpu.memref_slice %arg4[%dma_start3A_307, %multiple_of3A_295] : memref<32x1000000xf32, #tpu.memory_space<hbm>> -> memref<32x128xf32, #tpu.memory_space<hbm>>
      tpu.enqueue_dma source(%dma_start3A_308 : memref<32x128xf32, #tpu.memory_space<hbm>>) target(%dma_start3A_306 : memref<32x128xf32, #tpu.memory_space<vmem>>) target_semaphore(%arg16 : memref<!tpu.dma_semaphore, #tpu.memory_space<semaphore_mem>>)
      %slice3A_309 = vector.extract_strided_slice %shift_right_logical3A_93 {offsets = [12], sizes = [1], strides = [1]} : vector<16xi32> to vector<1xi32>
      %squeeze3A_310 = vector.extract %slice3A_309[0] : i32 from vector<1xi32>
      %mul3A_311 = arith.constant 128 : i32
      %mul3A_312 = arith.muli %squeeze3A_310, %mul3A_311 : i32
      %multiple_of3A_313 = tpu.assume_multiple %mul3A_312, 128 : i32
      %dma_start3A_314 = arith.constant 12 : i32
      %dma_start3A_315 = arith.constant 0 : i32
      %dma_start3A_316 = arith.constant 0 : i32
      %dma_start3A_317 = tpu.memref_slice %arg11[%dma_start3A_314, %dma_start3A_315, %dma_start3A_316] : memref<16x32x128xf32, #tpu.memory_space<vmem>> -> memref<1x32x128xf32, #tpu.memory_space<vmem>>
      %dma_start3A_318 = tpu.memref_squeeze %dma_start3A_317 : memref<1x32x128xf32, #tpu.memory_space<vmem>> -> memref<32x128xf32, #tpu.memory_space<vmem>>
      %dma_start3A_319 = arith.constant 0 : i32
      %dma_start3A_320 = tpu.memref_slice %arg4[%dma_start3A_319, %multiple_of3A_313] : memref<32x1000000xf32, #tpu.memory_space<hbm>> -> memref<32x128xf32, #tpu.memory_space<hbm>>
      %dma_start3A_321 = arith.constant 0 : i32
      %dma_start3A_322 = arith.constant 0 : i32
      %dma_start3A_323 = tpu.memref_slice %arg11[%dma_start3A_314, %dma_start3A_321, %dma_start3A_322] : memref<16x32x128xf32, #tpu.memory_space<vmem>> -> memref<1x32x128xf32, #tpu.memory_space<vmem>>
      %dma_start3A_324 = tpu.memref_squeeze %dma_start3A_323 : memref<1x32x128xf32, #tpu.memory_space<vmem>> -> memref<32x128xf32, #tpu.memory_space<vmem>>
      %dma_start3A_325 = arith.constant 0 : i32
      %dma_start3A_326 = tpu.memref_slice %arg4[%dma_start3A_325, %multiple_of3A_313] : memref<32x1000000xf32, #tpu.memory_space<hbm>> -> memref<32x128xf32, #tpu.memory_space<hbm>>
      tpu.enqueue_dma source(%dma_start3A_326 : memref<32x128xf32, #tpu.memory_space<hbm>>) target(%dma_start3A_324 : memref<32x128xf32, #tpu.memory_space<vmem>>) target_semaphore(%arg16 : memref<!tpu.dma_semaphore, #tpu.memory_space<semaphore_mem>>)
      %slice3A_327 = vector.extract_strided_slice %shift_right_logical3A_93 {offsets = [13], sizes = [1], strides = [1]} : vector<16xi32> to vector<1xi32>
      %squeeze3A_328 = vector.extract %slice3A_327[0] : i32 from vector<1xi32>
      %mul3A_329 = arith.constant 128 : i32
      %mul3A_330 = arith.muli %squeeze3A_328, %mul3A_329 : i32
      %multiple_of3A_331 = tpu.assume_multiple %mul3A_330, 128 : i32
      %dma_start3A_332 = arith.constant 13 : i32
      %dma_start3A_333 = arith.constant 0 : i32
      %dma_start3A_334 = arith.constant 0 : i32
      %dma_start3A_335 = tpu.memref_slice %arg11[%dma_start3A_332, %dma_start3A_333, %dma_start3A_334] : memref<16x32x128xf32, #tpu.memory_space<vmem>> -> memref<1x32x128xf32, #tpu.memory_space<vmem>>
      %dma_start3A_336 = tpu.memref_squeeze %dma_start3A_335 : memref<1x32x128xf32, #tpu.memory_space<vmem>> -> memref<32x128xf32, #tpu.memory_space<vmem>>
      %dma_start3A_337 = arith.constant 0 : i32
      %dma_start3A_338 = tpu.memref_slice %arg4[%dma_start3A_337, %multiple_of3A_331] : memref<32x1000000xf32, #tpu.memory_space<hbm>> -> memref<32x128xf32, #tpu.memory_space<hbm>>
      %dma_start3A_339 = arith.constant 0 : i32
      %dma_start3A_340 = arith.constant 0 : i32
      %dma_start3A_341 = tpu.memref_slice %arg11[%dma_start3A_332, %dma_start3A_339, %dma_start3A_340] : memref<16x32x128xf32, #tpu.memory_space<vmem>> -> memref<1x32x128xf32, #tpu.memory_space<vmem>>
      %dma_start3A_342 = tpu.memref_squeeze %dma_start3A_341 : memref<1x32x128xf32, #tpu.memory_space<vmem>> -> memref<32x128xf32, #tpu.memory_space<vmem>>
      %dma_start3A_343 = arith.constant 0 : i32
      %dma_start3A_344 = tpu.memref_slice %arg4[%dma_start3A_343, %multiple_of3A_331] : memref<32x1000000xf32, #tpu.memory_space<hbm>> -> memref<32x128xf32, #tpu.memory_space<hbm>>
      tpu.enqueue_dma source(%dma_start3A_344 : memref<32x128xf32, #tpu.memory_space<hbm>>) target(%dma_start3A_342 : memref<32x128xf32, #tpu.memory_space<vmem>>) target_semaphore(%arg16 : memref<!tpu.dma_semaphore, #tpu.memory_space<semaphore_mem>>)
      %slice3A_345 = vector.extract_strided_slice %shift_right_logical3A_93 {offsets = [14], sizes = [1], strides = [1]} : vector<16xi32> to vector<1xi32>
      %squeeze3A_346 = vector.extract %slice3A_345[0] : i32 from vector<1xi32>
      %mul3A_347 = arith.constant 128 : i32
      %mul3A_348 = arith.muli %squeeze3A_346, %mul3A_347 : i32
      %multiple_of3A_349 = tpu.assume_multiple %mul3A_348, 128 : i32
      %dma_start3A_350 = arith.constant 14 : i32
      %dma_start3A_351 = arith.constant 0 : i32
      %dma_start3A_352 = arith.constant 0 : i32
      %dma_start3A_353 = tpu.memref_slice %arg11[%dma_start3A_350, %dma_start3A_351, %dma_start3A_352] : memref<16x32x128xf32, #tpu.memory_space<vmem>> -> memref<1x32x128xf32, #tpu.memory_space<vmem>>
      %dma_start3A_354 = tpu.memref_squeeze %dma_start3A_353 : memref<1x32x128xf32, #tpu.memory_space<vmem>> -> memref<32x128xf32, #tpu.memory_space<vmem>>
      %dma_start3A_355 = arith.constant 0 : i32
      %dma_start3A_356 = tpu.memref_slice %arg4[%dma_start3A_355, %multiple_of3A_349] : memref<32x1000000xf32, #tpu.memory_space<hbm>> -> memref<32x128xf32, #tpu.memory_space<hbm>>
      %dma_start3A_357 = arith.constant 0 : i32
      %dma_start3A_358 = arith.constant 0 : i32
      %dma_start3A_359 = tpu.memref_slice %arg11[%dma_start3A_350, %dma_start3A_357, %dma_start3A_358] : memref<16x32x128xf32, #tpu.memory_space<vmem>> -> memref<1x32x128xf32, #tpu.memory_space<vmem>>
      %dma_start3A_360 = tpu.memref_squeeze %dma_start3A_359 : memref<1x32x128xf32, #tpu.memory_space<vmem>> -> memref<32x128xf32, #tpu.memory_space<vmem>>
      %dma_start3A_361 = arith.constant 0 : i32
      %dma_start3A_362 = tpu.memref_slice %arg4[%dma_start3A_361, %multiple_of3A_349] : memref<32x1000000xf32, #tpu.memory_space<hbm>> -> memref<32x128xf32, #tpu.memory_space<hbm>>
      tpu.enqueue_dma source(%dma_start3A_362 : memref<32x128xf32, #tpu.memory_space<hbm>>) target(%dma_start3A_360 : memref<32x128xf32, #tpu.memory_space<vmem>>) target_semaphore(%arg16 : memref<!tpu.dma_semaphore, #tpu.memory_space<semaphore_mem>>)
      %slice3A_363 = vector.extract_strided_slice %shift_right_logical3A_93 {offsets = [15], sizes = [1], strides = [1]} : vector<16xi32> to vector<1xi32>
      %squeeze3A_364 = vector.extract %slice3A_363[0] : i32 from vector<1xi32>
      %mul3A_365 = arith.constant 128 : i32
      %mul3A_366 = arith.muli %squeeze3A_364, %mul3A_365 : i32
      %multiple_of3A_367 = tpu.assume_multiple %mul3A_366, 128 : i32
      %dma_start3A_368 = arith.constant 15 : i32
      %dma_start3A_369 = arith.constant 0 : i32
      %dma_start3A_370 = arith.constant 0 : i32
      %dma_start3A_371 = tpu.memref_slice %arg11[%dma_start3A_368, %dma_start3A_369, %dma_start3A_370] : memref<16x32x128xf32, #tpu.memory_space<vmem>> -> memref<1x32x128xf32, #tpu.memory_space<vmem>>
      %dma_start3A_372 = tpu.memref_squeeze %dma_start3A_371 : memref<1x32x128xf32, #tpu.memory_space<vmem>> -> memref<32x128xf32, #tpu.memory_space<vmem>>
      %dma_start3A_373 = arith.constant 0 : i32
      %dma_start3A_374 = tpu.memref_slice %arg4[%dma_start3A_373, %multiple_of3A_367] : memref<32x1000000xf32, #tpu.memory_space<hbm>> -> memref<32x128xf32, #tpu.memory_space<hbm>>
      %dma_start3A_375 = arith.constant 0 : i32
      %dma_start3A_376 = arith.constant 0 : i32
      %dma_start3A_377 = tpu.memref_slice %arg11[%dma_start3A_368, %dma_start3A_375, %dma_start3A_376] : memref<16x32x128xf32, #tpu.memory_space<vmem>> -> memref<1x32x128xf32, #tpu.memory_space<vmem>>
      %dma_start3A_378 = tpu.memref_squeeze %dma_start3A_377 : memref<1x32x128xf32, #tpu.memory_space<vmem>> -> memref<32x128xf32, #tpu.memory_space<vmem>>
      %dma_start3A_379 = arith.constant 0 : i32
      %dma_start3A_380 = tpu.memref_slice %arg4[%dma_start3A_379, %multiple_of3A_367] : memref<32x1000000xf32, #tpu.memory_space<hbm>> -> memref<32x128xf32, #tpu.memory_space<hbm>>
      tpu.enqueue_dma source(%dma_start3A_380 : memref<32x128xf32, #tpu.memory_space<hbm>>) target(%dma_start3A_378 : memref<32x128xf32, #tpu.memory_space<vmem>>) target_semaphore(%arg16 : memref<!tpu.dma_semaphore, #tpu.memory_space<semaphore_mem>>)
      %dma_wait3A = arith.constant 0 : i32
      %dma_wait3A_381 = arith.constant 0 : i32
      %dma_wait3A_382 = arith.constant 0 : i32
      %dma_wait3A_383 = tpu.memref_slice %arg11[%dma_wait3A, %dma_wait3A_381, %dma_wait3A_382] : memref<16x32x128xf32, #tpu.memory_space<vmem>> -> memref<1x32x128xf32, #tpu.memory_space<vmem>>
      %dma_wait3A_384 = tpu.memref_squeeze %dma_wait3A_383 : memref<1x32x128xf32, #tpu.memory_space<vmem>> -> memref<32x128xf32, #tpu.memory_space<vmem>>
      %dma_wait3A_385 = arith.constant 0 : i32
      %dma_wait3A_386 = tpu.memref_slice %arg4[%dma_wait3A_385, %multiple_of3A_98] : memref<32x1000000xf32, #tpu.memory_space<hbm>> -> memref<32x128xf32, #tpu.memory_space<hbm>>
      %dma_wait3A_387 = arith.constant 0 : i32
      %dma_wait3A_388 = arith.constant 0 : i32
      %dma_wait3A_389 = tpu.memref_slice %arg11[%dma_wait3A, %dma_wait3A_387, %dma_wait3A_388] : memref<16x32x128xf32, #tpu.memory_space<vmem>> -> memref<1x32x128xf32, #tpu.memory_space<vmem>>
      %dma_wait3A_390 = tpu.memref_squeeze %dma_wait3A_389 : memref<1x32x128xf32, #tpu.memory_space<vmem>> -> memref<32x128xf32, #tpu.memory_space<vmem>>
      %dma_wait3A_391 = arith.constant 0 : i32
      %dma_wait3A_392 = tpu.memref_slice %arg4[%dma_wait3A_391, %multiple_of3A_98] : memref<32x1000000xf32, #tpu.memory_space<hbm>> -> memref<32x128xf32, #tpu.memory_space<hbm>>
      tpu.wait_dma2 semaphore(%arg16 : memref<!tpu.dma_semaphore, #tpu.memory_space<semaphore_mem>>) src(%dma_wait3A_392 : memref<32x128xf32, #tpu.memory_space<hbm>>) dst(%dma_wait3A_390 : memref<32x128xf32, #tpu.memory_space<vmem>>)
      %dma_wait3A_393 = arith.constant 1 : i32
      %dma_wait3A_394 = arith.constant 0 : i32
      %dma_wait3A_395 = arith.constant 0 : i32
      %dma_wait3A_396 = tpu.memref_slice %arg11[%dma_wait3A_393, %dma_wait3A_394, %dma_wait3A_395] : memref<16x32x128xf32, #tpu.memory_space<vmem>> -> memref<1x32x128xf32, #tpu.memory_space<vmem>>
      %dma_wait3A_397 = tpu.memref_squeeze %dma_wait3A_396 : memref<1x32x128xf32, #tpu.memory_space<vmem>> -> memref<32x128xf32, #tpu.memory_space<vmem>>
      %dma_wait3A_398 = arith.constant 0 : i32
      %dma_wait3A_399 = tpu.memref_slice %arg4[%dma_wait3A_398, %multiple_of3A_115] : memref<32x1000000xf32, #tpu.memory_space<hbm>> -> memref<32x128xf32, #tpu.memory_space<hbm>>
      %dma_wait3A_400 = arith.constant 0 : i32
      %dma_wait3A_401 = arith.constant 0 : i32
      %dma_wait3A_402 = tpu.memref_slice %arg11[%dma_wait3A_393, %dma_wait3A_400, %dma_wait3A_401] : memref<16x32x128xf32, #tpu.memory_space<vmem>> -> memref<1x32x128xf32, #tpu.memory_space<vmem>>
      %dma_wait3A_403 = tpu.memref_squeeze %dma_wait3A_402 : memref<1x32x128xf32, #tpu.memory_space<vmem>> -> memref<32x128xf32, #tpu.memory_space<vmem>>
      %dma_wait3A_404 = arith.constant 0 : i32
      %dma_wait3A_405 = tpu.memref_slice %arg4[%dma_wait3A_404, %multiple_of3A_115] : memref<32x1000000xf32, #tpu.memory_space<hbm>> -> memref<32x128xf32, #tpu.memory_space<hbm>>
      tpu.wait_dma2 semaphore(%arg16 : memref<!tpu.dma_semaphore, #tpu.memory_space<semaphore_mem>>) src(%dma_wait3A_405 : memref<32x128xf32, #tpu.memory_space<hbm>>) dst(%dma_wait3A_403 : memref<32x128xf32, #tpu.memory_space<vmem>>)
      %dma_wait3A_406 = arith.constant 2 : i32
      %dma_wait3A_407 = arith.constant 0 : i32
      %dma_wait3A_408 = arith.constant 0 : i32
      %dma_wait3A_409 = tpu.memref_slice %arg11[%dma_wait3A_406, %dma_wait3A_407, %dma_wait3A_408] : memref<16x32x128xf32, #tpu.memory_space<vmem>> -> memref<1x32x128xf32, #tpu.memory_space<vmem>>
      %dma_wait3A_410 = tpu.memref_squeeze %dma_wait3A_409 : memref<1x32x128xf32, #tpu.memory_space<vmem>> -> memref<32x128xf32, #tpu.memory_space<vmem>>
      %dma_wait3A_411 = arith.constant 0 : i32
      %dma_wait3A_412 = tpu.memref_slice %arg4[%dma_wait3A_411, %multiple_of3A_133] : memref<32x1000000xf32, #tpu.memory_space<hbm>> -> memref<32x128xf32, #tpu.memory_space<hbm>>
      %dma_wait3A_413 = arith.constant 0 : i32
      %dma_wait3A_414 = arith.constant 0 : i32
      %dma_wait3A_415 = tpu.memref_slice %arg11[%dma_wait3A_406, %dma_wait3A_413, %dma_wait3A_414] : memref<16x32x128xf32, #tpu.memory_space<vmem>> -> memref<1x32x128xf32, #tpu.memory_space<vmem>>
      %dma_wait3A_416 = tpu.memref_squeeze %dma_wait3A_415 : memref<1x32x128xf32, #tpu.memory_space<vmem>> -> memref<32x128xf32, #tpu.memory_space<vmem>>
      %dma_wait3A_417 = arith.constant 0 : i32
      %dma_wait3A_418 = tpu.memref_slice %arg4[%dma_wait3A_417, %multiple_of3A_133] : memref<32x1000000xf32, #tpu.memory_space<hbm>> -> memref<32x128xf32, #tpu.memory_space<hbm>>
      tpu.wait_dma2 semaphore(%arg16 : memref<!tpu.dma_semaphore, #tpu.memory_space<semaphore_mem>>) src(%dma_wait3A_418 : memref<32x128xf32, #tpu.memory_space<hbm>>) dst(%dma_wait3A_416 : memref<32x128xf32, #tpu.memory_space<vmem>>)
      %dma_wait3A_419 = arith.constant 3 : i32
      %dma_wait3A_420 = arith.constant 0 : i32
      %dma_wait3A_421 = arith.constant 0 : i32
      %dma_wait3A_422 = tpu.memref_slice %arg11[%dma_wait3A_419, %dma_wait3A_420, %dma_wait3A_421] : memref<16x32x128xf32, #tpu.memory_space<vmem>> -> memref<1x32x128xf32, #tpu.memory_space<vmem>>
      %dma_wait3A_423 = tpu.memref_squeeze %dma_wait3A_422 : memref<1x32x128xf32, #tpu.memory_space<vmem>> -> memref<32x128xf32, #tpu.memory_space<vmem>>
      %dma_wait3A_424 = arith.constant 0 : i32
      %dma_wait3A_425 = tpu.memref_slice %arg4[%dma_wait3A_424, %multiple_of3A_151] : memref<32x1000000xf32, #tpu.memory_space<hbm>> -> memref<32x128xf32, #tpu.memory_space<hbm>>
      %dma_wait3A_426 = arith.constant 0 : i32
      %dma_wait3A_427 = arith.constant 0 : i32
      %dma_wait3A_428 = tpu.memref_slice %arg11[%dma_wait3A_419, %dma_wait3A_426, %dma_wait3A_427] : memref<16x32x128xf32, #tpu.memory_space<vmem>> -> memref<1x32x128xf32, #tpu.memory_space<vmem>>
      %dma_wait3A_429 = tpu.memref_squeeze %dma_wait3A_428 : memref<1x32x128xf32, #tpu.memory_space<vmem>> -> memref<32x128xf32, #tpu.memory_space<vmem>>
      %dma_wait3A_430 = arith.constant 0 : i32
      %dma_wait3A_431 = tpu.memref_slice %arg4[%dma_wait3A_430, %multiple_of3A_151] : memref<32x1000000xf32, #tpu.memory_space<hbm>> -> memref<32x128xf32, #tpu.memory_space<hbm>>
      tpu.wait_dma2 semaphore(%arg16 : memref<!tpu.dma_semaphore, #tpu.memory_space<semaphore_mem>>) src(%dma_wait3A_431 : memref<32x128xf32, #tpu.memory_space<hbm>>) dst(%dma_wait3A_429 : memref<32x128xf32, #tpu.memory_space<vmem>>)
      %dma_wait3A_432 = arith.constant 4 : i32
      %dma_wait3A_433 = arith.constant 0 : i32
      %dma_wait3A_434 = arith.constant 0 : i32
      %dma_wait3A_435 = tpu.memref_slice %arg11[%dma_wait3A_432, %dma_wait3A_433, %dma_wait3A_434] : memref<16x32x128xf32, #tpu.memory_space<vmem>> -> memref<1x32x128xf32, #tpu.memory_space<vmem>>
      %dma_wait3A_436 = tpu.memref_squeeze %dma_wait3A_435 : memref<1x32x128xf32, #tpu.memory_space<vmem>> -> memref<32x128xf32, #tpu.memory_space<vmem>>
      %dma_wait3A_437 = arith.constant 0 : i32
      %dma_wait3A_438 = tpu.memref_slice %arg4[%dma_wait3A_437, %multiple_of3A_169] : memref<32x1000000xf32, #tpu.memory_space<hbm>> -> memref<32x128xf32, #tpu.memory_space<hbm>>
      %dma_wait3A_439 = arith.constant 0 : i32
      %dma_wait3A_440 = arith.constant 0 : i32
      %dma_wait3A_441 = tpu.memref_slice %arg11[%dma_wait3A_432, %dma_wait3A_439, %dma_wait3A_440] : memref<16x32x128xf32, #tpu.memory_space<vmem>> -> memref<1x32x128xf32, #tpu.memory_space<vmem>>
      %dma_wait3A_442 = tpu.memref_squeeze %dma_wait3A_441 : memref<1x32x128xf32, #tpu.memory_space<vmem>> -> memref<32x128xf32, #tpu.memory_space<vmem>>
      %dma_wait3A_443 = arith.constant 0 : i32
      %dma_wait3A_444 = tpu.memref_slice %arg4[%dma_wait3A_443, %multiple_of3A_169] : memref<32x1000000xf32, #tpu.memory_space<hbm>> -> memref<32x128xf32, #tpu.memory_space<hbm>>
      tpu.wait_dma2 semaphore(%arg16 : memref<!tpu.dma_semaphore, #tpu.memory_space<semaphore_mem>>) src(%dma_wait3A_444 : memref<32x128xf32, #tpu.memory_space<hbm>>) dst(%dma_wait3A_442 : memref<32x128xf32, #tpu.memory_space<vmem>>)
      %dma_wait3A_445 = arith.constant 5 : i32
      %dma_wait3A_446 = arith.constant 0 : i32
      %dma_wait3A_447 = arith.constant 0 : i32
      %dma_wait3A_448 = tpu.memref_slice %arg11[%dma_wait3A_445, %dma_wait3A_446, %dma_wait3A_447] : memref<16x32x128xf32, #tpu.memory_space<vmem>> -> memref<1x32x128xf32, #tpu.memory_space<vmem>>
      %dma_wait3A_449 = tpu.memref_squeeze %dma_wait3A_448 : memref<1x32x128xf32, #tpu.memory_space<vmem>> -> memref<32x128xf32, #tpu.memory_space<vmem>>
      %dma_wait3A_450 = arith.constant 0 : i32
      %dma_wait3A_451 = tpu.memref_slice %arg4[%dma_wait3A_450, %multiple_of3A_187] : memref<32x1000000xf32, #tpu.memory_space<hbm>> -> memref<32x128xf32, #tpu.memory_space<hbm>>
      %dma_wait3A_452 = arith.constant 0 : i32
      %dma_wait3A_453 = arith.constant 0 : i32
      %dma_wait3A_454 = tpu.memref_slice %arg11[%dma_wait3A_445, %dma_wait3A_452, %dma_wait3A_453] : memref<16x32x128xf32, #tpu.memory_space<vmem>> -> memref<1x32x128xf32, #tpu.memory_space<vmem>>
      %dma_wait3A_455 = tpu.memref_squeeze %dma_wait3A_454 : memref<1x32x128xf32, #tpu.memory_space<vmem>> -> memref<32x128xf32, #tpu.memory_space<vmem>>
      %dma_wait3A_456 = arith.constant 0 : i32
      %dma_wait3A_457 = tpu.memref_slice %arg4[%dma_wait3A_456, %multiple_of3A_187] : memref<32x1000000xf32, #tpu.memory_space<hbm>> -> memref<32x128xf32, #tpu.memory_space<hbm>>
      tpu.wait_dma2 semaphore(%arg16 : memref<!tpu.dma_semaphore, #tpu.memory_space<semaphore_mem>>) src(%dma_wait3A_457 : memref<32x128xf32, #tpu.memory_space<hbm>>) dst(%dma_wait3A_455 : memref<32x128xf32, #tpu.memory_space<vmem>>)
      %dma_wait3A_458 = arith.constant 6 : i32
      %dma_wait3A_459 = arith.constant 0 : i32
      %dma_wait3A_460 = arith.constant 0 : i32
      %dma_wait3A_461 = tpu.memref_slice %arg11[%dma_wait3A_458, %dma_wait3A_459, %dma_wait3A_460] : memref<16x32x128xf32, #tpu.memory_space<vmem>> -> memref<1x32x128xf32, #tpu.memory_space<vmem>>
      %dma_wait3A_462 = tpu.memref_squeeze %dma_wait3A_461 : memref<1x32x128xf32, #tpu.memory_space<vmem>> -> memref<32x128xf32, #tpu.memory_space<vmem>>
      %dma_wait3A_463 = arith.constant 0 : i32
      %dma_wait3A_464 = tpu.memref_slice %arg4[%dma_wait3A_463, %multiple_of3A_205] : memref<32x1000000xf32, #tpu.memory_space<hbm>> -> memref<32x128xf32, #tpu.memory_space<hbm>>
      %dma_wait3A_465 = arith.constant 0 : i32
      %dma_wait3A_466 = arith.constant 0 : i32
      %dma_wait3A_467 = tpu.memref_slice %arg11[%dma_wait3A_458, %dma_wait3A_465, %dma_wait3A_466] : memref<16x32x128xf32, #tpu.memory_space<vmem>> -> memref<1x32x128xf32, #tpu.memory_space<vmem>>
      %dma_wait3A_468 = tpu.memref_squeeze %dma_wait3A_467 : memref<1x32x128xf32, #tpu.memory_space<vmem>> -> memref<32x128xf32, #tpu.memory_space<vmem>>
      %dma_wait3A_469 = arith.constant 0 : i32
      %dma_wait3A_470 = tpu.memref_slice %arg4[%dma_wait3A_469, %multiple_of3A_205] : memref<32x1000000xf32, #tpu.memory_space<hbm>> -> memref<32x128xf32, #tpu.memory_space<hbm>>
      tpu.wait_dma2 semaphore(%arg16 : memref<!tpu.dma_semaphore, #tpu.memory_space<semaphore_mem>>) src(%dma_wait3A_470 : memref<32x128xf32, #tpu.memory_space<hbm>>) dst(%dma_wait3A_468 : memref<32x128xf32, #tpu.memory_space<vmem>>)
      %dma_wait3A_471 = arith.constant 7 : i32
      %dma_wait3A_472 = arith.constant 0 : i32
      %dma_wait3A_473 = arith.constant 0 : i32
      %dma_wait3A_474 = tpu.memref_slice %arg11[%dma_wait3A_471, %dma_wait3A_472, %dma_wait3A_473] : memref<16x32x128xf32, #tpu.memory_space<vmem>> -> memref<1x32x128xf32, #tpu.memory_space<vmem>>
      %dma_wait3A_475 = tpu.memref_squeeze %dma_wait3A_474 : memref<1x32x128xf32, #tpu.memory_space<vmem>> -> memref<32x128xf32, #tpu.memory_space<vmem>>
      %dma_wait3A_476 = arith.constant 0 : i32
      %dma_wait3A_477 = tpu.memref_slice %arg4[%dma_wait3A_476, %multiple_of3A_223] : memref<32x1000000xf32, #tpu.memory_space<hbm>> -> memref<32x128xf32, #tpu.memory_space<hbm>>
      %dma_wait3A_478 = arith.constant 0 : i32
      %dma_wait3A_479 = arith.constant 0 : i32
      %dma_wait3A_480 = tpu.memref_slice %arg11[%dma_wait3A_471, %dma_wait3A_478, %dma_wait3A_479] : memref<16x32x128xf32, #tpu.memory_space<vmem>> -> memref<1x32x128xf32, #tpu.memory_space<vmem>>
      %dma_wait3A_481 = tpu.memref_squeeze %dma_wait3A_480 : memref<1x32x128xf32, #tpu.memory_space<vmem>> -> memref<32x128xf32, #tpu.memory_space<vmem>>
      %dma_wait3A_482 = arith.constant 0 : i32
      %dma_wait3A_483 = tpu.memref_slice %arg4[%dma_wait3A_482, %multiple_of3A_223] : memref<32x1000000xf32, #tpu.memory_space<hbm>> -> memref<32x128xf32, #tpu.memory_space<hbm>>
      tpu.wait_dma2 semaphore(%arg16 : memref<!tpu.dma_semaphore, #tpu.memory_space<semaphore_mem>>) src(%dma_wait3A_483 : memref<32x128xf32, #tpu.memory_space<hbm>>) dst(%dma_wait3A_481 : memref<32x128xf32, #tpu.memory_space<vmem>>)
      %dma_wait3A_484 = arith.constant 8 : i32
      %dma_wait3A_485 = arith.constant 0 : i32
      %dma_wait3A_486 = arith.constant 0 : i32
      %dma_wait3A_487 = tpu.memref_slice %arg11[%dma_wait3A_484, %dma_wait3A_485, %dma_wait3A_486] : memref<16x32x128xf32, #tpu.memory_space<vmem>> -> memref<1x32x128xf32, #tpu.memory_space<vmem>>
      %dma_wait3A_488 = tpu.memref_squeeze %dma_wait3A_487 : memref<1x32x128xf32, #tpu.memory_space<vmem>> -> memref<32x128xf32, #tpu.memory_space<vmem>>
      %dma_wait3A_489 = arith.constant 0 : i32
      %dma_wait3A_490 = tpu.memref_slice %arg4[%dma_wait3A_489, %multiple_of3A_241] : memref<32x1000000xf32, #tpu.memory_space<hbm>> -> memref<32x128xf32, #tpu.memory_space<hbm>>
      %dma_wait3A_491 = arith.constant 0 : i32
      %dma_wait3A_492 = arith.constant 0 : i32
      %dma_wait3A_493 = tpu.memref_slice %arg11[%dma_wait3A_484, %dma_wait3A_491, %dma_wait3A_492] : memref<16x32x128xf32, #tpu.memory_space<vmem>> -> memref<1x32x128xf32, #tpu.memory_space<vmem>>
      %dma_wait3A_494 = tpu.memref_squeeze %dma_wait3A_493 : memref<1x32x128xf32, #tpu.memory_space<vmem>> -> memref<32x128xf32, #tpu.memory_space<vmem>>
      %dma_wait3A_495 = arith.constant 0 : i32
      %dma_wait3A_496 = tpu.memref_slice %arg4[%dma_wait3A_495, %multiple_of3A_241] : memref<32x1000000xf32, #tpu.memory_space<hbm>> -> memref<32x128xf32, #tpu.memory_space<hbm>>
      tpu.wait_dma2 semaphore(%arg16 : memref<!tpu.dma_semaphore, #tpu.memory_space<semaphore_mem>>) src(%dma_wait3A_496 : memref<32x128xf32, #tpu.memory_space<hbm>>) dst(%dma_wait3A_494 : memref<32x128xf32, #tpu.memory_space<vmem>>)
      %dma_wait3A_497 = arith.constant 9 : i32
      %dma_wait3A_498 = arith.constant 0 : i32
      %dma_wait3A_499 = arith.constant 0 : i32
      %dma_wait3A_500 = tpu.memref_slice %arg11[%dma_wait3A_497, %dma_wait3A_498, %dma_wait3A_499] : memref<16x32x128xf32, #tpu.memory_space<vmem>> -> memref<1x32x128xf32, #tpu.memory_space<vmem>>
      %dma_wait3A_501 = tpu.memref_squeeze %dma_wait3A_500 : memref<1x32x128xf32, #tpu.memory_space<vmem>> -> memref<32x128xf32, #tpu.memory_space<vmem>>
      %dma_wait3A_502 = arith.constant 0 : i32
      %dma_wait3A_503 = tpu.memref_slice %arg4[%dma_wait3A_502, %multiple_of3A_259] : memref<32x1000000xf32, #tpu.memory_space<hbm>> -> memref<32x128xf32, #tpu.memory_space<hbm>>
      %dma_wait3A_504 = arith.constant 0 : i32
      %dma_wait3A_505 = arith.constant 0 : i32
      %dma_wait3A_506 = tpu.memref_slice %arg11[%dma_wait3A_497, %dma_wait3A_504, %dma_wait3A_505] : memref<16x32x128xf32, #tpu.memory_space<vmem>> -> memref<1x32x128xf32, #tpu.memory_space<vmem>>
      %dma_wait3A_507 = tpu.memref_squeeze %dma_wait3A_506 : memref<1x32x128xf32, #tpu.memory_space<vmem>> -> memref<32x128xf32, #tpu.memory_space<vmem>>
      %dma_wait3A_508 = arith.constant 0 : i32
      %dma_wait3A_509 = tpu.memref_slice %arg4[%dma_wait3A_508, %multiple_of3A_259] : memref<32x1000000xf32, #tpu.memory_space<hbm>> -> memref<32x128xf32, #tpu.memory_space<hbm>>
      tpu.wait_dma2 semaphore(%arg16 : memref<!tpu.dma_semaphore, #tpu.memory_space<semaphore_mem>>) src(%dma_wait3A_509 : memref<32x128xf32, #tpu.memory_space<hbm>>) dst(%dma_wait3A_507 : memref<32x128xf32, #tpu.memory_space<vmem>>)
      %dma_wait3A_510 = arith.constant 10 : i32
      %dma_wait3A_511 = arith.constant 0 : i32
      %dma_wait3A_512 = arith.constant 0 : i32
      %dma_wait3A_513 = tpu.memref_slice %arg11[%dma_wait3A_510, %dma_wait3A_511, %dma_wait3A_512] : memref<16x32x128xf32, #tpu.memory_space<vmem>> -> memref<1x32x128xf32, #tpu.memory_space<vmem>>
      %dma_wait3A_514 = tpu.memref_squeeze %dma_wait3A_513 : memref<1x32x128xf32, #tpu.memory_space<vmem>> -> memref<32x128xf32, #tpu.memory_space<vmem>>
      %dma_wait3A_515 = arith.constant 0 : i32
      %dma_wait3A_516 = tpu.memref_slice %arg4[%dma_wait3A_515, %multiple_of3A_277] : memref<32x1000000xf32, #tpu.memory_space<hbm>> -> memref<32x128xf32, #tpu.memory_space<hbm>>
      %dma_wait3A_517 = arith.constant 0 : i32
      %dma_wait3A_518 = arith.constant 0 : i32
      %dma_wait3A_519 = tpu.memref_slice %arg11[%dma_wait3A_510, %dma_wait3A_517, %dma_wait3A_518] : memref<16x32x128xf32, #tpu.memory_space<vmem>> -> memref<1x32x128xf32, #tpu.memory_space<vmem>>
      %dma_wait3A_520 = tpu.memref_squeeze %dma_wait3A_519 : memref<1x32x128xf32, #tpu.memory_space<vmem>> -> memref<32x128xf32, #tpu.memory_space<vmem>>
      %dma_wait3A_521 = arith.constant 0 : i32
      %dma_wait3A_522 = tpu.memref_slice %arg4[%dma_wait3A_521, %multiple_of3A_277] : memref<32x1000000xf32, #tpu.memory_space<hbm>> -> memref<32x128xf32, #tpu.memory_space<hbm>>
      tpu.wait_dma2 semaphore(%arg16 : memref<!tpu.dma_semaphore, #tpu.memory_space<semaphore_mem>>) src(%dma_wait3A_522 : memref<32x128xf32, #tpu.memory_space<hbm>>) dst(%dma_wait3A_520 : memref<32x128xf32, #tpu.memory_space<vmem>>)
      %dma_wait3A_523 = arith.constant 11 : i32
      %dma_wait3A_524 = arith.constant 0 : i32
      %dma_wait3A_525 = arith.constant 0 : i32
      %dma_wait3A_526 = tpu.memref_slice %arg11[%dma_wait3A_523, %dma_wait3A_524, %dma_wait3A_525] : memref<16x32x128xf32, #tpu.memory_space<vmem>> -> memref<1x32x128xf32, #tpu.memory_space<vmem>>
      %dma_wait3A_527 = tpu.memref_squeeze %dma_wait3A_526 : memref<1x32x128xf32, #tpu.memory_space<vmem>> -> memref<32x128xf32, #tpu.memory_space<vmem>>
      %dma_wait3A_528 = arith.constant 0 : i32
      %dma_wait3A_529 = tpu.memref_slice %arg4[%dma_wait3A_528, %multiple_of3A_295] : memref<32x1000000xf32, #tpu.memory_space<hbm>> -> memref<32x128xf32, #tpu.memory_space<hbm>>
      %dma_wait3A_530 = arith.constant 0 : i32
      %dma_wait3A_531 = arith.constant 0 : i32
      %dma_wait3A_532 = tpu.memref_slice %arg11[%dma_wait3A_523, %dma_wait3A_530, %dma_wait3A_531] : memref<16x32x128xf32, #tpu.memory_space<vmem>> -> memref<1x32x128xf32, #tpu.memory_space<vmem>>
      %dma_wait3A_533 = tpu.memref_squeeze %dma_wait3A_532 : memref<1x32x128xf32, #tpu.memory_space<vmem>> -> memref<32x128xf32, #tpu.memory_space<vmem>>
      %dma_wait3A_534 = arith.constant 0 : i32
      %dma_wait3A_535 = tpu.memref_slice %arg4[%dma_wait3A_534, %multiple_of3A_295] : memref<32x1000000xf32, #tpu.memory_space<hbm>> -> memref<32x128xf32, #tpu.memory_space<hbm>>
      tpu.wait_dma2 semaphore(%arg16 : memref<!tpu.dma_semaphore, #tpu.memory_space<semaphore_mem>>) src(%dma_wait3A_535 : memref<32x128xf32, #tpu.memory_space<hbm>>) dst(%dma_wait3A_533 : memref<32x128xf32, #tpu.memory_space<vmem>>)
      %dma_wait3A_536 = arith.constant 12 : i32
      %dma_wait3A_537 = arith.constant 0 : i32
      %dma_wait3A_538 = arith.constant 0 : i32
      %dma_wait3A_539 = tpu.memref_slice %arg11[%dma_wait3A_536, %dma_wait3A_537, %dma_wait3A_538] : memref<16x32x128xf32, #tpu.memory_space<vmem>> -> memref<1x32x128xf32, #tpu.memory_space<vmem>>
      %dma_wait3A_540 = tpu.memref_squeeze %dma_wait3A_539 : memref<1x32x128xf32, #tpu.memory_space<vmem>> -> memref<32x128xf32, #tpu.memory_space<vmem>>
      %dma_wait3A_541 = arith.constant 0 : i32
      %dma_wait3A_542 = tpu.memref_slice %arg4[%dma_wait3A_541, %multiple_of3A_313] : memref<32x1000000xf32, #tpu.memory_space<hbm>> -> memref<32x128xf32, #tpu.memory_space<hbm>>
      %dma_wait3A_543 = arith.constant 0 : i32
      %dma_wait3A_544 = arith.constant 0 : i32
      %dma_wait3A_545 = tpu.memref_slice %arg11[%dma_wait3A_536, %dma_wait3A_543, %dma_wait3A_544] : memref<16x32x128xf32, #tpu.memory_space<vmem>> -> memref<1x32x128xf32, #tpu.memory_space<vmem>>
      %dma_wait3A_546 = tpu.memref_squeeze %dma_wait3A_545 : memref<1x32x128xf32, #tpu.memory_space<vmem>> -> memref<32x128xf32, #tpu.memory_space<vmem>>
      %dma_wait3A_547 = arith.constant 0 : i32
      %dma_wait3A_548 = tpu.memref_slice %arg4[%dma_wait3A_547, %multiple_of3A_313] : memref<32x1000000xf32, #tpu.memory_space<hbm>> -> memref<32x128xf32, #tpu.memory_space<hbm>>
      tpu.wait_dma2 semaphore(%arg16 : memref<!tpu.dma_semaphore, #tpu.memory_space<semaphore_mem>>) src(%dma_wait3A_548 : memref<32x128xf32, #tpu.memory_space<hbm>>) dst(%dma_wait3A_546 : memref<32x128xf32, #tpu.memory_space<vmem>>)
      %dma_wait3A_549 = arith.constant 13 : i32
      %dma_wait3A_550 = arith.constant 0 : i32
      %dma_wait3A_551 = arith.constant 0 : i32
      %dma_wait3A_552 = tpu.memref_slice %arg11[%dma_wait3A_549, %dma_wait3A_550, %dma_wait3A_551] : memref<16x32x128xf32, #tpu.memory_space<vmem>> -> memref<1x32x128xf32, #tpu.memory_space<vmem>>
      %dma_wait3A_553 = tpu.memref_squeeze %dma_wait3A_552 : memref<1x32x128xf32, #tpu.memory_space<vmem>> -> memref<32x128xf32, #tpu.memory_space<vmem>>
      %dma_wait3A_554 = arith.constant 0 : i32
      %dma_wait3A_555 = tpu.memref_slice %arg4[%dma_wait3A_554, %multiple_of3A_331] : memref<32x1000000xf32, #tpu.memory_space<hbm>> -> memref<32x128xf32, #tpu.memory_space<hbm>>
      %dma_wait3A_556 = arith.constant 0 : i32
      %dma_wait3A_557 = arith.constant 0 : i32
      %dma_wait3A_558 = tpu.memref_slice %arg11[%dma_wait3A_549, %dma_wait3A_556, %dma_wait3A_557] : memref<16x32x128xf32, #tpu.memory_space<vmem>> -> memref<1x32x128xf32, #tpu.memory_space<vmem>>
      %dma_wait3A_559 = tpu.memref_squeeze %dma_wait3A_558 : memref<1x32x128xf32, #tpu.memory_space<vmem>> -> memref<32x128xf32, #tpu.memory_space<vmem>>
      %dma_wait3A_560 = arith.constant 0 : i32
      %dma_wait3A_561 = tpu.memref_slice %arg4[%dma_wait3A_560, %multiple_of3A_331] : memref<32x1000000xf32, #tpu.memory_space<hbm>> -> memref<32x128xf32, #tpu.memory_space<hbm>>
      tpu.wait_dma2 semaphore(%arg16 : memref<!tpu.dma_semaphore, #tpu.memory_space<semaphore_mem>>) src(%dma_wait3A_561 : memref<32x128xf32, #tpu.memory_space<hbm>>) dst(%dma_wait3A_559 : memref<32x128xf32, #tpu.memory_space<vmem>>)
      %dma_wait3A_562 = arith.constant 14 : i32
      %dma_wait3A_563 = arith.constant 0 : i32
      %dma_wait3A_564 = arith.constant 0 : i32
      %dma_wait3A_565 = tpu.memref_slice %arg11[%dma_wait3A_562, %dma_wait3A_563, %dma_wait3A_564] : memref<16x32x128xf32, #tpu.memory_space<vmem>> -> memref<1x32x128xf32, #tpu.memory_space<vmem>>
      %dma_wait3A_566 = tpu.memref_squeeze %dma_wait3A_565 : memref<1x32x128xf32, #tpu.memory_space<vmem>> -> memref<32x128xf32, #tpu.memory_space<vmem>>
      %dma_wait3A_567 = arith.constant 0 : i32
      %dma_wait3A_568 = tpu.memref_slice %arg4[%dma_wait3A_567, %multiple_of3A_349] : memref<32x1000000xf32, #tpu.memory_space<hbm>> -> memref<32x128xf32, #tpu.memory_space<hbm>>
      %dma_wait3A_569 = arith.constant 0 : i32
      %dma_wait3A_570 = arith.constant 0 : i32
      %dma_wait3A_571 = tpu.memref_slice %arg11[%dma_wait3A_562, %dma_wait3A_569, %dma_wait3A_570] : memref<16x32x128xf32, #tpu.memory_space<vmem>> -> memref<1x32x128xf32, #tpu.memory_space<vmem>>
      %dma_wait3A_572 = tpu.memref_squeeze %dma_wait3A_571 : memref<1x32x128xf32, #tpu.memory_space<vmem>> -> memref<32x128xf32, #tpu.memory_space<vmem>>
      %dma_wait3A_573 = arith.constant 0 : i32
      %dma_wait3A_574 = tpu.memref_slice %arg4[%dma_wait3A_573, %multiple_of3A_349] : memref<32x1000000xf32, #tpu.memory_space<hbm>> -> memref<32x128xf32, #tpu.memory_space<hbm>>
      tpu.wait_dma2 semaphore(%arg16 : memref<!tpu.dma_semaphore, #tpu.memory_space<semaphore_mem>>) src(%dma_wait3A_574 : memref<32x128xf32, #tpu.memory_space<hbm>>) dst(%dma_wait3A_572 : memref<32x128xf32, #tpu.memory_space<vmem>>)
      %dma_wait3A_575 = arith.constant 15 : i32
      %dma_wait3A_576 = arith.constant 0 : i32
      %dma_wait3A_577 = arith.constant 0 : i32
      %dma_wait3A_578 = tpu.memref_slice %arg11[%dma_wait3A_575, %dma_wait3A_576, %dma_wait3A_577] : memref<16x32x128xf32, #tpu.memory_space<vmem>> -> memref<1x32x128xf32, #tpu.memory_space<vmem>>
      %dma_wait3A_579 = tpu.memref_squeeze %dma_wait3A_578 : memref<1x32x128xf32, #tpu.memory_space<vmem>> -> memref<32x128xf32, #tpu.memory_space<vmem>>
      %dma_wait3A_580 = arith.constant 0 : i32
      %dma_wait3A_581 = tpu.memref_slice %arg4[%dma_wait3A_580, %multiple_of3A_367] : memref<32x1000000xf32, #tpu.memory_space<hbm>> -> memref<32x128xf32, #tpu.memory_space<hbm>>
      %dma_wait3A_582 = arith.constant 0 : i32
      %dma_wait3A_583 = arith.constant 0 : i32
      %dma_wait3A_584 = tpu.memref_slice %arg11[%dma_wait3A_575, %dma_wait3A_582, %dma_wait3A_583] : memref<16x32x128xf32, #tpu.memory_space<vmem>> -> memref<1x32x128xf32, #tpu.memory_space<vmem>>
      %dma_wait3A_585 = tpu.memref_squeeze %dma_wait3A_584 : memref<1x32x128xf32, #tpu.memory_space<vmem>> -> memref<32x128xf32, #tpu.memory_space<vmem>>
      %dma_wait3A_586 = arith.constant 0 : i32
      %dma_wait3A_587 = tpu.memref_slice %arg4[%dma_wait3A_586, %multiple_of3A_367] : memref<32x1000000xf32, #tpu.memory_space<hbm>> -> memref<32x128xf32, #tpu.memory_space<hbm>>
      tpu.wait_dma2 semaphore(%arg16 : memref<!tpu.dma_semaphore, #tpu.memory_space<semaphore_mem>>) src(%dma_wait3A_587 : memref<32x128xf32, #tpu.memory_space<hbm>>) dst(%dma_wait3A_585 : memref<32x128xf32, #tpu.memory_space<vmem>>)
      %broadcast_in_dim3A_588 = arith.constant 0 : i32
      %broadcast_in_dim3A_589 = vector.broadcast %broadcast_in_dim3A_588 : i32 to vector<16xi32>
      %gather3A = tpu.vector_load_idx %arg11[%iota3A, %broadcast_in_dim3A_589, %and3A_88] : memref<16x32x128xf32, #tpu.memory_space<vmem>>[vector<16xi32>, vector<16xi32>, vector<16xi32>], vector<16xf32>,
      %swap3A = arith.constant 0 : i32
      %swap3A_590 = arith.index_cast %swap3A : i32 to index
      %swap3A_591 = arith.constant 0 : index
      %swap3A_592 = tpu.vector_load %arg12[%swap3A_590, %swap3A_591] {strides = array<i32>} : memref<32x16xf32, #tpu.memory_space<vmem>>, vector<16xf32>,
      tpu.vector_store %arg12[%swap3A_590, %swap3A_591], %gather3A {strides = array<i32>} : memref<32x16xf32, #tpu.memory_space<vmem>>, vector<16xf32>,
      %broadcast_in_dim3A_593 = arith.constant 1 : i32
      %broadcast_in_dim3A_594 = vector.broadcast %broadcast_in_dim3A_593 : i32 to vector<16xi32>
      %gather3A_595 = tpu.vector_load_idx %arg11[%iota3A, %broadcast_in_dim3A_594, %and3A_88] : memref<16x32x128xf32, #tpu.memory_space<vmem>>[vector<16xi32>, vector<16xi32>, vector<16xi32>], vector<16xf32>,
      %swap3A_596 = arith.constant 1 : i32
      %swap3A_597 = arith.index_cast %swap3A_596 : i32 to index
      %swap3A_598 = arith.constant 0 : index
      %swap3A_599 = tpu.vector_load %arg12[%swap3A_597, %swap3A_598] {strides = array<i32>} : memref<32x16xf32, #tpu.memory_space<vmem>>, vector<16xf32>,
      tpu.vector_store %arg12[%swap3A_597, %swap3A_598], %gather3A_595 {strides = array<i32>} : memref<32x16xf32, #tpu.memory_space<vmem>>, vector<16xf32>,
      %broadcast_in_dim3A_600 = arith.constant 2 : i32
      %broadcast_in_dim3A_601 = vector.broadcast %broadcast_in_dim3A_600 : i32 to vector<16xi32>
      %gather3A_602 = tpu.vector_load_idx %arg11[%iota3A, %broadcast_in_dim3A_601, %and3A_88] : memref<16x32x128xf32, #tpu.memory_space<vmem>>[vector<16xi32>, vector<16xi32>, vector<16xi32>], vector<16xf32>,
      %swap3A_603 = arith.constant 2 : i32
      %swap3A_604 = arith.index_cast %swap3A_603 : i32 to index
      %swap3A_605 = arith.constant 0 : index
      %swap3A_606 = tpu.vector_load %arg12[%swap3A_604, %swap3A_605] {strides = array<i32>} : memref<32x16xf32, #tpu.memory_space<vmem>>, vector<16xf32>,
      tpu.vector_store %arg12[%swap3A_604, %swap3A_605], %gather3A_602 {strides = array<i32>} : memref<32x16xf32, #tpu.memory_space<vmem>>, vector<16xf32>,
      %broadcast_in_dim3A_607 = arith.constant 3 : i32
      %broadcast_in_dim3A_608 = vector.broadcast %broadcast_in_dim3A_607 : i32 to vector<16xi32>
      %gather3A_609 = tpu.vector_load_idx %arg11[%iota3A, %broadcast_in_dim3A_608, %and3A_88] : memref<16x32x128xf32, #tpu.memory_space<vmem>>[vector<16xi32>, vector<16xi32>, vector<16xi32>], vector<16xf32>,
      %swap3A_610 = arith.constant 3 : i32
      %swap3A_611 = arith.index_cast %swap3A_610 : i32 to index
      %swap3A_612 = arith.constant 0 : index
      %swap3A_613 = tpu.vector_load %arg12[%swap3A_611, %swap3A_612] {strides = array<i32>} : memref<32x16xf32, #tpu.memory_space<vmem>>, vector<16xf32>,
      tpu.vector_store %arg12[%swap3A_611, %swap3A_612], %gather3A_609 {strides = array<i32>} : memref<32x16xf32, #tpu.memory_space<vmem>>, vector<16xf32>,
      %broadcast_in_dim3A_614 = arith.constant 4 : i32
      %broadcast_in_dim3A_615 = vector.broadcast %broadcast_in_dim3A_614 : i32 to vector<16xi32>
      %gather3A_616 = tpu.vector_load_idx %arg11[%iota3A, %broadcast_in_dim3A_615, %and3A_88] : memref<16x32x128xf32, #tpu.memory_space<vmem>>[vector<16xi32>, vector<16xi32>, vector<16xi32>], vector<16xf32>,
      %swap3A_617 = arith.constant 4 : i32
      %swap3A_618 = arith.index_cast %swap3A_617 : i32 to index
      %swap3A_619 = arith.constant 0 : index
      %swap3A_620 = tpu.vector_load %arg12[%swap3A_618, %swap3A_619] {strides = array<i32>} : memref<32x16xf32, #tpu.memory_space<vmem>>, vector<16xf32>,
      tpu.vector_store %arg12[%swap3A_618, %swap3A_619], %gather3A_616 {strides = array<i32>} : memref<32x16xf32, #tpu.memory_space<vmem>>, vector<16xf32>,
      %broadcast_in_dim3A_621 = arith.constant 5 : i32
      %broadcast_in_dim3A_622 = vector.broadcast %broadcast_in_dim3A_621 : i32 to vector<16xi32>
      %gather3A_623 = tpu.vector_load_idx %arg11[%iota3A, %broadcast_in_dim3A_622, %and3A_88] : memref<16x32x128xf32, #tpu.memory_space<vmem>>[vector<16xi32>, vector<16xi32>, vector<16xi32>], vector<16xf32>,
      %swap3A_624 = arith.constant 5 : i32
      %swap3A_625 = arith.index_cast %swap3A_624 : i32 to index
      %swap3A_626 = arith.constant 0 : index
      %swap3A_627 = tpu.vector_load %arg12[%swap3A_625, %swap3A_626] {strides = array<i32>} : memref<32x16xf32, #tpu.memory_space<vmem>>, vector<16xf32>,
      tpu.vector_store %arg12[%swap3A_625, %swap3A_626], %gather3A_623 {strides = array<i32>} : memref<32x16xf32, #tpu.memory_space<vmem>>, vector<16xf32>,
      %broadcast_in_dim3A_628 = arith.constant 6 : i32
      %broadcast_in_dim3A_629 = vector.broadcast %broadcast_in_dim3A_628 : i32 to vector<16xi32>
      %gather3A_630 = tpu.vector_load_idx %arg11[%iota3A, %broadcast_in_dim3A_629, %and3A_88] : memref<16x32x128xf32, #tpu.memory_space<vmem>>[vector<16xi32>, vector<16xi32>, vector<16xi32>], vector<16xf32>,
      %swap3A_631 = arith.constant 6 : i32
      %swap3A_632 = arith.index_cast %swap3A_631 : i32 to index
      %swap3A_633 = arith.constant 0 : index
      %swap3A_634 = tpu.vector_load %arg12[%swap3A_632, %swap3A_633] {strides = array<i32>} : memref<32x16xf32, #tpu.memory_space<vmem>>, vector<16xf32>,
      tpu.vector_store %arg12[%swap3A_632, %swap3A_633], %gather3A_630 {strides = array<i32>} : memref<32x16xf32, #tpu.memory_space<vmem>>, vector<16xf32>,
      %broadcast_in_dim3A_635 = arith.constant 7 : i32
      %broadcast_in_dim3A_636 = vector.broadcast %broadcast_in_dim3A_635 : i32 to vector<16xi32>
      %gather3A_637 = tpu.vector_load_idx %arg11[%iota3A, %broadcast_in_dim3A_636, %and3A_88] : memref<16x32x128xf32, #tpu.memory_space<vmem>>[vector<16xi32>, vector<16xi32>, vector<16xi32>], vector<16xf32>,
      %swap3A_638 = arith.constant 7 : i32
      %swap3A_639 = arith.index_cast %swap3A_638 : i32 to index
      %swap3A_640 = arith.constant 0 : index
      %swap3A_641 = tpu.vector_load %arg12[%swap3A_639, %swap3A_640] {strides = array<i32>} : memref<32x16xf32, #tpu.memory_space<vmem>>, vector<16xf32>,
      tpu.vector_store %arg12[%swap3A_639, %swap3A_640], %gather3A_637 {strides = array<i32>} : memref<32x16xf32, #tpu.memory_space<vmem>>, vector<16xf32>,
      %broadcast_in_dim3A_642 = arith.constant 8 : i32
      %broadcast_in_dim3A_643 = vector.broadcast %broadcast_in_dim3A_642 : i32 to vector<16xi32>
      %gather3A_644 = tpu.vector_load_idx %arg11[%iota3A, %broadcast_in_dim3A_643, %and3A_88] : memref<16x32x128xf32, #tpu.memory_space<vmem>>[vector<16xi32>, vector<16xi32>, vector<16xi32>], vector<16xf32>,
      %swap3A_645 = arith.constant 8 : i32
      %swap3A_646 = arith.index_cast %swap3A_645 : i32 to index
      %swap3A_647 = arith.constant 0 : index
      %swap3A_648 = tpu.vector_load %arg12[%swap3A_646, %swap3A_647] {strides = array<i32>} : memref<32x16xf32, #tpu.memory_space<vmem>>, vector<16xf32>,
      tpu.vector_store %arg12[%swap3A_646, %swap3A_647], %gather3A_644 {strides = array<i32>} : memref<32x16xf32, #tpu.memory_space<vmem>>, vector<16xf32>,
      %broadcast_in_dim3A_649 = arith.constant 9 : i32
      %broadcast_in_dim3A_650 = vector.broadcast %broadcast_in_dim3A_649 : i32 to vector<16xi32>
      %gather3A_651 = tpu.vector_load_idx %arg11[%iota3A, %broadcast_in_dim3A_650, %and3A_88] : memref<16x32x128xf32, #tpu.memory_space<vmem>>[vector<16xi32>, vector<16xi32>, vector<16xi32>], vector<16xf32>,
      %swap3A_652 = arith.constant 9 : i32
      %swap3A_653 = arith.index_cast %swap3A_652 : i32 to index
      %swap3A_654 = arith.constant 0 : index
      %swap3A_655 = tpu.vector_load %arg12[%swap3A_653, %swap3A_654] {strides = array<i32>} : memref<32x16xf32, #tpu.memory_space<vmem>>, vector<16xf32>,
      tpu.vector_store %arg12[%swap3A_653, %swap3A_654], %gather3A_651 {strides = array<i32>} : memref<32x16xf32, #tpu.memory_space<vmem>>, vector<16xf32>,
      %broadcast_in_dim3A_656 = arith.constant 10 : i32
      %broadcast_in_dim3A_657 = vector.broadcast %broadcast_in_dim3A_656 : i32 to vector<16xi32>
      %gather3A_658 = tpu.vector_load_idx %arg11[%iota3A, %broadcast_in_dim3A_657, %and3A_88] : memref<16x32x128xf32, #tpu.memory_space<vmem>>[vector<16xi32>, vector<16xi32>, vector<16xi32>], vector<16xf32>,
      %swap3A_659 = arith.constant 10 : i32
      %swap3A_660 = arith.index_cast %swap3A_659 : i32 to index
      %swap3A_661 = arith.constant 0 : index
      %swap3A_662 = tpu.vector_load %arg12[%swap3A_660, %swap3A_661] {strides = array<i32>} : memref<32x16xf32, #tpu.memory_space<vmem>>, vector<16xf32>,
      tpu.vector_store %arg12[%swap3A_660, %swap3A_661], %gather3A_658 {strides = array<i32>} : memref<32x16xf32, #tpu.memory_space<vmem>>, vector<16xf32>,
      %broadcast_in_dim3A_663 = arith.constant 11 : i32
      %broadcast_in_dim3A_664 = vector.broadcast %broadcast_in_dim3A_663 : i32 to vector<16xi32>
      %gather3A_665 = tpu.vector_load_idx %arg11[%iota3A, %broadcast_in_dim3A_664, %and3A_88] : memref<16x32x128xf32, #tpu.memory_space<vmem>>[vector<16xi32>, vector<16xi32>, vector<16xi32>], vector<16xf32>,
      %swap3A_666 = arith.constant 11 : i32
      %swap3A_667 = arith.index_cast %swap3A_666 : i32 to index
      %swap3A_668 = arith.constant 0 : index
      %swap3A_669 = tpu.vector_load %arg12[%swap3A_667, %swap3A_668] {strides = array<i32>} : memref<32x16xf32, #tpu.memory_space<vmem>>, vector<16xf32>,
      tpu.vector_store %arg12[%swap3A_667, %swap3A_668], %gather3A_665 {strides = array<i32>} : memref<32x16xf32, #tpu.memory_space<vmem>>, vector<16xf32>,
      %broadcast_in_dim3A_670 = arith.constant 12 : i32
      %broadcast_in_dim3A_671 = vector.broadcast %broadcast_in_dim3A_670 : i32 to vector<16xi32>
      %gather3A_672 = tpu.vector_load_idx %arg11[%iota3A, %broadcast_in_dim3A_671, %and3A_88] : memref<16x32x128xf32, #tpu.memory_space<vmem>>[vector<16xi32>, vector<16xi32>, vector<16xi32>], vector<16xf32>,
      %swap3A_673 = arith.constant 12 : i32
      %swap3A_674 = arith.index_cast %swap3A_673 : i32 to index
      %swap3A_675 = arith.constant 0 : index
      %swap3A_676 = tpu.vector_load %arg12[%swap3A_674, %swap3A_675] {strides = array<i32>} : memref<32x16xf32, #tpu.memory_space<vmem>>, vector<16xf32>,
      tpu.vector_store %arg12[%swap3A_674, %swap3A_675], %gather3A_672 {strides = array<i32>} : memref<32x16xf32, #tpu.memory_space<vmem>>, vector<16xf32>,
      %broadcast_in_dim3A_677 = arith.constant 13 : i32
      %broadcast_in_dim3A_678 = vector.broadcast %broadcast_in_dim3A_677 : i32 to vector<16xi32>
      %gather3A_679 = tpu.vector_load_idx %arg11[%iota3A, %broadcast_in_dim3A_678, %and3A_88] : memref<16x32x128xf32, #tpu.memory_space<vmem>>[vector<16xi32>, vector<16xi32>, vector<16xi32>], vector<16xf32>,
      %swap3A_680 = arith.constant 13 : i32
      %swap3A_681 = arith.index_cast %swap3A_680 : i32 to index
      %swap3A_682 = arith.constant 0 : index
      %swap3A_683 = tpu.vector_load %arg12[%swap3A_681, %swap3A_682] {strides = array<i32>} : memref<32x16xf32, #tpu.memory_space<vmem>>, vector<16xf32>,
      tpu.vector_store %arg12[%swap3A_681, %swap3A_682], %gather3A_679 {strides = array<i32>} : memref<32x16xf32, #tpu.memory_space<vmem>>, vector<16xf32>,
      %broadcast_in_dim3A_684 = arith.constant 14 : i32
      %broadcast_in_dim3A_685 = vector.broadcast %broadcast_in_dim3A_684 : i32 to vector<16xi32>
      %gather3A_686 = tpu.vector_load_idx %arg11[%iota3A, %broadcast_in_dim3A_685, %and3A_88] : memref<16x32x128xf32, #tpu.memory_space<vmem>>[vector<16xi32>, vector<16xi32>, vector<16xi32>], vector<16xf32>,
      %swap3A_687 = arith.constant 14 : i32
      %swap3A_688 = arith.index_cast %swap3A_687 : i32 to index
      %swap3A_689 = arith.constant 0 : index
      %swap3A_690 = tpu.vector_load %arg12[%swap3A_688, %swap3A_689] {strides = array<i32>} : memref<32x16xf32, #tpu.memory_space<vmem>>, vector<16xf32>,
      tpu.vector_store %arg12[%swap3A_688, %swap3A_689], %gather3A_686 {strides = array<i32>} : memref<32x16xf32, #tpu.memory_space<vmem>>, vector<16xf32>,
      %broadcast_in_dim3A_691 = arith.constant 15 : i32
      %broadcast_in_dim3A_692 = vector.broadcast %broadcast_in_dim3A_691 : i32 to vector<16xi32>
      %gather3A_693 = tpu.vector_load_idx %arg11[%iota3A, %broadcast_in_dim3A_692, %and3A_88] : memref<16x32x128xf32, #tpu.memory_space<vmem>>[vector<16xi32>, vector<16xi32>, vector<16xi32>], vector<16xf32>,
      %swap3A_694 = arith.constant 15 : i32
      %swap3A_695 = arith.index_cast %swap3A_694 : i32 to index
      %swap3A_696 = arith.constant 0 : index
      %swap3A_697 = tpu.vector_load %arg12[%swap3A_695, %swap3A_696] {strides = array<i32>} : memref<32x16xf32, #tpu.memory_space<vmem>>, vector<16xf32>,
      tpu.vector_store %arg12[%swap3A_695, %swap3A_696], %gather3A_693 {strides = array<i32>} : memref<32x16xf32, #tpu.memory_space<vmem>>, vector<16xf32>,
      %broadcast_in_dim3A_698 = arith.constant 16 : i32
      %broadcast_in_dim3A_699 = vector.broadcast %broadcast_in_dim3A_698 : i32 to vector<16xi32>
      %gather3A_700 = tpu.vector_load_idx %arg11[%iota3A, %broadcast_in_dim3A_699, %and3A_88] : memref<16x32x128xf32, #tpu.memory_space<vmem>>[vector<16xi32>, vector<16xi32>, vector<16xi32>], vector<16xf32>,
      %swap3A_701 = arith.constant 16 : i32
      %swap3A_702 = arith.index_cast %swap3A_701 : i32 to index
      %swap3A_703 = arith.constant 0 : index
      %swap3A_704 = tpu.vector_load %arg12[%swap3A_702, %swap3A_703] {strides = array<i32>} : memref<32x16xf32, #tpu.memory_space<vmem>>, vector<16xf32>,
      tpu.vector_store %arg12[%swap3A_702, %swap3A_703], %gather3A_700 {strides = array<i32>} : memref<32x16xf32, #tpu.memory_space<vmem>>, vector<16xf32>,
      %broadcast_in_dim3A_705 = arith.constant 17 : i32
      %broadcast_in_dim3A_706 = vector.broadcast %broadcast_in_dim3A_705 : i32 to vector<16xi32>
      %gather3A_707 = tpu.vector_load_idx %arg11[%iota3A, %broadcast_in_dim3A_706, %and3A_88] : memref<16x32x128xf32, #tpu.memory_space<vmem>>[vector<16xi32>, vector<16xi32>, vector<16xi32>], vector<16xf32>,
      %swap3A_708 = arith.constant 17 : i32
      %swap3A_709 = arith.index_cast %swap3A_708 : i32 to index
      %swap3A_710 = arith.constant 0 : index
      %swap3A_711 = tpu.vector_load %arg12[%swap3A_709, %swap3A_710] {strides = array<i32>} : memref<32x16xf32, #tpu.memory_space<vmem>>, vector<16xf32>,
      tpu.vector_store %arg12[%swap3A_709, %swap3A_710], %gather3A_707 {strides = array<i32>} : memref<32x16xf32, #tpu.memory_space<vmem>>, vector<16xf32>,
      %broadcast_in_dim3A_712 = arith.constant 18 : i32
      %broadcast_in_dim3A_713 = vector.broadcast %broadcast_in_dim3A_712 : i32 to vector<16xi32>
      %gather3A_714 = tpu.vector_load_idx %arg11[%iota3A, %broadcast_in_dim3A_713, %and3A_88] : memref<16x32x128xf32, #tpu.memory_space<vmem>>[vector<16xi32>, vector<16xi32>, vector<16xi32>], vector<16xf32>,
      %swap3A_715 = arith.constant 18 : i32
      %swap3A_716 = arith.index_cast %swap3A_715 : i32 to index
      %swap3A_717 = arith.constant 0 : index
      %swap3A_718 = tpu.vector_load %arg12[%swap3A_716, %swap3A_717] {strides = array<i32>} : memref<32x16xf32, #tpu.memory_space<vmem>>, vector<16xf32>,
      tpu.vector_store %arg12[%swap3A_716, %swap3A_717], %gather3A_714 {strides = array<i32>} : memref<32x16xf32, #tpu.memory_space<vmem>>, vector<16xf32>,
      %broadcast_in_dim3A_719 = arith.constant 19 : i32
      %broadcast_in_dim3A_720 = vector.broadcast %broadcast_in_dim3A_719 : i32 to vector<16xi32>
      %gather3A_721 = tpu.vector_load_idx %arg11[%iota3A, %broadcast_in_dim3A_720, %and3A_88] : memref<16x32x128xf32, #tpu.memory_space<vmem>>[vector<16xi32>, vector<16xi32>, vector<16xi32>], vector<16xf32>,
      %swap3A_722 = arith.constant 19 : i32
      %swap3A_723 = arith.index_cast %swap3A_722 : i32 to index
      %swap3A_724 = arith.constant 0 : index
      %swap3A_725 = tpu.vector_load %arg12[%swap3A_723, %swap3A_724] {strides = array<i32>} : memref<32x16xf32, #tpu.memory_space<vmem>>, vector<16xf32>,
      tpu.vector_store %arg12[%swap3A_723, %swap3A_724], %gather3A_721 {strides = array<i32>} : memref<32x16xf32, #tpu.memory_space<vmem>>, vector<16xf32>,
      %broadcast_in_dim3A_726 = arith.constant 20 : i32
      %broadcast_in_dim3A_727 = vector.broadcast %broadcast_in_dim3A_726 : i32 to vector<16xi32>
      %gather3A_728 = tpu.vector_load_idx %arg11[%iota3A, %broadcast_in_dim3A_727, %and3A_88] : memref<16x32x128xf32, #tpu.memory_space<vmem>>[vector<16xi32>, vector<16xi32>, vector<16xi32>], vector<16xf32>,
      %swap3A_729 = arith.constant 20 : i32
      %swap3A_730 = arith.index_cast %swap3A_729 : i32 to index
      %swap3A_731 = arith.constant 0 : index
      %swap3A_732 = tpu.vector_load %arg12[%swap3A_730, %swap3A_731] {strides = array<i32>} : memref<32x16xf32, #tpu.memory_space<vmem>>, vector<16xf32>,
      tpu.vector_store %arg12[%swap3A_730, %swap3A_731], %gather3A_728 {strides = array<i32>} : memref<32x16xf32, #tpu.memory_space<vmem>>, vector<16xf32>,
      %broadcast_in_dim3A_733 = arith.constant 21 : i32
      %broadcast_in_dim3A_734 = vector.broadcast %broadcast_in_dim3A_733 : i32 to vector<16xi32>
      %gather3A_735 = tpu.vector_load_idx %arg11[%iota3A, %broadcast_in_dim3A_734, %and3A_88] : memref<16x32x128xf32, #tpu.memory_space<vmem>>[vector<16xi32>, vector<16xi32>, vector<16xi32>], vector<16xf32>,
      %swap3A_736 = arith.constant 21 : i32
      %swap3A_737 = arith.index_cast %swap3A_736 : i32 to index
      %swap3A_738 = arith.constant 0 : index
      %swap3A_739 = tpu.vector_load %arg12[%swap3A_737, %swap3A_738] {strides = array<i32>} : memref<32x16xf32, #tpu.memory_space<vmem>>, vector<16xf32>,
      tpu.vector_store %arg12[%swap3A_737, %swap3A_738], %gather3A_735 {strides = array<i32>} : memref<32x16xf32, #tpu.memory_space<vmem>>, vector<16xf32>,
      %broadcast_in_dim3A_740 = arith.constant 22 : i32
      %broadcast_in_dim3A_741 = vector.broadcast %broadcast_in_dim3A_740 : i32 to vector<16xi32>
      %gather3A_742 = tpu.vector_load_idx %arg11[%iota3A, %broadcast_in_dim3A_741, %and3A_88] : memref<16x32x128xf32, #tpu.memory_space<vmem>>[vector<16xi32>, vector<16xi32>, vector<16xi32>], vector<16xf32>,
      %swap3A_743 = arith.constant 22 : i32
      %swap3A_744 = arith.index_cast %swap3A_743 : i32 to index
      %swap3A_745 = arith.constant 0 : index
      %swap3A_746 = tpu.vector_load %arg12[%swap3A_744, %swap3A_745] {strides = array<i32>} : memref<32x16xf32, #tpu.memory_space<vmem>>, vector<16xf32>,
      tpu.vector_store %arg12[%swap3A_744, %swap3A_745], %gather3A_742 {strides = array<i32>} : memref<32x16xf32, #tpu.memory_space<vmem>>, vector<16xf32>,
      %broadcast_in_dim3A_747 = arith.constant 23 : i32
      %broadcast_in_dim3A_748 = vector.broadcast %broadcast_in_dim3A_747 : i32 to vector<16xi32>
      %gather3A_749 = tpu.vector_load_idx %arg11[%iota3A, %broadcast_in_dim3A_748, %and3A_88] : memref<16x32x128xf32, #tpu.memory_space<vmem>>[vector<16xi32>, vector<16xi32>, vector<16xi32>], vector<16xf32>,
      %swap3A_750 = arith.constant 23 : i32
      %swap3A_751 = arith.index_cast %swap3A_750 : i32 to index
      %swap3A_752 = arith.constant 0 : index
      %swap3A_753 = tpu.vector_load %arg12[%swap3A_751, %swap3A_752] {strides = array<i32>} : memref<32x16xf32, #tpu.memory_space<vmem>>, vector<16xf32>,
      tpu.vector_store %arg12[%swap3A_751, %swap3A_752], %gather3A_749 {strides = array<i32>} : memref<32x16xf32, #tpu.memory_space<vmem>>, vector<16xf32>,
      %broadcast_in_dim3A_754 = arith.constant 24 : i32
      %broadcast_in_dim3A_755 = vector.broadcast %broadcast_in_dim3A_754 : i32 to vector<16xi32>
      %gather3A_756 = tpu.vector_load_idx %arg11[%iota3A, %broadcast_in_dim3A_755, %and3A_88] : memref<16x32x128xf32, #tpu.memory_space<vmem>>[vector<16xi32>, vector<16xi32>, vector<16xi32>], vector<16xf32>,
      %swap3A_757 = arith.constant 24 : i32
      %swap3A_758 = arith.index_cast %swap3A_757 : i32 to index
      %swap3A_759 = arith.constant 0 : index
      %swap3A_760 = tpu.vector_load %arg12[%swap3A_758, %swap3A_759] {strides = array<i32>} : memref<32x16xf32, #tpu.memory_space<vmem>>, vector<16xf32>,
      tpu.vector_store %arg12[%swap3A_758, %swap3A_759], %gather3A_756 {strides = array<i32>} : memref<32x16xf32, #tpu.memory_space<vmem>>, vector<16xf32>,
      %broadcast_in_dim3A_761 = arith.constant 25 : i32
      %broadcast_in_dim3A_762 = vector.broadcast %broadcast_in_dim3A_761 : i32 to vector<16xi32>
      %gather3A_763 = tpu.vector_load_idx %arg11[%iota3A, %broadcast_in_dim3A_762, %and3A_88] : memref<16x32x128xf32, #tpu.memory_space<vmem>>[vector<16xi32>, vector<16xi32>, vector<16xi32>], vector<16xf32>,
      %swap3A_764 = arith.constant 25 : i32
      %swap3A_765 = arith.index_cast %swap3A_764 : i32 to index
      %swap3A_766 = arith.constant 0 : index
      %swap3A_767 = tpu.vector_load %arg12[%swap3A_765, %swap3A_766] {strides = array<i32>} : memref<32x16xf32, #tpu.memory_space<vmem>>, vector<16xf32>,
      tpu.vector_store %arg12[%swap3A_765, %swap3A_766], %gather3A_763 {strides = array<i32>} : memref<32x16xf32, #tpu.memory_space<vmem>>, vector<16xf32>,
      %broadcast_in_dim3A_768 = arith.constant 26 : i32
      %broadcast_in_dim3A_769 = vector.broadcast %broadcast_in_dim3A_768 : i32 to vector<16xi32>
      %gather3A_770 = tpu.vector_load_idx %arg11[%iota3A, %broadcast_in_dim3A_769, %and3A_88] : memref<16x32x128xf32, #tpu.memory_space<vmem>>[vector<16xi32>, vector<16xi32>, vector<16xi32>], vector<16xf32>,
      %swap3A_771 = arith.constant 26 : i32
      %swap3A_772 = arith.index_cast %swap3A_771 : i32 to index
      %swap3A_773 = arith.constant 0 : index
      %swap3A_774 = tpu.vector_load %arg12[%swap3A_772, %swap3A_773] {strides = array<i32>} : memref<32x16xf32, #tpu.memory_space<vmem>>, vector<16xf32>,
      tpu.vector_store %arg12[%swap3A_772, %swap3A_773], %gather3A_770 {strides = array<i32>} : memref<32x16xf32, #tpu.memory_space<vmem>>, vector<16xf32>,
      %broadcast_in_dim3A_775 = arith.constant 27 : i32
      %broadcast_in_dim3A_776 = vector.broadcast %broadcast_in_dim3A_775 : i32 to vector<16xi32>
      %gather3A_777 = tpu.vector_load_idx %arg11[%iota3A, %broadcast_in_dim3A_776, %and3A_88] : memref<16x32x128xf32, #tpu.memory_space<vmem>>[vector<16xi32>, vector<16xi32>, vector<16xi32>], vector<16xf32>,
      %swap3A_778 = arith.constant 27 : i32
      %swap3A_779 = arith.index_cast %swap3A_778 : i32 to index
      %swap3A_780 = arith.constant 0 : index
      %swap3A_781 = tpu.vector_load %arg12[%swap3A_779, %swap3A_780] {strides = array<i32>} : memref<32x16xf32, #tpu.memory_space<vmem>>, vector<16xf32>,
      tpu.vector_store %arg12[%swap3A_779, %swap3A_780], %gather3A_777 {strides = array<i32>} : memref<32x16xf32, #tpu.memory_space<vmem>>, vector<16xf32>,
      %broadcast_in_dim3A_782 = arith.constant 28 : i32
      %broadcast_in_dim3A_783 = vector.broadcast %broadcast_in_dim3A_782 : i32 to vector<16xi32>
      %gather3A_784 = tpu.vector_load_idx %arg11[%iota3A, %broadcast_in_dim3A_783, %and3A_88] : memref<16x32x128xf32, #tpu.memory_space<vmem>>[vector<16xi32>, vector<16xi32>, vector<16xi32>], vector<16xf32>,
      %swap3A_785 = arith.constant 28 : i32
      %swap3A_786 = arith.index_cast %swap3A_785 : i32 to index
      %swap3A_787 = arith.constant 0 : index
      %swap3A_788 = tpu.vector_load %arg12[%swap3A_786, %swap3A_787] {strides = array<i32>} : memref<32x16xf32, #tpu.memory_space<vmem>>, vector<16xf32>,
      tpu.vector_store %arg12[%swap3A_786, %swap3A_787], %gather3A_784 {strides = array<i32>} : memref<32x16xf32, #tpu.memory_space<vmem>>, vector<16xf32>,
      %broadcast_in_dim3A_789 = arith.constant 29 : i32
      %broadcast_in_dim3A_790 = vector.broadcast %broadcast_in_dim3A_789 : i32 to vector<16xi32>
      %gather3A_791 = tpu.vector_load_idx %arg11[%iota3A, %broadcast_in_dim3A_790, %and3A_88] : memref<16x32x128xf32, #tpu.memory_space<vmem>>[vector<16xi32>, vector<16xi32>, vector<16xi32>], vector<16xf32>,
      %swap3A_792 = arith.constant 29 : i32
      %swap3A_793 = arith.index_cast %swap3A_792 : i32 to index
      %swap3A_794 = arith.constant 0 : index
      %swap3A_795 = tpu.vector_load %arg12[%swap3A_793, %swap3A_794] {strides = array<i32>} : memref<32x16xf32, #tpu.memory_space<vmem>>, vector<16xf32>,
      tpu.vector_store %arg12[%swap3A_793, %swap3A_794], %gather3A_791 {strides = array<i32>} : memref<32x16xf32, #tpu.memory_space<vmem>>, vector<16xf32>,
      %broadcast_in_dim3A_796 = arith.constant 30 : i32
      %broadcast_in_dim3A_797 = vector.broadcast %broadcast_in_dim3A_796 : i32 to vector<16xi32>
      %gather3A_798 = tpu.vector_load_idx %arg11[%iota3A, %broadcast_in_dim3A_797, %and3A_88] : memref<16x32x128xf32, #tpu.memory_space<vmem>>[vector<16xi32>, vector<16xi32>, vector<16xi32>], vector<16xf32>,
      %swap3A_799 = arith.constant 30 : i32
      %swap3A_800 = arith.index_cast %swap3A_799 : i32 to index
      %swap3A_801 = arith.constant 0 : index
      %swap3A_802 = tpu.vector_load %arg12[%swap3A_800, %swap3A_801] {strides = array<i32>} : memref<32x16xf32, #tpu.memory_space<vmem>>, vector<16xf32>,
      tpu.vector_store %arg12[%swap3A_800, %swap3A_801], %gather3A_798 {strides = array<i32>} : memref<32x16xf32, #tpu.memory_space<vmem>>, vector<16xf32>,
      %broadcast_in_dim3A_803 = arith.constant 31 : i32
      %broadcast_in_dim3A_804 = vector.broadcast %broadcast_in_dim3A_803 : i32 to vector<16xi32>
      %gather3A_805 = tpu.vector_load_idx %arg11[%iota3A, %broadcast_in_dim3A_804, %and3A_88] : memref<16x32x128xf32, #tpu.memory_space<vmem>>[vector<16xi32>, vector<16xi32>, vector<16xi32>], vector<16xf32>,
      %swap3A_806 = arith.constant 31 : i32
      %swap3A_807 = arith.index_cast %swap3A_806 : i32 to index
      %swap3A_808 = arith.constant 0 : index
      %swap3A_809 = tpu.vector_load %arg12[%swap3A_807, %swap3A_808] {strides = array<i32>} : memref<32x16xf32, #tpu.memory_space<vmem>>, vector<16xf32>,
      tpu.vector_store %arg12[%swap3A_807, %swap3A_808], %gather3A_805 {strides = array<i32>} : memref<32x16xf32, #tpu.memory_space<vmem>>, vector<16xf32>,
      %shift_right_logical3A_810 = arith.constant 7 : i32
      %shift_right_logical3A_811 = vector.broadcast %shift_right_logical3A_810 : i32 to vector<16xi32>
      %shift_right_logical3A_812 = arith.shrui %get3A_86, %shift_right_logical3A_811 : vector<16xi32>
      %slice3A_813 = vector.extract_strided_slice %shift_right_logical3A_812 {offsets = [0], sizes = [1], strides = [1]} : vector<16xi32> to vector<1xi32>
      %squeeze3A_814 = vector.extract %slice3A_813[0] : i32 from vector<1xi32>
      %mul3A_815 = arith.constant 128 : i32
      %mul3A_816 = arith.muli %squeeze3A_814, %mul3A_815 : i32
      %multiple_of3A_817 = tpu.assume_multiple %mul3A_816, 128 : i32
      %dma_start3A_818 = arith.constant 0 : i32
      %dma_start3A_819 = arith.constant 0 : i32
      %dma_start3A_820 = arith.constant 0 : i32
      %dma_start3A_821 = tpu.memref_slice %arg11[%dma_start3A_818, %dma_start3A_819, %dma_start3A_820] : memref<16x32x128xf32, #tpu.memory_space<vmem>> -> memref<1x32x128xf32, #tpu.memory_space<vmem>>
      %dma_start3A_822 = tpu.memref_squeeze %dma_start3A_821 : memref<1x32x128xf32, #tpu.memory_space<vmem>> -> memref<32x128xf32, #tpu.memory_space<vmem>>
      %dma_start3A_823 = arith.constant 0 : i32
      %dma_start3A_824 = tpu.memref_slice %arg5[%dma_start3A_823, %multiple_of3A_817] : memref<32x1000000xf32, #tpu.memory_space<hbm>> -> memref<32x128xf32, #tpu.memory_space<hbm>>
      %dma_start3A_825 = arith.constant 0 : i32
      %dma_start3A_826 = arith.constant 0 : i32
      %dma_start3A_827 = tpu.memref_slice %arg11[%dma_start3A_818, %dma_start3A_825, %dma_start3A_826] : memref<16x32x128xf32, #tpu.memory_space<vmem>> -> memref<1x32x128xf32, #tpu.memory_space<vmem>>
      %dma_start3A_828 = tpu.memref_squeeze %dma_start3A_827 : memref<1x32x128xf32, #tpu.memory_space<vmem>> -> memref<32x128xf32, #tpu.memory_space<vmem>>
      %dma_start3A_829 = arith.constant 0 : i32
      %dma_start3A_830 = tpu.memref_slice %arg5[%dma_start3A_829, %multiple_of3A_817] : memref<32x1000000xf32, #tpu.memory_space<hbm>> -> memref<32x128xf32, #tpu.memory_space<hbm>>
      tpu.enqueue_dma source(%dma_start3A_830 : memref<32x128xf32, #tpu.memory_space<hbm>>) target(%dma_start3A_828 : memref<32x128xf32, #tpu.memory_space<vmem>>) target_semaphore(%arg16 : memref<!tpu.dma_semaphore, #tpu.memory_space<semaphore_mem>>)
      %slice3A_831 = vector.extract_strided_slice %shift_right_logical3A_812 {offsets = [1], sizes = [1], strides = [1]} : vector<16xi32> to vector<1xi32>
      %squeeze3A_832 = vector.extract %slice3A_831[0] : i32 from vector<1xi32>
      %mul3A_833 = arith.constant 128 : i32
      %mul3A_834 = arith.muli %squeeze3A_832, %mul3A_833 : i32
      %multiple_of3A_835 = tpu.assume_multiple %mul3A_834, 128 : i32
      %dma_start3A_836 = arith.constant 1 : i32
      %dma_start3A_837 = arith.constant 0 : i32
      %dma_start3A_838 = arith.constant 0 : i32
      %dma_start3A_839 = tpu.memref_slice %arg11[%dma_start3A_836, %dma_start3A_837, %dma_start3A_838] : memref<16x32x128xf32, #tpu.memory_space<vmem>> -> memref<1x32x128xf32, #tpu.memory_space<vmem>>
      %dma_start3A_840 = tpu.memref_squeeze %dma_start3A_839 : memref<1x32x128xf32, #tpu.memory_space<vmem>> -> memref<32x128xf32, #tpu.memory_space<vmem>>
      %dma_start3A_841 = arith.constant 0 : i32
      %dma_start3A_842 = tpu.memref_slice %arg5[%dma_start3A_841, %multiple_of3A_835] : memref<32x1000000xf32, #tpu.memory_space<hbm>> -> memref<32x128xf32, #tpu.memory_space<hbm>>
      %dma_start3A_843 = arith.constant 0 : i32
      %dma_start3A_844 = arith.constant 0 : i32
      %dma_start3A_845 = tpu.memref_slice %arg11[%dma_start3A_836, %dma_start3A_843, %dma_start3A_844] : memref<16x32x128xf32, #tpu.memory_space<vmem>> -> memref<1x32x128xf32, #tpu.memory_space<vmem>>
      %dma_start3A_846 = tpu.memref_squeeze %dma_start3A_845 : memref<1x32x128xf32, #tpu.memory_space<vmem>> -> memref<32x128xf32, #tpu.memory_space<vmem>>
      %dma_start3A_847 = arith.constant 0 : i32
      %dma_start3A_848 = tpu.memref_slice %arg5[%dma_start3A_847, %multiple_of3A_835] : memref<32x1000000xf32, #tpu.memory_space<hbm>> -> memref<32x128xf32, #tpu.memory_space<hbm>>
      tpu.enqueue_dma source(%dma_start3A_848 : memref<32x128xf32, #tpu.memory_space<hbm>>) target(%dma_start3A_846 : memref<32x128xf32, #tpu.memory_space<vmem>>) target_semaphore(%arg16 : memref<!tpu.dma_semaphore, #tpu.memory_space<semaphore_mem>>)
      %slice3A_849 = vector.extract_strided_slice %shift_right_logical3A_812 {offsets = [2], sizes = [1], strides = [1]} : vector<16xi32> to vector<1xi32>
      %squeeze3A_850 = vector.extract %slice3A_849[0] : i32 from vector<1xi32>
      %mul3A_851 = arith.constant 128 : i32
      %mul3A_852 = arith.muli %squeeze3A_850, %mul3A_851 : i32
      %multiple_of3A_853 = tpu.assume_multiple %mul3A_852, 128 : i32
      %dma_start3A_854 = arith.constant 2 : i32
      %dma_start3A_855 = arith.constant 0 : i32
      %dma_start3A_856 = arith.constant 0 : i32
      %dma_start3A_857 = tpu.memref_slice %arg11[%dma_start3A_854, %dma_start3A_855, %dma_start3A_856] : memref<16x32x128xf32, #tpu.memory_space<vmem>> -> memref<1x32x128xf32, #tpu.memory_space<vmem>>
      %dma_start3A_858 = tpu.memref_squeeze %dma_start3A_857 : memref<1x32x128xf32, #tpu.memory_space<vmem>> -> memref<32x128xf32, #tpu.memory_space<vmem>>
      %dma_start3A_859 = arith.constant 0 : i32
      %dma_start3A_860 = tpu.memref_slice %arg5[%dma_start3A_859, %multiple_of3A_853] : memref<32x1000000xf32, #tpu.memory_space<hbm>> -> memref<32x128xf32, #tpu.memory_space<hbm>>
      %dma_start3A_861 = arith.constant 0 : i32
      %dma_start3A_862 = arith.constant 0 : i32
      %dma_start3A_863 = tpu.memref_slice %arg11[%dma_start3A_854, %dma_start3A_861, %dma_start3A_862] : memref<16x32x128xf32, #tpu.memory_space<vmem>> -> memref<1x32x128xf32, #tpu.memory_space<vmem>>
      %dma_start3A_864 = tpu.memref_squeeze %dma_start3A_863 : memref<1x32x128xf32, #tpu.memory_space<vmem>> -> memref<32x128xf32, #tpu.memory_space<vmem>>
      %dma_start3A_865 = arith.constant 0 : i32
      %dma_start3A_866 = tpu.memref_slice %arg5[%dma_start3A_865, %multiple_of3A_853] : memref<32x1000000xf32, #tpu.memory_space<hbm>> -> memref<32x128xf32, #tpu.memory_space<hbm>>
      tpu.enqueue_dma source(%dma_start3A_866 : memref<32x128xf32, #tpu.memory_space<hbm>>) target(%dma_start3A_864 : memref<32x128xf32, #tpu.memory_space<vmem>>) target_semaphore(%arg16 : memref<!tpu.dma_semaphore, #tpu.memory_space<semaphore_mem>>)
      %slice3A_867 = vector.extract_strided_slice %shift_right_logical3A_812 {offsets = [3], sizes = [1], strides = [1]} : vector<16xi32> to vector<1xi32>
      %squeeze3A_868 = vector.extract %slice3A_867[0] : i32 from vector<1xi32>
      %mul3A_869 = arith.constant 128 : i32
      %mul3A_870 = arith.muli %squeeze3A_868, %mul3A_869 : i32
      %multiple_of3A_871 = tpu.assume_multiple %mul3A_870, 128 : i32
      %dma_start3A_872 = arith.constant 3 : i32
      %dma_start3A_873 = arith.constant 0 : i32
      %dma_start3A_874 = arith.constant 0 : i32
      %dma_start3A_875 = tpu.memref_slice %arg11[%dma_start3A_872, %dma_start3A_873, %dma_start3A_874] : memref<16x32x128xf32, #tpu.memory_space<vmem>> -> memref<1x32x128xf32, #tpu.memory_space<vmem>>
      %dma_start3A_876 = tpu.memref_squeeze %dma_start3A_875 : memref<1x32x128xf32, #tpu.memory_space<vmem>> -> memref<32x128xf32, #tpu.memory_space<vmem>>
      %dma_start3A_877 = arith.constant 0 : i32
      %dma_start3A_878 = tpu.memref_slice %arg5[%dma_start3A_877, %multiple_of3A_871] : memref<32x1000000xf32, #tpu.memory_space<hbm>> -> memref<32x128xf32, #tpu.memory_space<hbm>>
      %dma_start3A_879 = arith.constant 0 : i32
      %dma_start3A_880 = arith.constant 0 : i32
      %dma_start3A_881 = tpu.memref_slice %arg11[%dma_start3A_872, %dma_start3A_879, %dma_start3A_880] : memref<16x32x128xf32, #tpu.memory_space<vmem>> -> memref<1x32x128xf32, #tpu.memory_space<vmem>>
      %dma_start3A_882 = tpu.memref_squeeze %dma_start3A_881 : memref<1x32x128xf32, #tpu.memory_space<vmem>> -> memref<32x128xf32, #tpu.memory_space<vmem>>
      %dma_start3A_883 = arith.constant 0 : i32
      %dma_start3A_884 = tpu.memref_slice %arg5[%dma_start3A_883, %multiple_of3A_871] : memref<32x1000000xf32, #tpu.memory_space<hbm>> -> memref<32x128xf32, #tpu.memory_space<hbm>>
      tpu.enqueue_dma source(%dma_start3A_884 : memref<32x128xf32, #tpu.memory_space<hbm>>) target(%dma_start3A_882 : memref<32x128xf32, #tpu.memory_space<vmem>>) target_semaphore(%arg16 : memref<!tpu.dma_semaphore, #tpu.memory_space<semaphore_mem>>)
      %slice3A_885 = vector.extract_strided_slice %shift_right_logical3A_812 {offsets = [4], sizes = [1], strides = [1]} : vector<16xi32> to vector<1xi32>
      %squeeze3A_886 = vector.extract %slice3A_885[0] : i32 from vector<1xi32>
      %mul3A_887 = arith.constant 128 : i32
      %mul3A_888 = arith.muli %squeeze3A_886, %mul3A_887 : i32
      %multiple_of3A_889 = tpu.assume_multiple %mul3A_888, 128 : i32
      %dma_start3A_890 = arith.constant 4 : i32
      %dma_start3A_891 = arith.constant 0 : i32
      %dma_start3A_892 = arith.constant 0 : i32
      %dma_start3A_893 = tpu.memref_slice %arg11[%dma_start3A_890, %dma_start3A_891, %dma_start3A_892] : memref<16x32x128xf32, #tpu.memory_space<vmem>> -> memref<1x32x128xf32, #tpu.memory_space<vmem>>
      %dma_start3A_894 = tpu.memref_squeeze %dma_start3A_893 : memref<1x32x128xf32, #tpu.memory_space<vmem>> -> memref<32x128xf32, #tpu.memory_space<vmem>>
      %dma_start3A_895 = arith.constant 0 : i32
      %dma_start3A_896 = tpu.memref_slice %arg5[%dma_start3A_895, %multiple_of3A_889] : memref<32x1000000xf32, #tpu.memory_space<hbm>> -> memref<32x128xf32, #tpu.memory_space<hbm>>
      %dma_start3A_897 = arith.constant 0 : i32
      %dma_start3A_898 = arith.constant 0 : i32
      %dma_start3A_899 = tpu.memref_slice %arg11[%dma_start3A_890, %dma_start3A_897, %dma_start3A_898] : memref<16x32x128xf32, #tpu.memory_space<vmem>> -> memref<1x32x128xf32, #tpu.memory_space<vmem>>
      %dma_start3A_900 = tpu.memref_squeeze %dma_start3A_899 : memref<1x32x128xf32, #tpu.memory_space<vmem>> -> memref<32x128xf32, #tpu.memory_space<vmem>>
      %dma_start3A_901 = arith.constant 0 : i32
      %dma_start3A_902 = tpu.memref_slice %arg5[%dma_start3A_901, %multiple_of3A_889] : memref<32x1000000xf32, #tpu.memory_space<hbm>> -> memref<32x128xf32, #tpu.memory_space<hbm>>
      tpu.enqueue_dma source(%dma_start3A_902 : memref<32x128xf32, #tpu.memory_space<hbm>>) target(%dma_start3A_900 : memref<32x128xf32, #tpu.memory_space<vmem>>) target_semaphore(%arg16 : memref<!tpu.dma_semaphore, #tpu.memory_space<semaphore_mem>>)
      %slice3A_903 = vector.extract_strided_slice %shift_right_logical3A_812 {offsets = [5], sizes = [1], strides = [1]} : vector<16xi32> to vector<1xi32>
      %squeeze3A_904 = vector.extract %slice3A_903[0] : i32 from vector<1xi32>
      %mul3A_905 = arith.constant 128 : i32
      %mul3A_906 = arith.muli %squeeze3A_904, %mul3A_905 : i32
      %multiple_of3A_907 = tpu.assume_multiple %mul3A_906, 128 : i32
      %dma_start3A_908 = arith.constant 5 : i32
      %dma_start3A_909 = arith.constant 0 : i32
      %dma_start3A_910 = arith.constant 0 : i32
      %dma_start3A_911 = tpu.memref_slice %arg11[%dma_start3A_908, %dma_start3A_909, %dma_start3A_910] : memref<16x32x128xf32, #tpu.memory_space<vmem>> -> memref<1x32x128xf32, #tpu.memory_space<vmem>>
      %dma_start3A_912 = tpu.memref_squeeze %dma_start3A_911 : memref<1x32x128xf32, #tpu.memory_space<vmem>> -> memref<32x128xf32, #tpu.memory_space<vmem>>
      %dma_start3A_913 = arith.constant 0 : i32
      %dma_start3A_914 = tpu.memref_slice %arg5[%dma_start3A_913, %multiple_of3A_907] : memref<32x1000000xf32, #tpu.memory_space<hbm>> -> memref<32x128xf32, #tpu.memory_space<hbm>>
      %dma_start3A_915 = arith.constant 0 : i32
      %dma_start3A_916 = arith.constant 0 : i32
      %dma_start3A_917 = tpu.memref_slice %arg11[%dma_start3A_908, %dma_start3A_915, %dma_start3A_916] : memref<16x32x128xf32, #tpu.memory_space<vmem>> -> memref<1x32x128xf32, #tpu.memory_space<vmem>>
      %dma_start3A_918 = tpu.memref_squeeze %dma_start3A_917 : memref<1x32x128xf32, #tpu.memory_space<vmem>> -> memref<32x128xf32, #tpu.memory_space<vmem>>
      %dma_start3A_919 = arith.constant 0 : i32
      %dma_start3A_920 = tpu.memref_slice %arg5[%dma_start3A_919, %multiple_of3A_907] : memref<32x1000000xf32, #tpu.memory_space<hbm>> -> memref<32x128xf32, #tpu.memory_space<hbm>>
      tpu.enqueue_dma source(%dma_start3A_920 : memref<32x128xf32, #tpu.memory_space<hbm>>) target(%dma_start3A_918 : memref<32x128xf32, #tpu.memory_space<vmem>>) target_semaphore(%arg16 : memref<!tpu.dma_semaphore, #tpu.memory_space<semaphore_mem>>)
      %slice3A_921 = vector.extract_strided_slice %shift_right_logical3A_812 {offsets = [6], sizes = [1], strides = [1]} : vector<16xi32> to vector<1xi32>
      %squeeze3A_922 = vector.extract %slice3A_921[0] : i32 from vector<1xi32>
      %mul3A_923 = arith.constant 128 : i32
      %mul3A_924 = arith.muli %squeeze3A_922, %mul3A_923 : i32
      %multiple_of3A_925 = tpu.assume_multiple %mul3A_924, 128 : i32
      %dma_start3A_926 = arith.constant 6 : i32
      %dma_start3A_927 = arith.constant 0 : i32
      %dma_start3A_928 = arith.constant 0 : i32
      %dma_start3A_929 = tpu.memref_slice %arg11[%dma_start3A_926, %dma_start3A_927, %dma_start3A_928] : memref<16x32x128xf32, #tpu.memory_space<vmem>> -> memref<1x32x128xf32, #tpu.memory_space<vmem>>
      %dma_start3A_930 = tpu.memref_squeeze %dma_start3A_929 : memref<1x32x128xf32, #tpu.memory_space<vmem>> -> memref<32x128xf32, #tpu.memory_space<vmem>>
      %dma_start3A_931 = arith.constant 0 : i32
      %dma_start3A_932 = tpu.memref_slice %arg5[%dma_start3A_931, %multiple_of3A_925] : memref<32x1000000xf32, #tpu.memory_space<hbm>> -> memref<32x128xf32, #tpu.memory_space<hbm>>
      %dma_start3A_933 = arith.constant 0 : i32
      %dma_start3A_934 = arith.constant 0 : i32
      %dma_start3A_935 = tpu.memref_slice %arg11[%dma_start3A_926, %dma_start3A_933, %dma_start3A_934] : memref<16x32x128xf32, #tpu.memory_space<vmem>> -> memref<1x32x128xf32, #tpu.memory_space<vmem>>
      %dma_start3A_936 = tpu.memref_squeeze %dma_start3A_935 : memref<1x32x128xf32, #tpu.memory_space<vmem>> -> memref<32x128xf32, #tpu.memory_space<vmem>>
      %dma_start3A_937 = arith.constant 0 : i32
      %dma_start3A_938 = tpu.memref_slice %arg5[%dma_start3A_937, %multiple_of3A_925] : memref<32x1000000xf32, #tpu.memory_space<hbm>> -> memref<32x128xf32, #tpu.memory_space<hbm>>
      tpu.enqueue_dma source(%dma_start3A_938 : memref<32x128xf32, #tpu.memory_space<hbm>>) target(%dma_start3A_936 : memref<32x128xf32, #tpu.memory_space<vmem>>) target_semaphore(%arg16 : memref<!tpu.dma_semaphore, #tpu.memory_space<semaphore_mem>>)
      %slice3A_939 = vector.extract_strided_slice %shift_right_logical3A_812 {offsets = [7], sizes = [1], strides = [1]} : vector<16xi32> to vector<1xi32>
      %squeeze3A_940 = vector.extract %slice3A_939[0] : i32 from vector<1xi32>
      %mul3A_941 = arith.constant 128 : i32
      %mul3A_942 = arith.muli %squeeze3A_940, %mul3A_941 : i32
      %multiple_of3A_943 = tpu.assume_multiple %mul3A_942, 128 : i32
      %dma_start3A_944 = arith.constant 7 : i32
      %dma_start3A_945 = arith.constant 0 : i32
      %dma_start3A_946 = arith.constant 0 : i32
      %dma_start3A_947 = tpu.memref_slice %arg11[%dma_start3A_944, %dma_start3A_945, %dma_start3A_946] : memref<16x32x128xf32, #tpu.memory_space<vmem>> -> memref<1x32x128xf32, #tpu.memory_space<vmem>>
      %dma_start3A_948 = tpu.memref_squeeze %dma_start3A_947 : memref<1x32x128xf32, #tpu.memory_space<vmem>> -> memref<32x128xf32, #tpu.memory_space<vmem>>
      %dma_start3A_949 = arith.constant 0 : i32
      %dma_start3A_950 = tpu.memref_slice %arg5[%dma_start3A_949, %multiple_of3A_943] : memref<32x1000000xf32, #tpu.memory_space<hbm>> -> memref<32x128xf32, #tpu.memory_space<hbm>>
      %dma_start3A_951 = arith.constant 0 : i32
      %dma_start3A_952 = arith.constant 0 : i32
      %dma_start3A_953 = tpu.memref_slice %arg11[%dma_start3A_944, %dma_start3A_951, %dma_start3A_952] : memref<16x32x128xf32, #tpu.memory_space<vmem>> -> memref<1x32x128xf32, #tpu.memory_space<vmem>>
      %dma_start3A_954 = tpu.memref_squeeze %dma_start3A_953 : memref<1x32x128xf32, #tpu.memory_space<vmem>> -> memref<32x128xf32, #tpu.memory_space<vmem>>
      %dma_start3A_955 = arith.constant 0 : i32
      %dma_start3A_956 = tpu.memref_slice %arg5[%dma_start3A_955, %multiple_of3A_943] : memref<32x1000000xf32, #tpu.memory_space<hbm>> -> memref<32x128xf32, #tpu.memory_space<hbm>>
      tpu.enqueue_dma source(%dma_start3A_956 : memref<32x128xf32, #tpu.memory_space<hbm>>) target(%dma_start3A_954 : memref<32x128xf32, #tpu.memory_space<vmem>>) target_semaphore(%arg16 : memref<!tpu.dma_semaphore, #tpu.memory_space<semaphore_mem>>)
      %slice3A_957 = vector.extract_strided_slice %shift_right_logical3A_812 {offsets = [8], sizes = [1], strides = [1]} : vector<16xi32> to vector<1xi32>
      %squeeze3A_958 = vector.extract %slice3A_957[0] : i32 from vector<1xi32>
      %mul3A_959 = arith.constant 128 : i32
      %mul3A_960 = arith.muli %squeeze3A_958, %mul3A_959 : i32
      %multiple_of3A_961 = tpu.assume_multiple %mul3A_960, 128 : i32
      %dma_start3A_962 = arith.constant 8 : i32
      %dma_start3A_963 = arith.constant 0 : i32
      %dma_start3A_964 = arith.constant 0 : i32
      %dma_start3A_965 = tpu.memref_slice %arg11[%dma_start3A_962, %dma_start3A_963, %dma_start3A_964] : memref<16x32x128xf32, #tpu.memory_space<vmem>> -> memref<1x32x128xf32, #tpu.memory_space<vmem>>
      %dma_start3A_966 = tpu.memref_squeeze %dma_start3A_965 : memref<1x32x128xf32, #tpu.memory_space<vmem>> -> memref<32x128xf32, #tpu.memory_space<vmem>>
      %dma_start3A_967 = arith.constant 0 : i32
      %dma_start3A_968 = tpu.memref_slice %arg5[%dma_start3A_967, %multiple_of3A_961] : memref<32x1000000xf32, #tpu.memory_space<hbm>> -> memref<32x128xf32, #tpu.memory_space<hbm>>
      %dma_start3A_969 = arith.constant 0 : i32
      %dma_start3A_970 = arith.constant 0 : i32
      %dma_start3A_971 = tpu.memref_slice %arg11[%dma_start3A_962, %dma_start3A_969, %dma_start3A_970] : memref<16x32x128xf32, #tpu.memory_space<vmem>> -> memref<1x32x128xf32, #tpu.memory_space<vmem>>
      %dma_start3A_972 = tpu.memref_squeeze %dma_start3A_971 : memref<1x32x128xf32, #tpu.memory_space<vmem>> -> memref<32x128xf32, #tpu.memory_space<vmem>>
      %dma_start3A_973 = arith.constant 0 : i32
      %dma_start3A_974 = tpu.memref_slice %arg5[%dma_start3A_973, %multiple_of3A_961] : memref<32x1000000xf32, #tpu.memory_space<hbm>> -> memref<32x128xf32, #tpu.memory_space<hbm>>
      tpu.enqueue_dma source(%dma_start3A_974 : memref<32x128xf32, #tpu.memory_space<hbm>>) target(%dma_start3A_972 : memref<32x128xf32, #tpu.memory_space<vmem>>) target_semaphore(%arg16 : memref<!tpu.dma_semaphore, #tpu.memory_space<semaphore_mem>>)
      %slice3A_975 = vector.extract_strided_slice %shift_right_logical3A_812 {offsets = [9], sizes = [1], strides = [1]} : vector<16xi32> to vector<1xi32>
      %squeeze3A_976 = vector.extract %slice3A_975[0] : i32 from vector<1xi32>
      %mul3A_977 = arith.constant 128 : i32
      %mul3A_978 = arith.muli %squeeze3A_976, %mul3A_977 : i32
      %multiple_of3A_979 = tpu.assume_multiple %mul3A_978, 128 : i32
      %dma_start3A_980 = arith.constant 9 : i32
      %dma_start3A_981 = arith.constant 0 : i32
      %dma_start3A_982 = arith.constant 0 : i32
      %dma_start3A_983 = tpu.memref_slice %arg11[%dma_start3A_980, %dma_start3A_981, %dma_start3A_982] : memref<16x32x128xf32, #tpu.memory_space<vmem>> -> memref<1x32x128xf32, #tpu.memory_space<vmem>>
      %dma_start3A_984 = tpu.memref_squeeze %dma_start3A_983 : memref<1x32x128xf32, #tpu.memory_space<vmem>> -> memref<32x128xf32, #tpu.memory_space<vmem>>
      %dma_start3A_985 = arith.constant 0 : i32
      %dma_start3A_986 = tpu.memref_slice %arg5[%dma_start3A_985, %multiple_of3A_979] : memref<32x1000000xf32, #tpu.memory_space<hbm>> -> memref<32x128xf32, #tpu.memory_space<hbm>>
      %dma_start3A_987 = arith.constant 0 : i32
      %dma_start3A_988 = arith.constant 0 : i32
      %dma_start3A_989 = tpu.memref_slice %arg11[%dma_start3A_980, %dma_start3A_987, %dma_start3A_988] : memref<16x32x128xf32, #tpu.memory_space<vmem>> -> memref<1x32x128xf32, #tpu.memory_space<vmem>>
      %dma_start3A_990 = tpu.memref_squeeze %dma_start3A_989 : memref<1x32x128xf32, #tpu.memory_space<vmem>> -> memref<32x128xf32, #tpu.memory_space<vmem>>
      %dma_start3A_991 = arith.constant 0 : i32
      %dma_start3A_992 = tpu.memref_slice %arg5[%dma_start3A_991, %multiple_of3A_979] : memref<32x1000000xf32, #tpu.memory_space<hbm>> -> memref<32x128xf32, #tpu.memory_space<hbm>>
      tpu.enqueue_dma source(%dma_start3A_992 : memref<32x128xf32, #tpu.memory_space<hbm>>) target(%dma_start3A_990 : memref<32x128xf32, #tpu.memory_space<vmem>>) target_semaphore(%arg16 : memref<!tpu.dma_semaphore, #tpu.memory_space<semaphore_mem>>)
      %slice3A_993 = vector.extract_strided_slice %shift_right_logical3A_812 {offsets = [10], sizes = [1], strides = [1]} : vector<16xi32> to vector<1xi32>
      %squeeze3A_994 = vector.extract %slice3A_993[0] : i32 from vector<1xi32>
      %mul3A_995 = arith.constant 128 : i32
      %mul3A_996 = arith.muli %squeeze3A_994, %mul3A_995 : i32
      %multiple_of3A_997 = tpu.assume_multiple %mul3A_996, 128 : i32
      %dma_start3A_998 = arith.constant 10 : i32
      %dma_start3A_999 = arith.constant 0 : i32
      %dma_start3A_1000 = arith.constant 0 : i32
      %dma_start3A_1001 = tpu.memref_slice %arg11[%dma_start3A_998, %dma_start3A_999, %dma_start3A_1000] : memref<16x32x128xf32, #tpu.memory_space<vmem>> -> memref<1x32x128xf32, #tpu.memory_space<vmem>>
      %dma_start3A_1002 = tpu.memref_squeeze %dma_start3A_1001 : memref<1x32x128xf32, #tpu.memory_space<vmem>> -> memref<32x128xf32, #tpu.memory_space<vmem>>
      %dma_start3A_1003 = arith.constant 0 : i32
      %dma_start3A_1004 = tpu.memref_slice %arg5[%dma_start3A_1003, %multiple_of3A_997] : memref<32x1000000xf32, #tpu.memory_space<hbm>> -> memref<32x128xf32, #tpu.memory_space<hbm>>
      %dma_start3A_1005 = arith.constant 0 : i32
      %dma_start3A_1006 = arith.constant 0 : i32
      %dma_start3A_1007 = tpu.memref_slice %arg11[%dma_start3A_998, %dma_start3A_1005, %dma_start3A_1006] : memref<16x32x128xf32, #tpu.memory_space<vmem>> -> memref<1x32x128xf32, #tpu.memory_space<vmem>>
      %dma_start3A_1008 = tpu.memref_squeeze %dma_start3A_1007 : memref<1x32x128xf32, #tpu.memory_space<vmem>> -> memref<32x128xf32, #tpu.memory_space<vmem>>
      %dma_start3A_1009 = arith.constant 0 : i32
      %dma_start3A_1010 = tpu.memref_slice %arg5[%dma_start3A_1009, %multiple_of3A_997] : memref<32x1000000xf32, #tpu.memory_space<hbm>> -> memref<32x128xf32, #tpu.memory_space<hbm>>
      tpu.enqueue_dma source(%dma_start3A_1010 : memref<32x128xf32, #tpu.memory_space<hbm>>) target(%dma_start3A_1008 : memref<32x128xf32, #tpu.memory_space<vmem>>) target_semaphore(%arg16 : memref<!tpu.dma_semaphore, #tpu.memory_space<semaphore_mem>>)
      %slice3A_1011 = vector.extract_strided_slice %shift_right_logical3A_812 {offsets = [11], sizes = [1], strides = [1]} : vector<16xi32> to vector<1xi32>
      %squeeze3A_1012 = vector.extract %slice3A_1011[0] : i32 from vector<1xi32>
      %mul3A_1013 = arith.constant 128 : i32
      %mul3A_1014 = arith.muli %squeeze3A_1012, %mul3A_1013 : i32
      %multiple_of3A_1015 = tpu.assume_multiple %mul3A_1014, 128 : i32
      %dma_start3A_1016 = arith.constant 11 : i32
      %dma_start3A_1017 = arith.constant 0 : i32
      %dma_start3A_1018 = arith.constant 0 : i32
      %dma_start3A_1019 = tpu.memref_slice %arg11[%dma_start3A_1016, %dma_start3A_1017, %dma_start3A_1018] : memref<16x32x128xf32, #tpu.memory_space<vmem>> -> memref<1x32x128xf32, #tpu.memory_space<vmem>>
      %dma_start3A_1020 = tpu.memref_squeeze %dma_start3A_1019 : memref<1x32x128xf32, #tpu.memory_space<vmem>> -> memref<32x128xf32, #tpu.memory_space<vmem>>
      %dma_start3A_1021 = arith.constant 0 : i32
      %dma_start3A_1022 = tpu.memref_slice %arg5[%dma_start3A_1021, %multiple_of3A_1015] : memref<32x1000000xf32, #tpu.memory_space<hbm>> -> memref<32x128xf32, #tpu.memory_space<hbm>>
      %dma_start3A_1023 = arith.constant 0 : i32
      %dma_start3A_1024 = arith.constant 0 : i32
      %dma_start3A_1025 = tpu.memref_slice %arg11[%dma_start3A_1016, %dma_start3A_1023, %dma_start3A_1024] : memref<16x32x128xf32, #tpu.memory_space<vmem>> -> memref<1x32x128xf32, #tpu.memory_space<vmem>>
      %dma_start3A_1026 = tpu.memref_squeeze %dma_start3A_1025 : memref<1x32x128xf32, #tpu.memory_space<vmem>> -> memref<32x128xf32, #tpu.memory_space<vmem>>
      %dma_start3A_1027 = arith.constant 0 : i32
      %dma_start3A_1028 = tpu.memref_slice %arg5[%dma_start3A_1027, %multiple_of3A_1015] : memref<32x1000000xf32, #tpu.memory_space<hbm>> -> memref<32x128xf32, #tpu.memory_space<hbm>>
      tpu.enqueue_dma source(%dma_start3A_1028 : memref<32x128xf32, #tpu.memory_space<hbm>>) target(%dma_start3A_1026 : memref<32x128xf32, #tpu.memory_space<vmem>>) target_semaphore(%arg16 : memref<!tpu.dma_semaphore, #tpu.memory_space<semaphore_mem>>)
      %slice3A_1029 = vector.extract_strided_slice %shift_right_logical3A_812 {offsets = [12], sizes = [1], strides = [1]} : vector<16xi32> to vector<1xi32>
      %squeeze3A_1030 = vector.extract %slice3A_1029[0] : i32 from vector<1xi32>
      %mul3A_1031 = arith.constant 128 : i32
      %mul3A_1032 = arith.muli %squeeze3A_1030, %mul3A_1031 : i32
      %multiple_of3A_1033 = tpu.assume_multiple %mul3A_1032, 128 : i32
      %dma_start3A_1034 = arith.constant 12 : i32
      %dma_start3A_1035 = arith.constant 0 : i32
      %dma_start3A_1036 = arith.constant 0 : i32
      %dma_start3A_1037 = tpu.memref_slice %arg11[%dma_start3A_1034, %dma_start3A_1035, %dma_start3A_1036] : memref<16x32x128xf32, #tpu.memory_space<vmem>> -> memref<1x32x128xf32, #tpu.memory_space<vmem>>
      %dma_start3A_1038 = tpu.memref_squeeze %dma_start3A_1037 : memref<1x32x128xf32, #tpu.memory_space<vmem>> -> memref<32x128xf32, #tpu.memory_space<vmem>>
      %dma_start3A_1039 = arith.constant 0 : i32
      %dma_start3A_1040 = tpu.memref_slice %arg5[%dma_start3A_1039, %multiple_of3A_1033] : memref<32x1000000xf32, #tpu.memory_space<hbm>> -> memref<32x128xf32, #tpu.memory_space<hbm>>
      %dma_start3A_1041 = arith.constant 0 : i32
      %dma_start3A_1042 = arith.constant 0 : i32
      %dma_start3A_1043 = tpu.memref_slice %arg11[%dma_start3A_1034, %dma_start3A_1041, %dma_start3A_1042] : memref<16x32x128xf32, #tpu.memory_space<vmem>> -> memref<1x32x128xf32, #tpu.memory_space<vmem>>
      %dma_start3A_1044 = tpu.memref_squeeze %dma_start3A_1043 : memref<1x32x128xf32, #tpu.memory_space<vmem>> -> memref<32x128xf32, #tpu.memory_space<vmem>>
      %dma_start3A_1045 = arith.constant 0 : i32
      %dma_start3A_1046 = tpu.memref_slice %arg5[%dma_start3A_1045, %multiple_of3A_1033] : memref<32x1000000xf32, #tpu.memory_space<hbm>> -> memref<32x128xf32, #tpu.memory_space<hbm>>
      tpu.enqueue_dma source(%dma_start3A_1046 : memref<32x128xf32, #tpu.memory_space<hbm>>) target(%dma_start3A_1044 : memref<32x128xf32, #tpu.memory_space<vmem>>) target_semaphore(%arg16 : memref<!tpu.dma_semaphore, #tpu.memory_space<semaphore_mem>>)
      %slice3A_1047 = vector.extract_strided_slice %shift_right_logical3A_812 {offsets = [13], sizes = [1], strides = [1]} : vector<16xi32> to vector<1xi32>
      %squeeze3A_1048 = vector.extract %slice3A_1047[0] : i32 from vector<1xi32>
      %mul3A_1049 = arith.constant 128 : i32
      %mul3A_1050 = arith.muli %squeeze3A_1048, %mul3A_1049 : i32
      %multiple_of3A_1051 = tpu.assume_multiple %mul3A_1050, 128 : i32
      %dma_start3A_1052 = arith.constant 13 : i32
      %dma_start3A_1053 = arith.constant 0 : i32
      %dma_start3A_1054 = arith.constant 0 : i32
      %dma_start3A_1055 = tpu.memref_slice %arg11[%dma_start3A_1052, %dma_start3A_1053, %dma_start3A_1054] : memref<16x32x128xf32, #tpu.memory_space<vmem>> -> memref<1x32x128xf32, #tpu.memory_space<vmem>>
      %dma_start3A_1056 = tpu.memref_squeeze %dma_start3A_1055 : memref<1x32x128xf32, #tpu.memory_space<vmem>> -> memref<32x128xf32, #tpu.memory_space<vmem>>
      %dma_start3A_1057 = arith.constant 0 : i32
      %dma_start3A_1058 = tpu.memref_slice %arg5[%dma_start3A_1057, %multiple_of3A_1051] : memref<32x1000000xf32, #tpu.memory_space<hbm>> -> memref<32x128xf32, #tpu.memory_space<hbm>>
      %dma_start3A_1059 = arith.constant 0 : i32
      %dma_start3A_1060 = arith.constant 0 : i32
      %dma_start3A_1061 = tpu.memref_slice %arg11[%dma_start3A_1052, %dma_start3A_1059, %dma_start3A_1060] : memref<16x32x128xf32, #tpu.memory_space<vmem>> -> memref<1x32x128xf32, #tpu.memory_space<vmem>>
      %dma_start3A_1062 = tpu.memref_squeeze %dma_start3A_1061 : memref<1x32x128xf32, #tpu.memory_space<vmem>> -> memref<32x128xf32, #tpu.memory_space<vmem>>
      %dma_start3A_1063 = arith.constant 0 : i32
      %dma_start3A_1064 = tpu.memref_slice %arg5[%dma_start3A_1063, %multiple_of3A_1051] : memref<32x1000000xf32, #tpu.memory_space<hbm>> -> memref<32x128xf32, #tpu.memory_space<hbm>>
      tpu.enqueue_dma source(%dma_start3A_1064 : memref<32x128xf32, #tpu.memory_space<hbm>>) target(%dma_start3A_1062 : memref<32x128xf32, #tpu.memory_space<vmem>>) target_semaphore(%arg16 : memref<!tpu.dma_semaphore, #tpu.memory_space<semaphore_mem>>)
      %slice3A_1065 = vector.extract_strided_slice %shift_right_logical3A_812 {offsets = [14], sizes = [1], strides = [1]} : vector<16xi32> to vector<1xi32>
      %squeeze3A_1066 = vector.extract %slice3A_1065[0] : i32 from vector<1xi32>
      %mul3A_1067 = arith.constant 128 : i32
      %mul3A_1068 = arith.muli %squeeze3A_1066, %mul3A_1067 : i32
      %multiple_of3A_1069 = tpu.assume_multiple %mul3A_1068, 128 : i32
      %dma_start3A_1070 = arith.constant 14 : i32
      %dma_start3A_1071 = arith.constant 0 : i32
      %dma_start3A_1072 = arith.constant 0 : i32
      %dma_start3A_1073 = tpu.memref_slice %arg11[%dma_start3A_1070, %dma_start3A_1071, %dma_start3A_1072] : memref<16x32x128xf32, #tpu.memory_space<vmem>> -> memref<1x32x128xf32, #tpu.memory_space<vmem>>
      %dma_start3A_1074 = tpu.memref_squeeze %dma_start3A_1073 : memref<1x32x128xf32, #tpu.memory_space<vmem>> -> memref<32x128xf32, #tpu.memory_space<vmem>>
      %dma_start3A_1075 = arith.constant 0 : i32
      %dma_start3A_1076 = tpu.memref_slice %arg5[%dma_start3A_1075, %multiple_of3A_1069] : memref<32x1000000xf32, #tpu.memory_space<hbm>> -> memref<32x128xf32, #tpu.memory_space<hbm>>
      %dma_start3A_1077 = arith.constant 0 : i32
      %dma_start3A_1078 = arith.constant 0 : i32
      %dma_start3A_1079 = tpu.memref_slice %arg11[%dma_start3A_1070, %dma_start3A_1077, %dma_start3A_1078] : memref<16x32x128xf32, #tpu.memory_space<vmem>> -> memref<1x32x128xf32, #tpu.memory_space<vmem>>
      %dma_start3A_1080 = tpu.memref_squeeze %dma_start3A_1079 : memref<1x32x128xf32, #tpu.memory_space<vmem>> -> memref<32x128xf32, #tpu.memory_space<vmem>>
      %dma_start3A_1081 = arith.constant 0 : i32
      %dma_start3A_1082 = tpu.memref_slice %arg5[%dma_start3A_1081, %multiple_of3A_1069] : memref<32x1000000xf32, #tpu.memory_space<hbm>> -> memref<32x128xf32, #tpu.memory_space<hbm>>
      tpu.enqueue_dma source(%dma_start3A_1082 : memref<32x128xf32, #tpu.memory_space<hbm>>) target(%dma_start3A_1080 : memref<32x128xf32, #tpu.memory_space<vmem>>) target_semaphore(%arg16 : memref<!tpu.dma_semaphore, #tpu.memory_space<semaphore_mem>>)
      %slice3A_1083 = vector.extract_strided_slice %shift_right_logical3A_812 {offsets = [15], sizes = [1], strides = [1]} : vector<16xi32> to vector<1xi32>
      %squeeze3A_1084 = vector.extract %slice3A_1083[0] : i32 from vector<1xi32>
      %mul3A_1085 = arith.constant 128 : i32
      %mul3A_1086 = arith.muli %squeeze3A_1084, %mul3A_1085 : i32
      %multiple_of3A_1087 = tpu.assume_multiple %mul3A_1086, 128 : i32
      %dma_start3A_1088 = arith.constant 15 : i32
      %dma_start3A_1089 = arith.constant 0 : i32
      %dma_start3A_1090 = arith.constant 0 : i32
      %dma_start3A_1091 = tpu.memref_slice %arg11[%dma_start3A_1088, %dma_start3A_1089, %dma_start3A_1090] : memref<16x32x128xf32, #tpu.memory_space<vmem>> -> memref<1x32x128xf32, #tpu.memory_space<vmem>>
      %dma_start3A_1092 = tpu.memref_squeeze %dma_start3A_1091 : memref<1x32x128xf32, #tpu.memory_space<vmem>> -> memref<32x128xf32, #tpu.memory_space<vmem>>
      %dma_start3A_1093 = arith.constant 0 : i32
      %dma_start3A_1094 = tpu.memref_slice %arg5[%dma_start3A_1093, %multiple_of3A_1087] : memref<32x1000000xf32, #tpu.memory_space<hbm>> -> memref<32x128xf32, #tpu.memory_space<hbm>>
      %dma_start3A_1095 = arith.constant 0 : i32
      %dma_start3A_1096 = arith.constant 0 : i32
      %dma_start3A_1097 = tpu.memref_slice %arg11[%dma_start3A_1088, %dma_start3A_1095, %dma_start3A_1096] : memref<16x32x128xf32, #tpu.memory_space<vmem>> -> memref<1x32x128xf32, #tpu.memory_space<vmem>>
      %dma_start3A_1098 = tpu.memref_squeeze %dma_start3A_1097 : memref<1x32x128xf32, #tpu.memory_space<vmem>> -> memref<32x128xf32, #tpu.memory_space<vmem>>
      %dma_start3A_1099 = arith.constant 0 : i32
      %dma_start3A_1100 = tpu.memref_slice %arg5[%dma_start3A_1099, %multiple_of3A_1087] : memref<32x1000000xf32, #tpu.memory_space<hbm>> -> memref<32x128xf32, #tpu.memory_space<hbm>>
      tpu.enqueue_dma source(%dma_start3A_1100 : memref<32x128xf32, #tpu.memory_space<hbm>>) target(%dma_start3A_1098 : memref<32x128xf32, #tpu.memory_space<vmem>>) target_semaphore(%arg16 : memref<!tpu.dma_semaphore, #tpu.memory_space<semaphore_mem>>)
      %dma_wait3A_1101 = arith.constant 0 : i32
      %dma_wait3A_1102 = arith.constant 0 : i32
      %dma_wait3A_1103 = arith.constant 0 : i32
      %dma_wait3A_1104 = tpu.memref_slice %arg11[%dma_wait3A_1101, %dma_wait3A_1102, %dma_wait3A_1103] : memref<16x32x128xf32, #tpu.memory_space<vmem>> -> memref<1x32x128xf32, #tpu.memory_space<vmem>>
      %dma_wait3A_1105 = tpu.memref_squeeze %dma_wait3A_1104 : memref<1x32x128xf32, #tpu.memory_space<vmem>> -> memref<32x128xf32, #tpu.memory_space<vmem>>
      %dma_wait3A_1106 = arith.constant 0 : i32
      %dma_wait3A_1107 = tpu.memref_slice %arg5[%dma_wait3A_1106, %multiple_of3A_817] : memref<32x1000000xf32, #tpu.memory_space<hbm>> -> memref<32x128xf32, #tpu.memory_space<hbm>>
      %dma_wait3A_1108 = arith.constant 0 : i32
      %dma_wait3A_1109 = arith.constant 0 : i32
      %dma_wait3A_1110 = tpu.memref_slice %arg11[%dma_wait3A_1101, %dma_wait3A_1108, %dma_wait3A_1109] : memref<16x32x128xf32, #tpu.memory_space<vmem>> -> memref<1x32x128xf32, #tpu.memory_space<vmem>>
      %dma_wait3A_1111 = tpu.memref_squeeze %dma_wait3A_1110 : memref<1x32x128xf32, #tpu.memory_space<vmem>> -> memref<32x128xf32, #tpu.memory_space<vmem>>
      %dma_wait3A_1112 = arith.constant 0 : i32
      %dma_wait3A_1113 = tpu.memref_slice %arg5[%dma_wait3A_1112, %multiple_of3A_817] : memref<32x1000000xf32, #tpu.memory_space<hbm>> -> memref<32x128xf32, #tpu.memory_space<hbm>>
      tpu.wait_dma2 semaphore(%arg16 : memref<!tpu.dma_semaphore, #tpu.memory_space<semaphore_mem>>) src(%dma_wait3A_1113 : memref<32x128xf32, #tpu.memory_space<hbm>>) dst(%dma_wait3A_1111 : memref<32x128xf32, #tpu.memory_space<vmem>>)
      %dma_wait3A_1114 = arith.constant 1 : i32
      %dma_wait3A_1115 = arith.constant 0 : i32
      %dma_wait3A_1116 = arith.constant 0 : i32
      %dma_wait3A_1117 = tpu.memref_slice %arg11[%dma_wait3A_1114, %dma_wait3A_1115, %dma_wait3A_1116] : memref<16x32x128xf32, #tpu.memory_space<vmem>> -> memref<1x32x128xf32, #tpu.memory_space<vmem>>
      %dma_wait3A_1118 = tpu.memref_squeeze %dma_wait3A_1117 : memref<1x32x128xf32, #tpu.memory_space<vmem>> -> memref<32x128xf32, #tpu.memory_space<vmem>>
      %dma_wait3A_1119 = arith.constant 0 : i32
      %dma_wait3A_1120 = tpu.memref_slice %arg5[%dma_wait3A_1119, %multiple_of3A_835] : memref<32x1000000xf32, #tpu.memory_space<hbm>> -> memref<32x128xf32, #tpu.memory_space<hbm>>
      %dma_wait3A_1121 = arith.constant 0 : i32
      %dma_wait3A_1122 = arith.constant 0 : i32
      %dma_wait3A_1123 = tpu.memref_slice %arg11[%dma_wait3A_1114, %dma_wait3A_1121, %dma_wait3A_1122] : memref<16x32x128xf32, #tpu.memory_space<vmem>> -> memref<1x32x128xf32, #tpu.memory_space<vmem>>
      %dma_wait3A_1124 = tpu.memref_squeeze %dma_wait3A_1123 : memref<1x32x128xf32, #tpu.memory_space<vmem>> -> memref<32x128xf32, #tpu.memory_space<vmem>>
      %dma_wait3A_1125 = arith.constant 0 : i32
      %dma_wait3A_1126 = tpu.memref_slice %arg5[%dma_wait3A_1125, %multiple_of3A_835] : memref<32x1000000xf32, #tpu.memory_space<hbm>> -> memref<32x128xf32, #tpu.memory_space<hbm>>
      tpu.wait_dma2 semaphore(%arg16 : memref<!tpu.dma_semaphore, #tpu.memory_space<semaphore_mem>>) src(%dma_wait3A_1126 : memref<32x128xf32, #tpu.memory_space<hbm>>) dst(%dma_wait3A_1124 : memref<32x128xf32, #tpu.memory_space<vmem>>)
      %dma_wait3A_1127 = arith.constant 2 : i32
      %dma_wait3A_1128 = arith.constant 0 : i32
      %dma_wait3A_1129 = arith.constant 0 : i32
      %dma_wait3A_1130 = tpu.memref_slice %arg11[%dma_wait3A_1127, %dma_wait3A_1128, %dma_wait3A_1129] : memref<16x32x128xf32, #tpu.memory_space<vmem>> -> memref<1x32x128xf32, #tpu.memory_space<vmem>>
      %dma_wait3A_1131 = tpu.memref_squeeze %dma_wait3A_1130 : memref<1x32x128xf32, #tpu.memory_space<vmem>> -> memref<32x128xf32, #tpu.memory_space<vmem>>
      %dma_wait3A_1132 = arith.constant 0 : i32
      %dma_wait3A_1133 = tpu.memref_slice %arg5[%dma_wait3A_1132, %multiple_of3A_853] : memref<32x1000000xf32, #tpu.memory_space<hbm>> -> memref<32x128xf32, #tpu.memory_space<hbm>>
      %dma_wait3A_1134 = arith.constant 0 : i32
      %dma_wait3A_1135 = arith.constant 0 : i32
      %dma_wait3A_1136 = tpu.memref_slice %arg11[%dma_wait3A_1127, %dma_wait3A_1134, %dma_wait3A_1135] : memref<16x32x128xf32, #tpu.memory_space<vmem>> -> memref<1x32x128xf32, #tpu.memory_space<vmem>>
      %dma_wait3A_1137 = tpu.memref_squeeze %dma_wait3A_1136 : memref<1x32x128xf32, #tpu.memory_space<vmem>> -> memref<32x128xf32, #tpu.memory_space<vmem>>
      %dma_wait3A_1138 = arith.constant 0 : i32
      %dma_wait3A_1139 = tpu.memref_slice %arg5[%dma_wait3A_1138, %multiple_of3A_853] : memref<32x1000000xf32, #tpu.memory_space<hbm>> -> memref<32x128xf32, #tpu.memory_space<hbm>>
      tpu.wait_dma2 semaphore(%arg16 : memref<!tpu.dma_semaphore, #tpu.memory_space<semaphore_mem>>) src(%dma_wait3A_1139 : memref<32x128xf32, #tpu.memory_space<hbm>>) dst(%dma_wait3A_1137 : memref<32x128xf32, #tpu.memory_space<vmem>>)
      %dma_wait3A_1140 = arith.constant 3 : i32
      %dma_wait3A_1141 = arith.constant 0 : i32
      %dma_wait3A_1142 = arith.constant 0 : i32
      %dma_wait3A_1143 = tpu.memref_slice %arg11[%dma_wait3A_1140, %dma_wait3A_1141, %dma_wait3A_1142] : memref<16x32x128xf32, #tpu.memory_space<vmem>> -> memref<1x32x128xf32, #tpu.memory_space<vmem>>
      %dma_wait3A_1144 = tpu.memref_squeeze %dma_wait3A_1143 : memref<1x32x128xf32, #tpu.memory_space<vmem>> -> memref<32x128xf32, #tpu.memory_space<vmem>>
      %dma_wait3A_1145 = arith.constant 0 : i32
      %dma_wait3A_1146 = tpu.memref_slice %arg5[%dma_wait3A_1145, %multiple_of3A_871] : memref<32x1000000xf32, #tpu.memory_space<hbm>> -> memref<32x128xf32, #tpu.memory_space<hbm>>
      %dma_wait3A_1147 = arith.constant 0 : i32
      %dma_wait3A_1148 = arith.constant 0 : i32
      %dma_wait3A_1149 = tpu.memref_slice %arg11[%dma_wait3A_1140, %dma_wait3A_1147, %dma_wait3A_1148] : memref<16x32x128xf32, #tpu.memory_space<vmem>> -> memref<1x32x128xf32, #tpu.memory_space<vmem>>
      %dma_wait3A_1150 = tpu.memref_squeeze %dma_wait3A_1149 : memref<1x32x128xf32, #tpu.memory_space<vmem>> -> memref<32x128xf32, #tpu.memory_space<vmem>>
      %dma_wait3A_1151 = arith.constant 0 : i32
      %dma_wait3A_1152 = tpu.memref_slice %arg5[%dma_wait3A_1151, %multiple_of3A_871] : memref<32x1000000xf32, #tpu.memory_space<hbm>> -> memref<32x128xf32, #tpu.memory_space<hbm>>
      tpu.wait_dma2 semaphore(%arg16 : memref<!tpu.dma_semaphore, #tpu.memory_space<semaphore_mem>>) src(%dma_wait3A_1152 : memref<32x128xf32, #tpu.memory_space<hbm>>) dst(%dma_wait3A_1150 : memref<32x128xf32, #tpu.memory_space<vmem>>)
      %dma_wait3A_1153 = arith.constant 4 : i32
      %dma_wait3A_1154 = arith.constant 0 : i32
      %dma_wait3A_1155 = arith.constant 0 : i32
      %dma_wait3A_1156 = tpu.memref_slice %arg11[%dma_wait3A_1153, %dma_wait3A_1154, %dma_wait3A_1155] : memref<16x32x128xf32, #tpu.memory_space<vmem>> -> memref<1x32x128xf32, #tpu.memory_space<vmem>>
      %dma_wait3A_1157 = tpu.memref_squeeze %dma_wait3A_1156 : memref<1x32x128xf32, #tpu.memory_space<vmem>> -> memref<32x128xf32, #tpu.memory_space<vmem>>
      %dma_wait3A_1158 = arith.constant 0 : i32
      %dma_wait3A_1159 = tpu.memref_slice %arg5[%dma_wait3A_1158, %multiple_of3A_889] : memref<32x1000000xf32, #tpu.memory_space<hbm>> -> memref<32x128xf32, #tpu.memory_space<hbm>>
      %dma_wait3A_1160 = arith.constant 0 : i32
      %dma_wait3A_1161 = arith.constant 0 : i32
      %dma_wait3A_1162 = tpu.memref_slice %arg11[%dma_wait3A_1153, %dma_wait3A_1160, %dma_wait3A_1161] : memref<16x32x128xf32, #tpu.memory_space<vmem>> -> memref<1x32x128xf32, #tpu.memory_space<vmem>>
      %dma_wait3A_1163 = tpu.memref_squeeze %dma_wait3A_1162 : memref<1x32x128xf32, #tpu.memory_space<vmem>> -> memref<32x128xf32, #tpu.memory_space<vmem>>
      %dma_wait3A_1164 = arith.constant 0 : i32
      %dma_wait3A_1165 = tpu.memref_slice %arg5[%dma_wait3A_1164, %multiple_of3A_889] : memref<32x1000000xf32, #tpu.memory_space<hbm>> -> memref<32x128xf32, #tpu.memory_space<hbm>>
      tpu.wait_dma2 semaphore(%arg16 : memref<!tpu.dma_semaphore, #tpu.memory_space<semaphore_mem>>) src(%dma_wait3A_1165 : memref<32x128xf32, #tpu.memory_space<hbm>>) dst(%dma_wait3A_1163 : memref<32x128xf32, #tpu.memory_space<vmem>>)
      %dma_wait3A_1166 = arith.constant 5 : i32
      %dma_wait3A_1167 = arith.constant 0 : i32
      %dma_wait3A_1168 = arith.constant 0 : i32
      %dma_wait3A_1169 = tpu.memref_slice %arg11[%dma_wait3A_1166, %dma_wait3A_1167, %dma_wait3A_1168] : memref<16x32x128xf32, #tpu.memory_space<vmem>> -> memref<1x32x128xf32, #tpu.memory_space<vmem>>
      %dma_wait3A_1170 = tpu.memref_squeeze %dma_wait3A_1169 : memref<1x32x128xf32, #tpu.memory_space<vmem>> -> memref<32x128xf32, #tpu.memory_space<vmem>>
      %dma_wait3A_1171 = arith.constant 0 : i32
      %dma_wait3A_1172 = tpu.memref_slice %arg5[%dma_wait3A_1171, %multiple_of3A_907] : memref<32x1000000xf32, #tpu.memory_space<hbm>> -> memref<32x128xf32, #tpu.memory_space<hbm>>
      %dma_wait3A_1173 = arith.constant 0 : i32
      %dma_wait3A_1174 = arith.constant 0 : i32
      %dma_wait3A_1175 = tpu.memref_slice %arg11[%dma_wait3A_1166, %dma_wait3A_1173, %dma_wait3A_1174] : memref<16x32x128xf32, #tpu.memory_space<vmem>> -> memref<1x32x128xf32, #tpu.memory_space<vmem>>
      %dma_wait3A_1176 = tpu.memref_squeeze %dma_wait3A_1175 : memref<1x32x128xf32, #tpu.memory_space<vmem>> -> memref<32x128xf32, #tpu.memory_space<vmem>>
      %dma_wait3A_1177 = arith.constant 0 : i32
      %dma_wait3A_1178 = tpu.memref_slice %arg5[%dma_wait3A_1177, %multiple_of3A_907] : memref<32x1000000xf32, #tpu.memory_space<hbm>> -> memref<32x128xf32, #tpu.memory_space<hbm>>
      tpu.wait_dma2 semaphore(%arg16 : memref<!tpu.dma_semaphore, #tpu.memory_space<semaphore_mem>>) src(%dma_wait3A_1178 : memref<32x128xf32, #tpu.memory_space<hbm>>) dst(%dma_wait3A_1176 : memref<32x128xf32, #tpu.memory_space<vmem>>)
      %dma_wait3A_1179 = arith.constant 6 : i32
      %dma_wait3A_1180 = arith.constant 0 : i32
      %dma_wait3A_1181 = arith.constant 0 : i32
      %dma_wait3A_1182 = tpu.memref_slice %arg11[%dma_wait3A_1179, %dma_wait3A_1180, %dma_wait3A_1181] : memref<16x32x128xf32, #tpu.memory_space<vmem>> -> memref<1x32x128xf32, #tpu.memory_space<vmem>>
      %dma_wait3A_1183 = tpu.memref_squeeze %dma_wait3A_1182 : memref<1x32x128xf32, #tpu.memory_space<vmem>> -> memref<32x128xf32, #tpu.memory_space<vmem>>
      %dma_wait3A_1184 = arith.constant 0 : i32
      %dma_wait3A_1185 = tpu.memref_slice %arg5[%dma_wait3A_1184, %multiple_of3A_925] : memref<32x1000000xf32, #tpu.memory_space<hbm>> -> memref<32x128xf32, #tpu.memory_space<hbm>>
      %dma_wait3A_1186 = arith.constant 0 : i32
      %dma_wait3A_1187 = arith.constant 0 : i32
      %dma_wait3A_1188 = tpu.memref_slice %arg11[%dma_wait3A_1179, %dma_wait3A_1186, %dma_wait3A_1187] : memref<16x32x128xf32, #tpu.memory_space<vmem>> -> memref<1x32x128xf32, #tpu.memory_space<vmem>>
      %dma_wait3A_1189 = tpu.memref_squeeze %dma_wait3A_1188 : memref<1x32x128xf32, #tpu.memory_space<vmem>> -> memref<32x128xf32, #tpu.memory_space<vmem>>
      %dma_wait3A_1190 = arith.constant 0 : i32
      %dma_wait3A_1191 = tpu.memref_slice %arg5[%dma_wait3A_1190, %multiple_of3A_925] : memref<32x1000000xf32, #tpu.memory_space<hbm>> -> memref<32x128xf32, #tpu.memory_space<hbm>>
      tpu.wait_dma2 semaphore(%arg16 : memref<!tpu.dma_semaphore, #tpu.memory_space<semaphore_mem>>) src(%dma_wait3A_1191 : memref<32x128xf32, #tpu.memory_space<hbm>>) dst(%dma_wait3A_1189 : memref<32x128xf32, #tpu.memory_space<vmem>>)
      %dma_wait3A_1192 = arith.constant 7 : i32
      %dma_wait3A_1193 = arith.constant 0 : i32
      %dma_wait3A_1194 = arith.constant 0 : i32
      %dma_wait3A_1195 = tpu.memref_slice %arg11[%dma_wait3A_1192, %dma_wait3A_1193, %dma_wait3A_1194] : memref<16x32x128xf32, #tpu.memory_space<vmem>> -> memref<1x32x128xf32, #tpu.memory_space<vmem>>
      %dma_wait3A_1196 = tpu.memref_squeeze %dma_wait3A_1195 : memref<1x32x128xf32, #tpu.memory_space<vmem>> -> memref<32x128xf32, #tpu.memory_space<vmem>>
      %dma_wait3A_1197 = arith.constant 0 : i32
      %dma_wait3A_1198 = tpu.memref_slice %arg5[%dma_wait3A_1197, %multiple_of3A_943] : memref<32x1000000xf32, #tpu.memory_space<hbm>> -> memref<32x128xf32, #tpu.memory_space<hbm>>
      %dma_wait3A_1199 = arith.constant 0 : i32
      %dma_wait3A_1200 = arith.constant 0 : i32
      %dma_wait3A_1201 = tpu.memref_slice %arg11[%dma_wait3A_1192, %dma_wait3A_1199, %dma_wait3A_1200] : memref<16x32x128xf32, #tpu.memory_space<vmem>> -> memref<1x32x128xf32, #tpu.memory_space<vmem>>
      %dma_wait3A_1202 = tpu.memref_squeeze %dma_wait3A_1201 : memref<1x32x128xf32, #tpu.memory_space<vmem>> -> memref<32x128xf32, #tpu.memory_space<vmem>>
      %dma_wait3A_1203 = arith.constant 0 : i32
      %dma_wait3A_1204 = tpu.memref_slice %arg5[%dma_wait3A_1203, %multiple_of3A_943] : memref<32x1000000xf32, #tpu.memory_space<hbm>> -> memref<32x128xf32, #tpu.memory_space<hbm>>
      tpu.wait_dma2 semaphore(%arg16 : memref<!tpu.dma_semaphore, #tpu.memory_space<semaphore_mem>>) src(%dma_wait3A_1204 : memref<32x128xf32, #tpu.memory_space<hbm>>) dst(%dma_wait3A_1202 : memref<32x128xf32, #tpu.memory_space<vmem>>)
      %dma_wait3A_1205 = arith.constant 8 : i32
      %dma_wait3A_1206 = arith.constant 0 : i32
      %dma_wait3A_1207 = arith.constant 0 : i32
      %dma_wait3A_1208 = tpu.memref_slice %arg11[%dma_wait3A_1205, %dma_wait3A_1206, %dma_wait3A_1207] : memref<16x32x128xf32, #tpu.memory_space<vmem>> -> memref<1x32x128xf32, #tpu.memory_space<vmem>>
      %dma_wait3A_1209 = tpu.memref_squeeze %dma_wait3A_1208 : memref<1x32x128xf32, #tpu.memory_space<vmem>> -> memref<32x128xf32, #tpu.memory_space<vmem>>
      %dma_wait3A_1210 = arith.constant 0 : i32
      %dma_wait3A_1211 = tpu.memref_slice %arg5[%dma_wait3A_1210, %multiple_of3A_961] : memref<32x1000000xf32, #tpu.memory_space<hbm>> -> memref<32x128xf32, #tpu.memory_space<hbm>>
      %dma_wait3A_1212 = arith.constant 0 : i32
      %dma_wait3A_1213 = arith.constant 0 : i32
      %dma_wait3A_1214 = tpu.memref_slice %arg11[%dma_wait3A_1205, %dma_wait3A_1212, %dma_wait3A_1213] : memref<16x32x128xf32, #tpu.memory_space<vmem>> -> memref<1x32x128xf32, #tpu.memory_space<vmem>>
      %dma_wait3A_1215 = tpu.memref_squeeze %dma_wait3A_1214 : memref<1x32x128xf32, #tpu.memory_space<vmem>> -> memref<32x128xf32, #tpu.memory_space<vmem>>
      %dma_wait3A_1216 = arith.constant 0 : i32
      %dma_wait3A_1217 = tpu.memref_slice %arg5[%dma_wait3A_1216, %multiple_of3A_961] : memref<32x1000000xf32, #tpu.memory_space<hbm>> -> memref<32x128xf32, #tpu.memory_space<hbm>>
      tpu.wait_dma2 semaphore(%arg16 : memref<!tpu.dma_semaphore, #tpu.memory_space<semaphore_mem>>) src(%dma_wait3A_1217 : memref<32x128xf32, #tpu.memory_space<hbm>>) dst(%dma_wait3A_1215 : memref<32x128xf32, #tpu.memory_space<vmem>>)
      %dma_wait3A_1218 = arith.constant 9 : i32
      %dma_wait3A_1219 = arith.constant 0 : i32
      %dma_wait3A_1220 = arith.constant 0 : i32
      %dma_wait3A_1221 = tpu.memref_slice %arg11[%dma_wait3A_1218, %dma_wait3A_1219, %dma_wait3A_1220] : memref<16x32x128xf32, #tpu.memory_space<vmem>> -> memref<1x32x128xf32, #tpu.memory_space<vmem>>
      %dma_wait3A_1222 = tpu.memref_squeeze %dma_wait3A_1221 : memref<1x32x128xf32, #tpu.memory_space<vmem>> -> memref<32x128xf32, #tpu.memory_space<vmem>>
      %dma_wait3A_1223 = arith.constant 0 : i32
      %dma_wait3A_1224 = tpu.memref_slice %arg5[%dma_wait3A_1223, %multiple_of3A_979] : memref<32x1000000xf32, #tpu.memory_space<hbm>> -> memref<32x128xf32, #tpu.memory_space<hbm>>
      %dma_wait3A_1225 = arith.constant 0 : i32
      %dma_wait3A_1226 = arith.constant 0 : i32
      %dma_wait3A_1227 = tpu.memref_slice %arg11[%dma_wait3A_1218, %dma_wait3A_1225, %dma_wait3A_1226] : memref<16x32x128xf32, #tpu.memory_space<vmem>> -> memref<1x32x128xf32, #tpu.memory_space<vmem>>
      %dma_wait3A_1228 = tpu.memref_squeeze %dma_wait3A_1227 : memref<1x32x128xf32, #tpu.memory_space<vmem>> -> memref<32x128xf32, #tpu.memory_space<vmem>>
      %dma_wait3A_1229 = arith.constant 0 : i32
      %dma_wait3A_1230 = tpu.memref_slice %arg5[%dma_wait3A_1229, %multiple_of3A_979] : memref<32x1000000xf32, #tpu.memory_space<hbm>> -> memref<32x128xf32, #tpu.memory_space<hbm>>
      tpu.wait_dma2 semaphore(%arg16 : memref<!tpu.dma_semaphore, #tpu.memory_space<semaphore_mem>>) src(%dma_wait3A_1230 : memref<32x128xf32, #tpu.memory_space<hbm>>) dst(%dma_wait3A_1228 : memref<32x128xf32, #tpu.memory_space<vmem>>)
      %dma_wait3A_1231 = arith.constant 10 : i32
      %dma_wait3A_1232 = arith.constant 0 : i32
      %dma_wait3A_1233 = arith.constant 0 : i32
      %dma_wait3A_1234 = tpu.memref_slice %arg11[%dma_wait3A_1231, %dma_wait3A_1232, %dma_wait3A_1233] : memref<16x32x128xf32, #tpu.memory_space<vmem>> -> memref<1x32x128xf32, #tpu.memory_space<vmem>>
      %dma_wait3A_1235 = tpu.memref_squeeze %dma_wait3A_1234 : memref<1x32x128xf32, #tpu.memory_space<vmem>> -> memref<32x128xf32, #tpu.memory_space<vmem>>
      %dma_wait3A_1236 = arith.constant 0 : i32
      %dma_wait3A_1237 = tpu.memref_slice %arg5[%dma_wait3A_1236, %multiple_of3A_997] : memref<32x1000000xf32, #tpu.memory_space<hbm>> -> memref<32x128xf32, #tpu.memory_space<hbm>>
      %dma_wait3A_1238 = arith.constant 0 : i32
      %dma_wait3A_1239 = arith.constant 0 : i32
      %dma_wait3A_1240 = tpu.memref_slice %arg11[%dma_wait3A_1231, %dma_wait3A_1238, %dma_wait3A_1239] : memref<16x32x128xf32, #tpu.memory_space<vmem>> -> memref<1x32x128xf32, #tpu.memory_space<vmem>>
      %dma_wait3A_1241 = tpu.memref_squeeze %dma_wait3A_1240 : memref<1x32x128xf32, #tpu.memory_space<vmem>> -> memref<32x128xf32, #tpu.memory_space<vmem>>
      %dma_wait3A_1242 = arith.constant 0 : i32
      %dma_wait3A_1243 = tpu.memref_slice %arg5[%dma_wait3A_1242, %multiple_of3A_997] : memref<32x1000000xf32, #tpu.memory_space<hbm>> -> memref<32x128xf32, #tpu.memory_space<hbm>>
      tpu.wait_dma2 semaphore(%arg16 : memref<!tpu.dma_semaphore, #tpu.memory_space<semaphore_mem>>) src(%dma_wait3A_1243 : memref<32x128xf32, #tpu.memory_space<hbm>>) dst(%dma_wait3A_1241 : memref<32x128xf32, #tpu.memory_space<vmem>>)
      %dma_wait3A_1244 = arith.constant 11 : i32
      %dma_wait3A_1245 = arith.constant 0 : i32
      %dma_wait3A_1246 = arith.constant 0 : i32
      %dma_wait3A_1247 = tpu.memref_slice %arg11[%dma_wait3A_1244, %dma_wait3A_1245, %dma_wait3A_1246] : memref<16x32x128xf32, #tpu.memory_space<vmem>> -> memref<1x32x128xf32, #tpu.memory_space<vmem>>
      %dma_wait3A_1248 = tpu.memref_squeeze %dma_wait3A_1247 : memref<1x32x128xf32, #tpu.memory_space<vmem>> -> memref<32x128xf32, #tpu.memory_space<vmem>>
      %dma_wait3A_1249 = arith.constant 0 : i32
      %dma_wait3A_1250 = tpu.memref_slice %arg5[%dma_wait3A_1249, %multiple_of3A_1015] : memref<32x1000000xf32, #tpu.memory_space<hbm>> -> memref<32x128xf32, #tpu.memory_space<hbm>>
      %dma_wait3A_1251 = arith.constant 0 : i32
      %dma_wait3A_1252 = arith.constant 0 : i32
      %dma_wait3A_1253 = tpu.memref_slice %arg11[%dma_wait3A_1244, %dma_wait3A_1251, %dma_wait3A_1252] : memref<16x32x128xf32, #tpu.memory_space<vmem>> -> memref<1x32x128xf32, #tpu.memory_space<vmem>>
      %dma_wait3A_1254 = tpu.memref_squeeze %dma_wait3A_1253 : memref<1x32x128xf32, #tpu.memory_space<vmem>> -> memref<32x128xf32, #tpu.memory_space<vmem>>
      %dma_wait3A_1255 = arith.constant 0 : i32
      %dma_wait3A_1256 = tpu.memref_slice %arg5[%dma_wait3A_1255, %multiple_of3A_1015] : memref<32x1000000xf32, #tpu.memory_space<hbm>> -> memref<32x128xf32, #tpu.memory_space<hbm>>
      tpu.wait_dma2 semaphore(%arg16 : memref<!tpu.dma_semaphore, #tpu.memory_space<semaphore_mem>>) src(%dma_wait3A_1256 : memref<32x128xf32, #tpu.memory_space<hbm>>) dst(%dma_wait3A_1254 : memref<32x128xf32, #tpu.memory_space<vmem>>)
      %dma_wait3A_1257 = arith.constant 12 : i32
      %dma_wait3A_1258 = arith.constant 0 : i32
      %dma_wait3A_1259 = arith.constant 0 : i32
      %dma_wait3A_1260 = tpu.memref_slice %arg11[%dma_wait3A_1257, %dma_wait3A_1258, %dma_wait3A_1259] : memref<16x32x128xf32, #tpu.memory_space<vmem>> -> memref<1x32x128xf32, #tpu.memory_space<vmem>>
      %dma_wait3A_1261 = tpu.memref_squeeze %dma_wait3A_1260 : memref<1x32x128xf32, #tpu.memory_space<vmem>> -> memref<32x128xf32, #tpu.memory_space<vmem>>
      %dma_wait3A_1262 = arith.constant 0 : i32
      %dma_wait3A_1263 = tpu.memref_slice %arg5[%dma_wait3A_1262, %multiple_of3A_1033] : memref<32x1000000xf32, #tpu.memory_space<hbm>> -> memref<32x128xf32, #tpu.memory_space<hbm>>
      %dma_wait3A_1264 = arith.constant 0 : i32
      %dma_wait3A_1265 = arith.constant 0 : i32
      %dma_wait3A_1266 = tpu.memref_slice %arg11[%dma_wait3A_1257, %dma_wait3A_1264, %dma_wait3A_1265] : memref<16x32x128xf32, #tpu.memory_space<vmem>> -> memref<1x32x128xf32, #tpu.memory_space<vmem>>
      %dma_wait3A_1267 = tpu.memref_squeeze %dma_wait3A_1266 : memref<1x32x128xf32, #tpu.memory_space<vmem>> -> memref<32x128xf32, #tpu.memory_space<vmem>>
      %dma_wait3A_1268 = arith.constant 0 : i32
      %dma_wait3A_1269 = tpu.memref_slice %arg5[%dma_wait3A_1268, %multiple_of3A_1033] : memref<32x1000000xf32, #tpu.memory_space<hbm>> -> memref<32x128xf32, #tpu.memory_space<hbm>>
      tpu.wait_dma2 semaphore(%arg16 : memref<!tpu.dma_semaphore, #tpu.memory_space<semaphore_mem>>) src(%dma_wait3A_1269 : memref<32x128xf32, #tpu.memory_space<hbm>>) dst(%dma_wait3A_1267 : memref<32x128xf32, #tpu.memory_space<vmem>>)
      %dma_wait3A_1270 = arith.constant 13 : i32
      %dma_wait3A_1271 = arith.constant 0 : i32
      %dma_wait3A_1272 = arith.constant 0 : i32
      %dma_wait3A_1273 = tpu.memref_slice %arg11[%dma_wait3A_1270, %dma_wait3A_1271, %dma_wait3A_1272] : memref<16x32x128xf32, #tpu.memory_space<vmem>> -> memref<1x32x128xf32, #tpu.memory_space<vmem>>
      %dma_wait3A_1274 = tpu.memref_squeeze %dma_wait3A_1273 : memref<1x32x128xf32, #tpu.memory_space<vmem>> -> memref<32x128xf32, #tpu.memory_space<vmem>>
      %dma_wait3A_1275 = arith.constant 0 : i32
      %dma_wait3A_1276 = tpu.memref_slice %arg5[%dma_wait3A_1275, %multiple_of3A_1051] : memref<32x1000000xf32, #tpu.memory_space<hbm>> -> memref<32x128xf32, #tpu.memory_space<hbm>>
      %dma_wait3A_1277 = arith.constant 0 : i32
      %dma_wait3A_1278 = arith.constant 0 : i32
      %dma_wait3A_1279 = tpu.memref_slice %arg11[%dma_wait3A_1270, %dma_wait3A_1277, %dma_wait3A_1278] : memref<16x32x128xf32, #tpu.memory_space<vmem>> -> memref<1x32x128xf32, #tpu.memory_space<vmem>>
      %dma_wait3A_1280 = tpu.memref_squeeze %dma_wait3A_1279 : memref<1x32x128xf32, #tpu.memory_space<vmem>> -> memref<32x128xf32, #tpu.memory_space<vmem>>
      %dma_wait3A_1281 = arith.constant 0 : i32
      %dma_wait3A_1282 = tpu.memref_slice %arg5[%dma_wait3A_1281, %multiple_of3A_1051] : memref<32x1000000xf32, #tpu.memory_space<hbm>> -> memref<32x128xf32, #tpu.memory_space<hbm>>
      tpu.wait_dma2 semaphore(%arg16 : memref<!tpu.dma_semaphore, #tpu.memory_space<semaphore_mem>>) src(%dma_wait3A_1282 : memref<32x128xf32, #tpu.memory_space<hbm>>) dst(%dma_wait3A_1280 : memref<32x128xf32, #tpu.memory_space<vmem>>)
      %dma_wait3A_1283 = arith.constant 14 : i32
      %dma_wait3A_1284 = arith.constant 0 : i32
      %dma_wait3A_1285 = arith.constant 0 : i32
      %dma_wait3A_1286 = tpu.memref_slice %arg11[%dma_wait3A_1283, %dma_wait3A_1284, %dma_wait3A_1285] : memref<16x32x128xf32, #tpu.memory_space<vmem>> -> memref<1x32x128xf32, #tpu.memory_space<vmem>>
      %dma_wait3A_1287 = tpu.memref_squeeze %dma_wait3A_1286 : memref<1x32x128xf32, #tpu.memory_space<vmem>> -> memref<32x128xf32, #tpu.memory_space<vmem>>
      %dma_wait3A_1288 = arith.constant 0 : i32
      %dma_wait3A_1289 = tpu.memref_slice %arg5[%dma_wait3A_1288, %multiple_of3A_1069] : memref<32x1000000xf32, #tpu.memory_space<hbm>> -> memref<32x128xf32, #tpu.memory_space<hbm>>
      %dma_wait3A_1290 = arith.constant 0 : i32
      %dma_wait3A_1291 = arith.constant 0 : i32
      %dma_wait3A_1292 = tpu.memref_slice %arg11[%dma_wait3A_1283, %dma_wait3A_1290, %dma_wait3A_1291] : memref<16x32x128xf32, #tpu.memory_space<vmem>> -> memref<1x32x128xf32, #tpu.memory_space<vmem>>
      %dma_wait3A_1293 = tpu.memref_squeeze %dma_wait3A_1292 : memref<1x32x128xf32, #tpu.memory_space<vmem>> -> memref<32x128xf32, #tpu.memory_space<vmem>>
      %dma_wait3A_1294 = arith.constant 0 : i32
      %dma_wait3A_1295 = tpu.memref_slice %arg5[%dma_wait3A_1294, %multiple_of3A_1069] : memref<32x1000000xf32, #tpu.memory_space<hbm>> -> memref<32x128xf32, #tpu.memory_space<hbm>>
      tpu.wait_dma2 semaphore(%arg16 : memref<!tpu.dma_semaphore, #tpu.memory_space<semaphore_mem>>) src(%dma_wait3A_1295 : memref<32x128xf32, #tpu.memory_space<hbm>>) dst(%dma_wait3A_1293 : memref<32x128xf32, #tpu.memory_space<vmem>>)
      %dma_wait3A_1296 = arith.constant 15 : i32
      %dma_wait3A_1297 = arith.constant 0 : i32
      %dma_wait3A_1298 = arith.constant 0 : i32
      %dma_wait3A_1299 = tpu.memref_slice %arg11[%dma_wait3A_1296, %dma_wait3A_1297, %dma_wait3A_1298] : memref<16x32x128xf32, #tpu.memory_space<vmem>> -> memref<1x32x128xf32, #tpu.memory_space<vmem>>
      %dma_wait3A_1300 = tpu.memref_squeeze %dma_wait3A_1299 : memref<1x32x128xf32, #tpu.memory_space<vmem>> -> memref<32x128xf32, #tpu.memory_space<vmem>>
      %dma_wait3A_1301 = arith.constant 0 : i32
      %dma_wait3A_1302 = tpu.memref_slice %arg5[%dma_wait3A_1301, %multiple_of3A_1087] : memref<32x1000000xf32, #tpu.memory_space<hbm>> -> memref<32x128xf32, #tpu.memory_space<hbm>>
      %dma_wait3A_1303 = arith.constant 0 : i32
      %dma_wait3A_1304 = arith.constant 0 : i32
      %dma_wait3A_1305 = tpu.memref_slice %arg11[%dma_wait3A_1296, %dma_wait3A_1303, %dma_wait3A_1304] : memref<16x32x128xf32, #tpu.memory_space<vmem>> -> memref<1x32x128xf32, #tpu.memory_space<vmem>>
      %dma_wait3A_1306 = tpu.memref_squeeze %dma_wait3A_1305 : memref<1x32x128xf32, #tpu.memory_space<vmem>> -> memref<32x128xf32, #tpu.memory_space<vmem>>
      %dma_wait3A_1307 = arith.constant 0 : i32
      %dma_wait3A_1308 = tpu.memref_slice %arg5[%dma_wait3A_1307, %multiple_of3A_1087] : memref<32x1000000xf32, #tpu.memory_space<hbm>> -> memref<32x128xf32, #tpu.memory_space<hbm>>
      tpu.wait_dma2 semaphore(%arg16 : memref<!tpu.dma_semaphore, #tpu.memory_space<semaphore_mem>>) src(%dma_wait3A_1308 : memref<32x128xf32, #tpu.memory_space<hbm>>) dst(%dma_wait3A_1306 : memref<32x128xf32, #tpu.memory_space<vmem>>)
      %broadcast_in_dim3A_1309 = arith.constant 0 : i32
      %broadcast_in_dim3A_1310 = vector.broadcast %broadcast_in_dim3A_1309 : i32 to vector<16xi32>
      %gather3A_1311 = tpu.vector_load_idx %arg11[%iota3A, %broadcast_in_dim3A_1310, %and3A_91] : memref<16x32x128xf32, #tpu.memory_space<vmem>>[vector<16xi32>, vector<16xi32>, vector<16xi32>], vector<16xf32>,
      %get3A_1312 = arith.constant 0 : i32
      %get3A_1313 = arith.index_cast %get3A_1312 : i32 to index
      %get3A_1314 = arith.constant 0 : index
      %get3A_1315 = tpu.vector_load %arg12[%get3A_1313, %get3A_1314] {strides = array<i32>} : memref<32x16xf32, #tpu.memory_space<vmem>>, vector<16xf32>,
      %mul3A_1316 = arith.mulf %gather3A_1311, %get3A_1315 : vector<16xf32>
      %mul3A_1317 = vector.broadcast %squeeze3A : f32 to vector<16xf32>
      %mul3A_1318 = arith.mulf %mul3A_1316, %mul3A_1317 : vector<16xf32>
      %add3A_1319 = arith.addf %broadcast_in_dim3A_74, %mul3A_1318 : vector<16xf32>
      %broadcast_in_dim3A_1320 = arith.constant 1 : i32
      %broadcast_in_dim3A_1321 = vector.broadcast %broadcast_in_dim3A_1320 : i32 to vector<16xi32>
      %gather3A_1322 = tpu.vector_load_idx %arg11[%iota3A, %broadcast_in_dim3A_1321, %and3A_91] : memref<16x32x128xf32, #tpu.memory_space<vmem>>[vector<16xi32>, vector<16xi32>, vector<16xi32>], vector<16xf32>,
      %get3A_1323 = arith.constant 1 : i32
      %get3A_1324 = arith.index_cast %get3A_1323 : i32 to index
      %get3A_1325 = arith.constant 0 : index
      %get3A_1326 = tpu.vector_load %arg12[%get3A_1324, %get3A_1325] {strides = array<i32>} : memref<32x16xf32, #tpu.memory_space<vmem>>, vector<16xf32>,
      %mul3A_1327 = arith.mulf %gather3A_1322, %get3A_1326 : vector<16xf32>
      %mul3A_1328 = vector.broadcast %squeeze3A_11 : f32 to vector<16xf32>
      %mul3A_1329 = arith.mulf %mul3A_1327, %mul3A_1328 : vector<16xf32>
      %add3A_1330 = arith.addf %add3A_1319, %mul3A_1329 : vector<16xf32>
      %broadcast_in_dim3A_1331 = arith.constant 2 : i32
      %broadcast_in_dim3A_1332 = vector.broadcast %broadcast_in_dim3A_1331 : i32 to vector<16xi32>
      %gather3A_1333 = tpu.vector_load_idx %arg11[%iota3A, %broadcast_in_dim3A_1332, %and3A_91] : memref<16x32x128xf32, #tpu.memory_space<vmem>>[vector<16xi32>, vector<16xi32>, vector<16xi32>], vector<16xf32>,
      %get3A_1334 = arith.constant 2 : i32
      %get3A_1335 = arith.index_cast %get3A_1334 : i32 to index
      %get3A_1336 = arith.constant 0 : index
      %get3A_1337 = tpu.vector_load %arg12[%get3A_1335, %get3A_1336] {strides = array<i32>} : memref<32x16xf32, #tpu.memory_space<vmem>>, vector<16xf32>,
      %mul3A_1338 = arith.mulf %gather3A_1333, %get3A_1337 : vector<16xf32>
      %mul3A_1339 = vector.broadcast %squeeze3A_13 : f32 to vector<16xf32>
      %mul3A_1340 = arith.mulf %mul3A_1338, %mul3A_1339 : vector<16xf32>
      %add3A_1341 = arith.addf %add3A_1330, %mul3A_1340 : vector<16xf32>
      %broadcast_in_dim3A_1342 = arith.constant 3 : i32
      %broadcast_in_dim3A_1343 = vector.broadcast %broadcast_in_dim3A_1342 : i32 to vector<16xi32>
      %gather3A_1344 = tpu.vector_load_idx %arg11[%iota3A, %broadcast_in_dim3A_1343, %and3A_91] : memref<16x32x128xf32, #tpu.memory_space<vmem>>[vector<16xi32>, vector<16xi32>, vector<16xi32>], vector<16xf32>,
      %get3A_1345 = arith.constant 3 : i32
      %get3A_1346 = arith.index_cast %get3A_1345 : i32 to index
      %get3A_1347 = arith.constant 0 : index
      %get3A_1348 = tpu.vector_load %arg12[%get3A_1346, %get3A_1347] {strides = array<i32>} : memref<32x16xf32, #tpu.memory_space<vmem>>, vector<16xf32>,
      %mul3A_1349 = arith.mulf %gather3A_1344, %get3A_1348 : vector<16xf32>
      %mul3A_1350 = vector.broadcast %squeeze3A_15 : f32 to vector<16xf32>
      %mul3A_1351 = arith.mulf %mul3A_1349, %mul3A_1350 : vector<16xf32>
      %add3A_1352 = arith.addf %add3A_1341, %mul3A_1351 : vector<16xf32>
      %broadcast_in_dim3A_1353 = arith.constant 4 : i32
      %broadcast_in_dim3A_1354 = vector.broadcast %broadcast_in_dim3A_1353 : i32 to vector<16xi32>
      %gather3A_1355 = tpu.vector_load_idx %arg11[%iota3A, %broadcast_in_dim3A_1354, %and3A_91] : memref<16x32x128xf32, #tpu.memory_space<vmem>>[vector<16xi32>, vector<16xi32>, vector<16xi32>], vector<16xf32>,
      %get3A_1356 = arith.constant 4 : i32
      %get3A_1357 = arith.index_cast %get3A_1356 : i32 to index
      %get3A_1358 = arith.constant 0 : index
      %get3A_1359 = tpu.vector_load %arg12[%get3A_1357, %get3A_1358] {strides = array<i32>} : memref<32x16xf32, #tpu.memory_space<vmem>>, vector<16xf32>,
      %mul3A_1360 = arith.mulf %gather3A_1355, %get3A_1359 : vector<16xf32>
      %mul3A_1361 = vector.broadcast %squeeze3A_17 : f32 to vector<16xf32>
      %mul3A_1362 = arith.mulf %mul3A_1360, %mul3A_1361 : vector<16xf32>
      %add3A_1363 = arith.addf %add3A_1352, %mul3A_1362 : vector<16xf32>
      %broadcast_in_dim3A_1364 = arith.constant 5 : i32
      %broadcast_in_dim3A_1365 = vector.broadcast %broadcast_in_dim3A_1364 : i32 to vector<16xi32>
      %gather3A_1366 = tpu.vector_load_idx %arg11[%iota3A, %broadcast_in_dim3A_1365, %and3A_91] : memref<16x32x128xf32, #tpu.memory_space<vmem>>[vector<16xi32>, vector<16xi32>, vector<16xi32>], vector<16xf32>,
      %get3A_1367 = arith.constant 5 : i32
      %get3A_1368 = arith.index_cast %get3A_1367 : i32 to index
      %get3A_1369 = arith.constant 0 : index
      %get3A_1370 = tpu.vector_load %arg12[%get3A_1368, %get3A_1369] {strides = array<i32>} : memref<32x16xf32, #tpu.memory_space<vmem>>, vector<16xf32>,
      %mul3A_1371 = arith.mulf %gather3A_1366, %get3A_1370 : vector<16xf32>
      %mul3A_1372 = vector.broadcast %squeeze3A_19 : f32 to vector<16xf32>
      %mul3A_1373 = arith.mulf %mul3A_1371, %mul3A_1372 : vector<16xf32>
      %add3A_1374 = arith.addf %add3A_1363, %mul3A_1373 : vector<16xf32>
      %broadcast_in_dim3A_1375 = arith.constant 6 : i32
      %broadcast_in_dim3A_1376 = vector.broadcast %broadcast_in_dim3A_1375 : i32 to vector<16xi32>
      %gather3A_1377 = tpu.vector_load_idx %arg11[%iota3A, %broadcast_in_dim3A_1376, %and3A_91] : memref<16x32x128xf32, #tpu.memory_space<vmem>>[vector<16xi32>, vector<16xi32>, vector<16xi32>], vector<16xf32>,
      %get3A_1378 = arith.constant 6 : i32
      %get3A_1379 = arith.index_cast %get3A_1378 : i32 to index
      %get3A_1380 = arith.constant 0 : index
      %get3A_1381 = tpu.vector_load %arg12[%get3A_1379, %get3A_1380] {strides = array<i32>} : memref<32x16xf32, #tpu.memory_space<vmem>>, vector<16xf32>,
      %mul3A_1382 = arith.mulf %gather3A_1377, %get3A_1381 : vector<16xf32>
      %mul3A_1383 = vector.broadcast %squeeze3A_21 : f32 to vector<16xf32>
      %mul3A_1384 = arith.mulf %mul3A_1382, %mul3A_1383 : vector<16xf32>
      %add3A_1385 = arith.addf %add3A_1374, %mul3A_1384 : vector<16xf32>
      %broadcast_in_dim3A_1386 = arith.constant 7 : i32
      %broadcast_in_dim3A_1387 = vector.broadcast %broadcast_in_dim3A_1386 : i32 to vector<16xi32>
      %gather3A_1388 = tpu.vector_load_idx %arg11[%iota3A, %broadcast_in_dim3A_1387, %and3A_91] : memref<16x32x128xf32, #tpu.memory_space<vmem>>[vector<16xi32>, vector<16xi32>, vector<16xi32>], vector<16xf32>,
      %get3A_1389 = arith.constant 7 : i32
      %get3A_1390 = arith.index_cast %get3A_1389 : i32 to index
      %get3A_1391 = arith.constant 0 : index
      %get3A_1392 = tpu.vector_load %arg12[%get3A_1390, %get3A_1391] {strides = array<i32>} : memref<32x16xf32, #tpu.memory_space<vmem>>, vector<16xf32>,
      %mul3A_1393 = arith.mulf %gather3A_1388, %get3A_1392 : vector<16xf32>
      %mul3A_1394 = vector.broadcast %squeeze3A_23 : f32 to vector<16xf32>
      %mul3A_1395 = arith.mulf %mul3A_1393, %mul3A_1394 : vector<16xf32>
      %add3A_1396 = arith.addf %add3A_1385, %mul3A_1395 : vector<16xf32>
      %broadcast_in_dim3A_1397 = arith.constant 8 : i32
      %broadcast_in_dim3A_1398 = vector.broadcast %broadcast_in_dim3A_1397 : i32 to vector<16xi32>
      %gather3A_1399 = tpu.vector_load_idx %arg11[%iota3A, %broadcast_in_dim3A_1398, %and3A_91] : memref<16x32x128xf32, #tpu.memory_space<vmem>>[vector<16xi32>, vector<16xi32>, vector<16xi32>], vector<16xf32>,
      %get3A_1400 = arith.constant 8 : i32
      %get3A_1401 = arith.index_cast %get3A_1400 : i32 to index
      %get3A_1402 = arith.constant 0 : index
      %get3A_1403 = tpu.vector_load %arg12[%get3A_1401, %get3A_1402] {strides = array<i32>} : memref<32x16xf32, #tpu.memory_space<vmem>>, vector<16xf32>,
      %mul3A_1404 = arith.mulf %gather3A_1399, %get3A_1403 : vector<16xf32>
      %mul3A_1405 = vector.broadcast %squeeze3A_25 : f32 to vector<16xf32>
      %mul3A_1406 = arith.mulf %mul3A_1404, %mul3A_1405 : vector<16xf32>
      %add3A_1407 = arith.addf %add3A_1396, %mul3A_1406 : vector<16xf32>
      %broadcast_in_dim3A_1408 = arith.constant 9 : i32
      %broadcast_in_dim3A_1409 = vector.broadcast %broadcast_in_dim3A_1408 : i32 to vector<16xi32>
      %gather3A_1410 = tpu.vector_load_idx %arg11[%iota3A, %broadcast_in_dim3A_1409, %and3A_91] : memref<16x32x128xf32, #tpu.memory_space<vmem>>[vector<16xi32>, vector<16xi32>, vector<16xi32>], vector<16xf32>,
      %get3A_1411 = arith.constant 9 : i32
      %get3A_1412 = arith.index_cast %get3A_1411 : i32 to index
      %get3A_1413 = arith.constant 0 : index
      %get3A_1414 = tpu.vector_load %arg12[%get3A_1412, %get3A_1413] {strides = array<i32>} : memref<32x16xf32, #tpu.memory_space<vmem>>, vector<16xf32>,
      %mul3A_1415 = arith.mulf %gather3A_1410, %get3A_1414 : vector<16xf32>
      %mul3A_1416 = vector.broadcast %squeeze3A_27 : f32 to vector<16xf32>
      %mul3A_1417 = arith.mulf %mul3A_1415, %mul3A_1416 : vector<16xf32>
      %add3A_1418 = arith.addf %add3A_1407, %mul3A_1417 : vector<16xf32>
      %broadcast_in_dim3A_1419 = arith.constant 10 : i32
      %broadcast_in_dim3A_1420 = vector.broadcast %broadcast_in_dim3A_1419 : i32 to vector<16xi32>
      %gather3A_1421 = tpu.vector_load_idx %arg11[%iota3A, %broadcast_in_dim3A_1420, %and3A_91] : memref<16x32x128xf32, #tpu.memory_space<vmem>>[vector<16xi32>, vector<16xi32>, vector<16xi32>], vector<16xf32>,
      %get3A_1422 = arith.constant 10 : i32
      %get3A_1423 = arith.index_cast %get3A_1422 : i32 to index
      %get3A_1424 = arith.constant 0 : index
      %get3A_1425 = tpu.vector_load %arg12[%get3A_1423, %get3A_1424] {strides = array<i32>} : memref<32x16xf32, #tpu.memory_space<vmem>>, vector<16xf32>,
      %mul3A_1426 = arith.mulf %gather3A_1421, %get3A_1425 : vector<16xf32>
      %mul3A_1427 = vector.broadcast %squeeze3A_29 : f32 to vector<16xf32>
      %mul3A_1428 = arith.mulf %mul3A_1426, %mul3A_1427 : vector<16xf32>
      %add3A_1429 = arith.addf %add3A_1418, %mul3A_1428 : vector<16xf32>
      %broadcast_in_dim3A_1430 = arith.constant 11 : i32
      %broadcast_in_dim3A_1431 = vector.broadcast %broadcast_in_dim3A_1430 : i32 to vector<16xi32>
      %gather3A_1432 = tpu.vector_load_idx %arg11[%iota3A, %broadcast_in_dim3A_1431, %and3A_91] : memref<16x32x128xf32, #tpu.memory_space<vmem>>[vector<16xi32>, vector<16xi32>, vector<16xi32>], vector<16xf32>,
      %get3A_1433 = arith.constant 11 : i32
      %get3A_1434 = arith.index_cast %get3A_1433 : i32 to index
      %get3A_1435 = arith.constant 0 : index
      %get3A_1436 = tpu.vector_load %arg12[%get3A_1434, %get3A_1435] {strides = array<i32>} : memref<32x16xf32, #tpu.memory_space<vmem>>, vector<16xf32>,
      %mul3A_1437 = arith.mulf %gather3A_1432, %get3A_1436 : vector<16xf32>
      %mul3A_1438 = vector.broadcast %squeeze3A_31 : f32 to vector<16xf32>
      %mul3A_1439 = arith.mulf %mul3A_1437, %mul3A_1438 : vector<16xf32>
      %add3A_1440 = arith.addf %add3A_1429, %mul3A_1439 : vector<16xf32>
      %broadcast_in_dim3A_1441 = arith.constant 12 : i32
      %broadcast_in_dim3A_1442 = vector.broadcast %broadcast_in_dim3A_1441 : i32 to vector<16xi32>
      %gather3A_1443 = tpu.vector_load_idx %arg11[%iota3A, %broadcast_in_dim3A_1442, %and3A_91] : memref<16x32x128xf32, #tpu.memory_space<vmem>>[vector<16xi32>, vector<16xi32>, vector<16xi32>], vector<16xf32>,
      %get3A_1444 = arith.constant 12 : i32
      %get3A_1445 = arith.index_cast %get3A_1444 : i32 to index
      %get3A_1446 = arith.constant 0 : index
      %get3A_1447 = tpu.vector_load %arg12[%get3A_1445, %get3A_1446] {strides = array<i32>} : memref<32x16xf32, #tpu.memory_space<vmem>>, vector<16xf32>,
      %mul3A_1448 = arith.mulf %gather3A_1443, %get3A_1447 : vector<16xf32>
      %mul3A_1449 = vector.broadcast %squeeze3A_33 : f32 to vector<16xf32>
      %mul3A_1450 = arith.mulf %mul3A_1448, %mul3A_1449 : vector<16xf32>
      %add3A_1451 = arith.addf %add3A_1440, %mul3A_1450 : vector<16xf32>
      %broadcast_in_dim3A_1452 = arith.constant 13 : i32
      %broadcast_in_dim3A_1453 = vector.broadcast %broadcast_in_dim3A_1452 : i32 to vector<16xi32>
      %gather3A_1454 = tpu.vector_load_idx %arg11[%iota3A, %broadcast_in_dim3A_1453, %and3A_91] : memref<16x32x128xf32, #tpu.memory_space<vmem>>[vector<16xi32>, vector<16xi32>, vector<16xi32>], vector<16xf32>,
      %get3A_1455 = arith.constant 13 : i32
      %get3A_1456 = arith.index_cast %get3A_1455 : i32 to index
      %get3A_1457 = arith.constant 0 : index
      %get3A_1458 = tpu.vector_load %arg12[%get3A_1456, %get3A_1457] {strides = array<i32>} : memref<32x16xf32, #tpu.memory_space<vmem>>, vector<16xf32>,
      %mul3A_1459 = arith.mulf %gather3A_1454, %get3A_1458 : vector<16xf32>
      %mul3A_1460 = vector.broadcast %squeeze3A_35 : f32 to vector<16xf32>
      %mul3A_1461 = arith.mulf %mul3A_1459, %mul3A_1460 : vector<16xf32>
      %add3A_1462 = arith.addf %add3A_1451, %mul3A_1461 : vector<16xf32>
      %broadcast_in_dim3A_1463 = arith.constant 14 : i32
      %broadcast_in_dim3A_1464 = vector.broadcast %broadcast_in_dim3A_1463 : i32 to vector<16xi32>
      %gather3A_1465 = tpu.vector_load_idx %arg11[%iota3A, %broadcast_in_dim3A_1464, %and3A_91] : memref<16x32x128xf32, #tpu.memory_space<vmem>>[vector<16xi32>, vector<16xi32>, vector<16xi32>], vector<16xf32>,
      %get3A_1466 = arith.constant 14 : i32
      %get3A_1467 = arith.index_cast %get3A_1466 : i32 to index
      %get3A_1468 = arith.constant 0 : index
      %get3A_1469 = tpu.vector_load %arg12[%get3A_1467, %get3A_1468] {strides = array<i32>} : memref<32x16xf32, #tpu.memory_space<vmem>>, vector<16xf32>,
      %mul3A_1470 = arith.mulf %gather3A_1465, %get3A_1469 : vector<16xf32>
      %mul3A_1471 = vector.broadcast %squeeze3A_37 : f32 to vector<16xf32>
      %mul3A_1472 = arith.mulf %mul3A_1470, %mul3A_1471 : vector<16xf32>
      %add3A_1473 = arith.addf %add3A_1462, %mul3A_1472 : vector<16xf32>
      %broadcast_in_dim3A_1474 = arith.constant 15 : i32
      %broadcast_in_dim3A_1475 = vector.broadcast %broadcast_in_dim3A_1474 : i32 to vector<16xi32>
      %gather3A_1476 = tpu.vector_load_idx %arg11[%iota3A, %broadcast_in_dim3A_1475, %and3A_91] : memref<16x32x128xf32, #tpu.memory_space<vmem>>[vector<16xi32>, vector<16xi32>, vector<16xi32>], vector<16xf32>,
      %get3A_1477 = arith.constant 15 : i32
      %get3A_1478 = arith.index_cast %get3A_1477 : i32 to index
      %get3A_1479 = arith.constant 0 : index
      %get3A_1480 = tpu.vector_load %arg12[%get3A_1478, %get3A_1479] {strides = array<i32>} : memref<32x16xf32, #tpu.memory_space<vmem>>, vector<16xf32>,
      %mul3A_1481 = arith.mulf %gather3A_1476, %get3A_1480 : vector<16xf32>
      %mul3A_1482 = vector.broadcast %squeeze3A_39 : f32 to vector<16xf32>
      %mul3A_1483 = arith.mulf %mul3A_1481, %mul3A_1482 : vector<16xf32>
      %add3A_1484 = arith.addf %add3A_1473, %mul3A_1483 : vector<16xf32>
      %broadcast_in_dim3A_1485 = arith.constant 16 : i32
      %broadcast_in_dim3A_1486 = vector.broadcast %broadcast_in_dim3A_1485 : i32 to vector<16xi32>
      %gather3A_1487 = tpu.vector_load_idx %arg11[%iota3A, %broadcast_in_dim3A_1486, %and3A_91] : memref<16x32x128xf32, #tpu.memory_space<vmem>>[vector<16xi32>, vector<16xi32>, vector<16xi32>], vector<16xf32>,
      %get3A_1488 = arith.constant 16 : i32
      %get3A_1489 = arith.index_cast %get3A_1488 : i32 to index
      %get3A_1490 = arith.constant 0 : index
      %get3A_1491 = tpu.vector_load %arg12[%get3A_1489, %get3A_1490] {strides = array<i32>} : memref<32x16xf32, #tpu.memory_space<vmem>>, vector<16xf32>,
      %mul3A_1492 = arith.mulf %gather3A_1487, %get3A_1491 : vector<16xf32>
      %mul3A_1493 = vector.broadcast %squeeze3A_41 : f32 to vector<16xf32>
      %mul3A_1494 = arith.mulf %mul3A_1492, %mul3A_1493 : vector<16xf32>
      %add3A_1495 = arith.addf %add3A_1484, %mul3A_1494 : vector<16xf32>
      %broadcast_in_dim3A_1496 = arith.constant 17 : i32
      %broadcast_in_dim3A_1497 = vector.broadcast %broadcast_in_dim3A_1496 : i32 to vector<16xi32>
      %gather3A_1498 = tpu.vector_load_idx %arg11[%iota3A, %broadcast_in_dim3A_1497, %and3A_91] : memref<16x32x128xf32, #tpu.memory_space<vmem>>[vector<16xi32>, vector<16xi32>, vector<16xi32>], vector<16xf32>,
      %get3A_1499 = arith.constant 17 : i32
      %get3A_1500 = arith.index_cast %get3A_1499 : i32 to index
      %get3A_1501 = arith.constant 0 : index
      %get3A_1502 = tpu.vector_load %arg12[%get3A_1500, %get3A_1501] {strides = array<i32>} : memref<32x16xf32, #tpu.memory_space<vmem>>, vector<16xf32>,
      %mul3A_1503 = arith.mulf %gather3A_1498, %get3A_1502 : vector<16xf32>
      %mul3A_1504 = vector.broadcast %squeeze3A_43 : f32 to vector<16xf32>
      %mul3A_1505 = arith.mulf %mul3A_1503, %mul3A_1504 : vector<16xf32>
      %add3A_1506 = arith.addf %add3A_1495, %mul3A_1505 : vector<16xf32>
      %broadcast_in_dim3A_1507 = arith.constant 18 : i32
      %broadcast_in_dim3A_1508 = vector.broadcast %broadcast_in_dim3A_1507 : i32 to vector<16xi32>
      %gather3A_1509 = tpu.vector_load_idx %arg11[%iota3A, %broadcast_in_dim3A_1508, %and3A_91] : memref<16x32x128xf32, #tpu.memory_space<vmem>>[vector<16xi32>, vector<16xi32>, vector<16xi32>], vector<16xf32>,
      %get3A_1510 = arith.constant 18 : i32
      %get3A_1511 = arith.index_cast %get3A_1510 : i32 to index
      %get3A_1512 = arith.constant 0 : index
      %get3A_1513 = tpu.vector_load %arg12[%get3A_1511, %get3A_1512] {strides = array<i32>} : memref<32x16xf32, #tpu.memory_space<vmem>>, vector<16xf32>,
      %mul3A_1514 = arith.mulf %gather3A_1509, %get3A_1513 : vector<16xf32>
      %mul3A_1515 = vector.broadcast %squeeze3A_45 : f32 to vector<16xf32>
      %mul3A_1516 = arith.mulf %mul3A_1514, %mul3A_1515 : vector<16xf32>
      %add3A_1517 = arith.addf %add3A_1506, %mul3A_1516 : vector<16xf32>
      %broadcast_in_dim3A_1518 = arith.constant 19 : i32
      %broadcast_in_dim3A_1519 = vector.broadcast %broadcast_in_dim3A_1518 : i32 to vector<16xi32>
      %gather3A_1520 = tpu.vector_load_idx %arg11[%iota3A, %broadcast_in_dim3A_1519, %and3A_91] : memref<16x32x128xf32, #tpu.memory_space<vmem>>[vector<16xi32>, vector<16xi32>, vector<16xi32>], vector<16xf32>,
      %get3A_1521 = arith.constant 19 : i32
      %get3A_1522 = arith.index_cast %get3A_1521 : i32 to index
      %get3A_1523 = arith.constant 0 : index
      %get3A_1524 = tpu.vector_load %arg12[%get3A_1522, %get3A_1523] {strides = array<i32>} : memref<32x16xf32, #tpu.memory_space<vmem>>, vector<16xf32>,
      %mul3A_1525 = arith.mulf %gather3A_1520, %get3A_1524 : vector<16xf32>
      %mul3A_1526 = vector.broadcast %squeeze3A_47 : f32 to vector<16xf32>
      %mul3A_1527 = arith.mulf %mul3A_1525, %mul3A_1526 : vector<16xf32>
      %add3A_1528 = arith.addf %add3A_1517, %mul3A_1527 : vector<16xf32>
      %broadcast_in_dim3A_1529 = arith.constant 20 : i32
      %broadcast_in_dim3A_1530 = vector.broadcast %broadcast_in_dim3A_1529 : i32 to vector<16xi32>
      %gather3A_1531 = tpu.vector_load_idx %arg11[%iota3A, %broadcast_in_dim3A_1530, %and3A_91] : memref<16x32x128xf32, #tpu.memory_space<vmem>>[vector<16xi32>, vector<16xi32>, vector<16xi32>], vector<16xf32>,
      %get3A_1532 = arith.constant 20 : i32
      %get3A_1533 = arith.index_cast %get3A_1532 : i32 to index
      %get3A_1534 = arith.constant 0 : index
      %get3A_1535 = tpu.vector_load %arg12[%get3A_1533, %get3A_1534] {strides = array<i32>} : memref<32x16xf32, #tpu.memory_space<vmem>>, vector<16xf32>,
      %mul3A_1536 = arith.mulf %gather3A_1531, %get3A_1535 : vector<16xf32>
      %mul3A_1537 = vector.broadcast %squeeze3A_49 : f32 to vector<16xf32>
      %mul3A_1538 = arith.mulf %mul3A_1536, %mul3A_1537 : vector<16xf32>
      %add3A_1539 = arith.addf %add3A_1528, %mul3A_1538 : vector<16xf32>
      %broadcast_in_dim3A_1540 = arith.constant 21 : i32
      %broadcast_in_dim3A_1541 = vector.broadcast %broadcast_in_dim3A_1540 : i32 to vector<16xi32>
      %gather3A_1542 = tpu.vector_load_idx %arg11[%iota3A, %broadcast_in_dim3A_1541, %and3A_91] : memref<16x32x128xf32, #tpu.memory_space<vmem>>[vector<16xi32>, vector<16xi32>, vector<16xi32>], vector<16xf32>,
      %get3A_1543 = arith.constant 21 : i32
      %get3A_1544 = arith.index_cast %get3A_1543 : i32 to index
      %get3A_1545 = arith.constant 0 : index
      %get3A_1546 = tpu.vector_load %arg12[%get3A_1544, %get3A_1545] {strides = array<i32>} : memref<32x16xf32, #tpu.memory_space<vmem>>, vector<16xf32>,
      %mul3A_1547 = arith.mulf %gather3A_1542, %get3A_1546 : vector<16xf32>
      %mul3A_1548 = vector.broadcast %squeeze3A_51 : f32 to vector<16xf32>
      %mul3A_1549 = arith.mulf %mul3A_1547, %mul3A_1548 : vector<16xf32>
      %add3A_1550 = arith.addf %add3A_1539, %mul3A_1549 : vector<16xf32>
      %broadcast_in_dim3A_1551 = arith.constant 22 : i32
      %broadcast_in_dim3A_1552 = vector.broadcast %broadcast_in_dim3A_1551 : i32 to vector<16xi32>
      %gather3A_1553 = tpu.vector_load_idx %arg11[%iota3A, %broadcast_in_dim3A_1552, %and3A_91] : memref<16x32x128xf32, #tpu.memory_space<vmem>>[vector<16xi32>, vector<16xi32>, vector<16xi32>], vector<16xf32>,
      %get3A_1554 = arith.constant 22 : i32
      %get3A_1555 = arith.index_cast %get3A_1554 : i32 to index
      %get3A_1556 = arith.constant 0 : index
      %get3A_1557 = tpu.vector_load %arg12[%get3A_1555, %get3A_1556] {strides = array<i32>} : memref<32x16xf32, #tpu.memory_space<vmem>>, vector<16xf32>,
      %mul3A_1558 = arith.mulf %gather3A_1553, %get3A_1557 : vector<16xf32>
      %mul3A_1559 = vector.broadcast %squeeze3A_53 : f32 to vector<16xf32>
      %mul3A_1560 = arith.mulf %mul3A_1558, %mul3A_1559 : vector<16xf32>
      %add3A_1561 = arith.addf %add3A_1550, %mul3A_1560 : vector<16xf32>
      %broadcast_in_dim3A_1562 = arith.constant 23 : i32
      %broadcast_in_dim3A_1563 = vector.broadcast %broadcast_in_dim3A_1562 : i32 to vector<16xi32>
      %gather3A_1564 = tpu.vector_load_idx %arg11[%iota3A, %broadcast_in_dim3A_1563, %and3A_91] : memref<16x32x128xf32, #tpu.memory_space<vmem>>[vector<16xi32>, vector<16xi32>, vector<16xi32>], vector<16xf32>,
      %get3A_1565 = arith.constant 23 : i32
      %get3A_1566 = arith.index_cast %get3A_1565 : i32 to index
      %get3A_1567 = arith.constant 0 : index
      %get3A_1568 = tpu.vector_load %arg12[%get3A_1566, %get3A_1567] {strides = array<i32>} : memref<32x16xf32, #tpu.memory_space<vmem>>, vector<16xf32>,
      %mul3A_1569 = arith.mulf %gather3A_1564, %get3A_1568 : vector<16xf32>
      %mul3A_1570 = vector.broadcast %squeeze3A_55 : f32 to vector<16xf32>
      %mul3A_1571 = arith.mulf %mul3A_1569, %mul3A_1570 : vector<16xf32>
      %add3A_1572 = arith.addf %add3A_1561, %mul3A_1571 : vector<16xf32>
      %broadcast_in_dim3A_1573 = arith.constant 24 : i32
      %broadcast_in_dim3A_1574 = vector.broadcast %broadcast_in_dim3A_1573 : i32 to vector<16xi32>
      %gather3A_1575 = tpu.vector_load_idx %arg11[%iota3A, %broadcast_in_dim3A_1574, %and3A_91] : memref<16x32x128xf32, #tpu.memory_space<vmem>>[vector<16xi32>, vector<16xi32>, vector<16xi32>], vector<16xf32>,
      %get3A_1576 = arith.constant 24 : i32
      %get3A_1577 = arith.index_cast %get3A_1576 : i32 to index
      %get3A_1578 = arith.constant 0 : index
      %get3A_1579 = tpu.vector_load %arg12[%get3A_1577, %get3A_1578] {strides = array<i32>} : memref<32x16xf32, #tpu.memory_space<vmem>>, vector<16xf32>,
      %mul3A_1580 = arith.mulf %gather3A_1575, %get3A_1579 : vector<16xf32>
      %mul3A_1581 = vector.broadcast %squeeze3A_57 : f32 to vector<16xf32>
      %mul3A_1582 = arith.mulf %mul3A_1580, %mul3A_1581 : vector<16xf32>
      %add3A_1583 = arith.addf %add3A_1572, %mul3A_1582 : vector<16xf32>
      %broadcast_in_dim3A_1584 = arith.constant 25 : i32
      %broadcast_in_dim3A_1585 = vector.broadcast %broadcast_in_dim3A_1584 : i32 to vector<16xi32>
      %gather3A_1586 = tpu.vector_load_idx %arg11[%iota3A, %broadcast_in_dim3A_1585, %and3A_91] : memref<16x32x128xf32, #tpu.memory_space<vmem>>[vector<16xi32>, vector<16xi32>, vector<16xi32>], vector<16xf32>,
      %get3A_1587 = arith.constant 25 : i32
      %get3A_1588 = arith.index_cast %get3A_1587 : i32 to index
      %get3A_1589 = arith.constant 0 : index
      %get3A_1590 = tpu.vector_load %arg12[%get3A_1588, %get3A_1589] {strides = array<i32>} : memref<32x16xf32, #tpu.memory_space<vmem>>, vector<16xf32>,
      %mul3A_1591 = arith.mulf %gather3A_1586, %get3A_1590 : vector<16xf32>
      %mul3A_1592 = vector.broadcast %squeeze3A_59 : f32 to vector<16xf32>
      %mul3A_1593 = arith.mulf %mul3A_1591, %mul3A_1592 : vector<16xf32>
      %add3A_1594 = arith.addf %add3A_1583, %mul3A_1593 : vector<16xf32>
      %broadcast_in_dim3A_1595 = arith.constant 26 : i32
      %broadcast_in_dim3A_1596 = vector.broadcast %broadcast_in_dim3A_1595 : i32 to vector<16xi32>
      %gather3A_1597 = tpu.vector_load_idx %arg11[%iota3A, %broadcast_in_dim3A_1596, %and3A_91] : memref<16x32x128xf32, #tpu.memory_space<vmem>>[vector<16xi32>, vector<16xi32>, vector<16xi32>], vector<16xf32>,
      %get3A_1598 = arith.constant 26 : i32
      %get3A_1599 = arith.index_cast %get3A_1598 : i32 to index
      %get3A_1600 = arith.constant 0 : index
      %get3A_1601 = tpu.vector_load %arg12[%get3A_1599, %get3A_1600] {strides = array<i32>} : memref<32x16xf32, #tpu.memory_space<vmem>>, vector<16xf32>,
      %mul3A_1602 = arith.mulf %gather3A_1597, %get3A_1601 : vector<16xf32>
      %mul3A_1603 = vector.broadcast %squeeze3A_61 : f32 to vector<16xf32>
      %mul3A_1604 = arith.mulf %mul3A_1602, %mul3A_1603 : vector<16xf32>
      %add3A_1605 = arith.addf %add3A_1594, %mul3A_1604 : vector<16xf32>
      %broadcast_in_dim3A_1606 = arith.constant 27 : i32
      %broadcast_in_dim3A_1607 = vector.broadcast %broadcast_in_dim3A_1606 : i32 to vector<16xi32>
      %gather3A_1608 = tpu.vector_load_idx %arg11[%iota3A, %broadcast_in_dim3A_1607, %and3A_91] : memref<16x32x128xf32, #tpu.memory_space<vmem>>[vector<16xi32>, vector<16xi32>, vector<16xi32>], vector<16xf32>,
      %get3A_1609 = arith.constant 27 : i32
      %get3A_1610 = arith.index_cast %get3A_1609 : i32 to index
      %get3A_1611 = arith.constant 0 : index
      %get3A_1612 = tpu.vector_load %arg12[%get3A_1610, %get3A_1611] {strides = array<i32>} : memref<32x16xf32, #tpu.memory_space<vmem>>, vector<16xf32>,
      %mul3A_1613 = arith.mulf %gather3A_1608, %get3A_1612 : vector<16xf32>
      %mul3A_1614 = vector.broadcast %squeeze3A_63 : f32 to vector<16xf32>
      %mul3A_1615 = arith.mulf %mul3A_1613, %mul3A_1614 : vector<16xf32>
      %add3A_1616 = arith.addf %add3A_1605, %mul3A_1615 : vector<16xf32>
      %broadcast_in_dim3A_1617 = arith.constant 28 : i32
      %broadcast_in_dim3A_1618 = vector.broadcast %broadcast_in_dim3A_1617 : i32 to vector<16xi32>
      %gather3A_1619 = tpu.vector_load_idx %arg11[%iota3A, %broadcast_in_dim3A_1618, %and3A_91] : memref<16x32x128xf32, #tpu.memory_space<vmem>>[vector<16xi32>, vector<16xi32>, vector<16xi32>], vector<16xf32>,
      %get3A_1620 = arith.constant 28 : i32
      %get3A_1621 = arith.index_cast %get3A_1620 : i32 to index
      %get3A_1622 = arith.constant 0 : index
      %get3A_1623 = tpu.vector_load %arg12[%get3A_1621, %get3A_1622] {strides = array<i32>} : memref<32x16xf32, #tpu.memory_space<vmem>>, vector<16xf32>,
      %mul3A_1624 = arith.mulf %gather3A_1619, %get3A_1623 : vector<16xf32>
      %mul3A_1625 = vector.broadcast %squeeze3A_65 : f32 to vector<16xf32>
      %mul3A_1626 = arith.mulf %mul3A_1624, %mul3A_1625 : vector<16xf32>
      %add3A_1627 = arith.addf %add3A_1616, %mul3A_1626 : vector<16xf32>
      %broadcast_in_dim3A_1628 = arith.constant 29 : i32
      %broadcast_in_dim3A_1629 = vector.broadcast %broadcast_in_dim3A_1628 : i32 to vector<16xi32>
      %gather3A_1630 = tpu.vector_load_idx %arg11[%iota3A, %broadcast_in_dim3A_1629, %and3A_91] : memref<16x32x128xf32, #tpu.memory_space<vmem>>[vector<16xi32>, vector<16xi32>, vector<16xi32>], vector<16xf32>,
      %get3A_1631 = arith.constant 29 : i32
      %get3A_1632 = arith.index_cast %get3A_1631 : i32 to index
      %get3A_1633 = arith.constant 0 : index
      %get3A_1634 = tpu.vector_load %arg12[%get3A_1632, %get3A_1633] {strides = array<i32>} : memref<32x16xf32, #tpu.memory_space<vmem>>, vector<16xf32>,
      %mul3A_1635 = arith.mulf %gather3A_1630, %get3A_1634 : vector<16xf32>
      %mul3A_1636 = vector.broadcast %squeeze3A_67 : f32 to vector<16xf32>
      %mul3A_1637 = arith.mulf %mul3A_1635, %mul3A_1636 : vector<16xf32>
      %add3A_1638 = arith.addf %add3A_1627, %mul3A_1637 : vector<16xf32>
      %broadcast_in_dim3A_1639 = arith.constant 30 : i32
      %broadcast_in_dim3A_1640 = vector.broadcast %broadcast_in_dim3A_1639 : i32 to vector<16xi32>
      %gather3A_1641 = tpu.vector_load_idx %arg11[%iota3A, %broadcast_in_dim3A_1640, %and3A_91] : memref<16x32x128xf32, #tpu.memory_space<vmem>>[vector<16xi32>, vector<16xi32>, vector<16xi32>], vector<16xf32>,
      %get3A_1642 = arith.constant 30 : i32
      %get3A_1643 = arith.index_cast %get3A_1642 : i32 to index
      %get3A_1644 = arith.constant 0 : index
      %get3A_1645 = tpu.vector_load %arg12[%get3A_1643, %get3A_1644] {strides = array<i32>} : memref<32x16xf32, #tpu.memory_space<vmem>>, vector<16xf32>,
      %mul3A_1646 = arith.mulf %gather3A_1641, %get3A_1645 : vector<16xf32>
      %mul3A_1647 = vector.broadcast %squeeze3A_69 : f32 to vector<16xf32>
      %mul3A_1648 = arith.mulf %mul3A_1646, %mul3A_1647 : vector<16xf32>
      %add3A_1649 = arith.addf %add3A_1638, %mul3A_1648 : vector<16xf32>
      %broadcast_in_dim3A_1650 = arith.constant 31 : i32
      %broadcast_in_dim3A_1651 = vector.broadcast %broadcast_in_dim3A_1650 : i32 to vector<16xi32>
      %gather3A_1652 = tpu.vector_load_idx %arg11[%iota3A, %broadcast_in_dim3A_1651, %and3A_91] : memref<16x32x128xf32, #tpu.memory_space<vmem>>[vector<16xi32>, vector<16xi32>, vector<16xi32>], vector<16xf32>,
      %get3A_1653 = arith.constant 31 : i32
      %get3A_1654 = arith.index_cast %get3A_1653 : i32 to index
      %get3A_1655 = arith.constant 0 : index
      %get3A_1656 = tpu.vector_load %arg12[%get3A_1654, %get3A_1655] {strides = array<i32>} : memref<32x16xf32, #tpu.memory_space<vmem>>, vector<16xf32>,
      %mul3A_1657 = arith.mulf %gather3A_1652, %get3A_1656 : vector<16xf32>
      %mul3A_1658 = vector.broadcast %squeeze3A_71 : f32 to vector<16xf32>
      %mul3A_1659 = arith.mulf %mul3A_1657, %mul3A_1658 : vector<16xf32>
      %add3A_1660 = arith.addf %add3A_1649, %mul3A_1659 : vector<16xf32>
      %add3A_1661 = arith.addf %add3A_1660, %get3A_73 : vector<16xf32>
      %swap3A_1662 = arith.index_cast %multiple_of3A : i32 to index
      %swap3A_1663 = tpu.vector_load %arg15[%swap3A_1662] {strides = array<i32>} : memref<512xf32, #tpu.memory_space<vmem>>, vector<16xf32>,
      tpu.vector_store %arg15[%swap3A_1662], %add3A_1661 {strides = array<i32>} : memref<512xf32, #tpu.memory_space<vmem>>, vector<16xf32>,
    }
    %scan3A_79 = arith.constant 32 : i32
    "tpu.region"() ({
      %run_scoped3A = tpu.sem_alloc : memref<!tpu.dma_semaphore, #tpu.memory_space<semaphore_mem>>
      %dma_start3A = tpu.memref_slice %arg8[%mul3A_2] : memref<16384xf32, #tpu.memory_space<hbm>> -> memref<512xf32, #tpu.memory_space<hbm>>
      %dma_start3A_80 = tpu.memref_slice %arg8[%mul3A_2] : memref<16384xf32, #tpu.memory_space<hbm>> -> memref<512xf32, #tpu.memory_space<hbm>>
      tpu.enqueue_dma source(%arg15 : memref<512xf32, #tpu.memory_space<vmem>>) target(%dma_start3A_80 : memref<512xf32, #tpu.memory_space<hbm>>) target_semaphore(%run_scoped3A : memref<!tpu.dma_semaphore, #tpu.memory_space<semaphore_mem>>)
      %dma_wait3A = tpu.memref_slice %arg8[%mul3A_2] : memref<16384xf32, #tpu.memory_space<hbm>> -> memref<512xf32, #tpu.memory_space<hbm>>
      %dma_wait3A_81 = tpu.memref_slice %arg8[%mul3A_2] : memref<16384xf32, #tpu.memory_space<hbm>> -> memref<512xf32, #tpu.memory_space<hbm>>
      tpu.wait_dma2 semaphore(%run_scoped3A : memref<!tpu.dma_semaphore, #tpu.memory_space<semaphore_mem>>) src(%arg15 : memref<512xf32, #tpu.memory_space<vmem>>) dst(%dma_wait3A_81 : memref<512xf32, #tpu.memory_space<hbm>>)
      tpu.yield
    }) : () -> ()
    return
  }
}

</mosaic_0001>

<sc_bundles>
// kernel: kernel.3.cloned.1.call-start
scs
__scs_entry_jumppad:
0x0: {  	(pc) =	sbr.rel $0x88, $3  }
0x1: {  	(tag) =	ssettag $0x0;
	lr =	simm.s32 $0x1  }
0x2: {  	[smem:$0x3F9B] =	sst lr;
	_ =	strace $0xD0000000  }
0x3: {  	_ = 	snop  }
0x4: {  	_ = 	snop  }
0x5: {  	_ = 	snop  }
0x6: {  	_ = 	snop  }
0x7: {  	_ = 	snop  }
__scs_overlays_trampoline_lowered:
0x8: {  	[smem:$0x3FAA] =	sst s0  }
0x9: {  	[smem:$0x3FAB] =	sst s1  }
0xa: {  	[smem:$0x3FAC] =	sst s2  }
0xb: {  	[smem:$0x3FAD] =	sst s3  }
0xc: {  	[smem:$0x3FAE] =	sst s4  }
0xd: {  	[smem:$0x3FAF] =	sst s5  }
0xe: {  	[smem:$0x3FB0] =	sst s6  }
0xf: {  	[smem:$0x3FB1] =	sst s7  }
0x10: {  	[smem:$0x3FB2] =	sst s8  }
0x11: {  	[smem:$0x3FB3] =	sst s9;
	s0 =	simm.s32 @!p0 $0x0  }
0x12: {  	s1 =	sld [smem:$0x3F99];
	s0 =	simm.s32 @p0 $0x1  }
0x13: {  	[smem:$0x3FB4] =	sst s0;
	s0 =	simm.s32 @!p1 $0x0  }
0x14: {  	s2 =	sld [smem:$0x3F98];
	s0 =	simm.s32 @p1 $0x1  }
0x15: {  	[smem:$0x3FB5] =	sst s0;
	s0 =	simm.s32 @!p2 $0x0  }
0x16: {  	s3 =	sld [smem:$0x3FDB];
	s0 =	simm.s32 @p2 $0x1  }
0x17: {  	s4 =	simm.s32 $0x1BF5;
	[smem:$0x3FB7] =	sst s0  }
0x18: {  	s0 =	sld [smem:$0x3F9A];
	_ =	swait.ge [sflag:s4], $0x0  }
0x19: {  	s7 =	sld [smem:$0x3F9B]  }
0x1a: {  	s8 =	sadd.s32 $0xFFFFE003, lr  }
0x1b: {  	s9 =	sadd.s32 $0xFFFFFEF7, lr;
	s5 =	simm.s32 $0xFFFFFFFF;
	p2 =	slt.u32 s8, $0xFFFFF086  }
0x1c: {  	p1 =	slt.u32 s9, $0xF7A;
	s5 =	simm.s32 @!p2 $0x0  }
0x1d: {  	s5 =	simm.s32 @p1 $0x1;
	p0 =	seq.s32 s7, s2  }
0x1e: {  	s7 =	smul.u32 @!p0 $0xF7A, s2;
	p2 =	seq.s32 @!p0 s5, $0x0  }
0x1f: {  	s9 =	smul.u32 $0xF7A, s1;
	s8 =	simm.s32 @!p0 $0x1BF5;
	p2 =	por !p2, p0  }
0x20: {  	[sflag:s8] =	ssyncset.s32 @!p0 $0xFFFFF086;
	s6 =	sadd.s32 @!p0 s3, s7;
	s7 =	simm.s32 @!p0 $0x108  }
0x21: {  	s3 =	sadd.s32 s3, s9;
	s6 =	sadd.s32 @!p0 $0x88, s6;
	s7 =	simm.s32 @p2 $0x1082  }
0x22: {  	[simem:s7], [sflag:s8] =	dma.local @!p0 [hbm:s6], $0xF7A  }
0x23: {  	s9 =	sor.u32 $0xD0000000, s2;
	s6 =	simm.s32 $0x108;
	_ =	swait.ge @!p0 [sflag:s8], $0x0  }
0x24: {  	s3 =	sadd.s32 $0x88, s3;
	s6 =	simm.s32 @!p1 $0x1082;
	[sflag:s4] =	ssyncset.s32 $0xFFFFF086  }
0x25: {  	[simem:s6], [sflag:s4] =	dma.local [hbm:s3], $0xF7A  }
0x26: {  	[smem:$0x3F9B] =	sst s1;
	(tag) =	ssettag s2;
	_ =	strace s9  }
0x27: {  	s1 =	sld [smem:$0x3FAB]  }
0x28: {  	s2 =	sld [smem:$0x3FAC]  }
0x29: {  	s4 =	sld [smem:$0x3FAE]  }
0x2a: {  	p0 =	seq.s32 s5, $0x0;
	s5 =	sld [smem:$0x3FAF]  }
0x2b: {  	s6 =	sld [smem:$0x3FB0]  }
0x2c: {  	s7 =	sld [smem:$0x3FB1]  }
0x2d: {  	s3 =	simm.s32 $0x108;
	s8 =	sld [smem:$0x3FB2]  }
0x2e: {  	s3 =	simm.s32 @!p0 $0x1082;
	s9 =	sld [smem:$0x3FB3]  }
0x2f: {  	lr =	sadd.s32 s0, s3;
	s0 =	sld [smem:$0x3FAA]  }
0x30: {  	s3 =	sld [smem:$0x3FAD]  }
0x31: {  	[smem:$0x3FB6] =	sst s10  }
0x32: {  	s10 =	sld [smem:$0x3FB4];
	_ =	sdelay $0x3  }
0x33: {  	p0 =	seq.s32 s10, $0x1;
	s10 =	sld [smem:$0x3FB6];
	_ =	sdelay $0x3  }
0x34: {  	[smem:$0x3FB6] =	sst s10  }
0x35: {  	s10 =	sld [smem:$0x3FB5];
	_ =	sdelay $0x3  }
0x36: {  	p1 =	seq.s32 s10, $0x1;
	s10 =	sld [smem:$0x3FB6];
	_ =	sdelay $0x3  }
0x37: {  	[smem:$0x3FB6] =	sst s10  }
0x38: {  	s10 =	sld [smem:$0x3FB7]  }
0x39: {  	_ = 	snop;
	(pc) =	sbr.ind lr, $3  }
0x3a: {  	_ = 	snop  }
0x3b: {  	_ = 	snop  }
0x3c: {  	p2 =	seq.s32 s10, $0x1;
	s10 =	sld [smem:$0x3FB6]  }
0x3d: {  	_ =	shalt  }
0x3e: {  	_ =	shalt  }
0x3f: {  	_ =	shalt  }
0x40: {  	_ =	shalt  }
0x41: {  	_ =	shalt  }
0x42: {  	_ =	shalt  }
0x43: {  	_ =	shalt  }
0x44: {  	_ =	shalt  }
0x45: {  	_ =	shalt  }
0x46: {  	_ =	shalt  }
0x47: {  	_ =	shalt  }
0x48: {  	_ =	shalt  }
0x49: {  	_ =	shalt  }
0x4a: {  	_ =	shalt  }
0x4b: {  	_ =	shalt  }
0x4c: {  	_ =	shalt  }
0x4d: {  	_ =	shalt  }
0x4e: {  	_ =	shalt  }
0x4f: {  	_ =	shalt  }
0x50: {  	_ =	shalt  }
0x51: {  	_ =	shalt  }
0x52: {  	_ =	shalt  }
0x53: {  	_ =	shalt  }
0x54: {  	_ =	shalt  }
0x55: {  	_ =	shalt  }
0x56: {  	_ =	shalt  }
0x57: {  	_ =	shalt  }
0x58: {  	_ =	shalt  }
0x59: {  	_ =	shalt  }
0x5a: {  	_ =	shalt  }
0x5b: {  	_ =	shalt  }
0x5c: {  	_ =	shalt  }
0x5d: {  	_ =	shalt  }
0x5e: {  	_ =	shalt  }
0x5f: {  	_ =	shalt  }
0x60: {  	_ =	shalt  }
0x61: {  	_ =	shalt  }
0x62: {  	_ =	shalt  }
0x63: {  	_ =	shalt  }
0x64: {  	_ =	shalt  }
0x65: {  	_ =	shalt  }
0x66: {  	_ =	shalt  }
0x67: {  	_ =	shalt  }
0x68: {  	_ =	shalt  }
0x69: {  	_ =	shalt  }
0x6a: {  	_ =	shalt  }
0x6b: {  	_ =	shalt  }
0x6c: {  	_ =	shalt  }
0x6d: {  	_ =	shalt  }
0x6e: {  	_ =	shalt  }
0x6f: {  	_ =	shalt  }
0x70: {  	_ =	shalt  }
0x71: {  	_ =	shalt  }
0x72: {  	_ =	shalt  }
0x73: {  	_ =	shalt  }
0x74: {  	_ =	shalt  }
0x75: {  	_ =	shalt  }
0x76: {  	_ =	shalt  }
0x77: {  	_ =	shalt  }
0x78: {  	_ =	shalt  }
0x79: {  	_ =	shalt  }
0x7a: {  	_ =	shalt  }
0x7b: {  	_ =	shalt  }
0x7c: {  	_ =	shalt  }
0x7d: {  	_ =	shalt  }
0x7e: {  	_ =	shalt  }
0x7f: {  	_ =	shalt  }
0x80: {  	_ =	shalt  }
0x81: {  	_ =	shalt  }
0x82: {  	_ =	shalt  }
0x83: {  	_ =	shalt  }
0x84: {  	_ =	shalt  }
0x85: {  	_ =	shalt  }
0x86: {  	_ =	shalt  }
0x87: {  	_ =	shalt  }
.Lfunc_end0:
.L_simem_size_0:
called_computation_lowered:
.L_overlay_start_0:
0x88: {  	s2 =	sld [smem:$0x3FD9]  }
0x89: {  	s3 =	sld [smem:$0x3FFE];
	_ =	sdelay $0x1  }
0x8a: {  	s1 =	srdreg.scid  }
0x8b: {  	s0 =	sand.u32 $0x1, s1  }
0x8c: {  	s17 =	sshll.u32 s0, $0xA;
	s2 =	sadd.s32 s3, s2  }
0x8d: {  	s2 =	sadd.s32 s2, s17  }
0x8e: {  	[smem:$0x3FC2] =	sst s2  }
0x8f: {  	_ = 	snop  }
0x90: {  	s2 =	sld [smem:$0x3FC9]  }
0x91: {  	s18 =	sld [smem:$0x3FC8]  }
0x92: {  	s4 =	sld [smem:$0x3FC7]  }
0x93: {  	s5 =	sld [smem:$0x3FC6]  }
0x94: {  	s6 =	sld [smem:$0x3FD0];
	(tm) =	ssettm $0x1  }
0x95: {  	s7 =	sld [smem:$0x3FFB];
	_ =	sdelay $0x3  }
0x96: {  	_ =	strace s7  }
0x97: {  	s7 =	sld [smem:$0x3FFC];
	_ =	sdelay $0x3  }
0x98: {  	_ =	strace s7  }
0x99: {  	s7 =	sld [smem:$0x3FFD];
	_ =	sdelay $0x3  }
0x9a: {  	_ =	strace s7  }
0x9b: {  	_ =	strace $0x8FFFFFFF  }
0x9c: {  	s19 =	sld [smem:$0x3FDB];
	_ =	sdelay $0x1  }
0x9d: {  	s8 =	simm.s32 $_scs_section_size  }
0x9e: {  	s9 =	simm.s32 $_size__tile_overlayer_lowered;
	s10 =	simm.s32 $_tile_overlayer_lowered  }
0x9f: {  	s22 =	simm.s32 $0x1BFF;
	s21 =	sshll.u32 s10, $0x1;
	s7 =	sadd.s32 s8, s19  }
0xa0: {  	s11 =	simm.s32 $0x0;
	s20 =	sshll.u32 s9, $0x1;
	s9 =	sadd.s32 s21, s7  }
0xa1: {  	[timem:s11], [sflag:s22] =	dma.local [hbm:s9], s20  }
0xa2: {  	_ =	swait.ge [sflag:s22], s20  }
0xa3: {  	s8 =	ssub.s32 $0x0, s20;
	[sflag:s22] =	ssyncset.done $0x0  }
0xa4: {  	[sflag:s22] =	ssyncadd.s32 s8;
	_ =	sdelay $0x1  }
0xa5: {  	s23 =	simm.s32 $0x1B8B  }
0xa6: {  	_ =	swait.ge [sflag:s23], $0x1  }
0xa7: {  	[sflag:s23] =	ssyncset.done $0x0  }
0xa8: {  	s25 =	simm.s32 $0x1B8E;
	s24 =	sld [smem:$0x3FFE];
	[sflag:s23] =	ssyncadd.s32 $0xFFFFFFFF  }
0xa9: {  	s26 =	simm.s32 $execute0_lowered;
	[smem:$0x3FD2] =	sst s25  }
0xaa: {  	s9 =	sshll.u32 s26, $0x1;
	_ =	strace $0x80000046;
	[dreg:$0x1] =	wrdreg $0xFFFFFFFF  }
0xab: {  	s28 =	simm.s32 $_size_execute0_lowered;
	s7 =	sadd.s32 s7, s9;
	[dreg:$0x0] =	wrdreg $0x0  }
0xac: {  	s9 =	sshll.u32 s28, $0x1;
	[dreg:$0x2] =	wrdreg s7  }
0xad: {  	[dreg:$0x3] =	wrdreg s9  }
0xae: {  	[dreg:$0x4] =	wrdreg $0xC0  }
0xaf: {  	_ =	task [dreg:s11], $0x5FFFF  }
0xb0: {  	[dreg:$0x1] =	wrdreg $0xFFFFFFFF  }
0xb1: {  	[dreg:$0x0] =	wrdreg $0x60  }
0xb2: {  	[dreg:$0x2] =	wrdreg s2  }
0xb3: {  	[dreg:$0x3] =	wrdreg s18  }
0xb4: {  	[dreg:$0x4] =	wrdreg s4  }
0xb5: {  	[dreg:$0x5] =	wrdreg s5  }
0xb6: {  	[dreg:$0x6] =	wrdreg s24  }
0xb7: {  	[dreg:$0x7] =	wrdreg s6  }
0xb8: {  	[dreg:$0x8] =	wrdreg $0x9  }
0xb9: {  	_ =	task.clear_ibuf [dreg:s11], $0x9FFFF;
	_ =	strace $0x90000046  }
0xba: {  	s29 =	simm.s32 $0x9;
	_ =	strace $0x80000048  }
0xbb: {  	_ =	swait.ge [sflag:s29], $0x1  }
0xbc: {  	[sflag:s29] =	ssyncadd.s32 $0xFFFFFFFF  }
0xbd: {  	_ =	strace $0x90000048  }
0xbe: {  	_ =	sfence  }
0xbf: {  	s30 =	sld [smem:$0x0];
	_ =	sdelay $0x2  }
0xc0: {  	s31 =	sshll.u32 s1, $0xD;
	s1 =	sshrl.u32 s1, $0x2  }
0xc1: {  	s3 =	sand.u32 $0x4000, s31;
	s1 =	sadd.s32 s1, s30  }
0xc2: {  	s0 =	sor.u32 s3, s0;
	s1 =	sshll.u32 s1, $0x11  }
0xc3: {  	s0 =	sor.u32 s1, s0  }
0xc4: {  	s0 =	sadd.s32 $0x8F2B, s0  }
0xc5: {  	[sflag:s0] =	ssyncadd.remote.s32 $0x1  }
0xc6: {  	_ =	sfence.sel $0xFFFF  }
0xc7: {  	[dreg:$0x0] =	wrdreg $0xFFFFFFFF;
	(pc) =	sbr.abs _section_cstart, $3  }
0xc8: {  	[dreg:$0x1] =	wrdreg $0xFFFFFFFF  }
0xc9: {  	_ =	task.clear_ibuf [dreg:s11], $0x2FFFF;
	_ =	strace $0x9FFFFFFF  }
0xca: {  	(tm) =	ssettm $0x7FFFFFFF  }
0xcb: {  	_ =	shalt  }
tec
execute0_lowered:
.L_overlay_start_1:
0x0: {  	(tag) =	ssettag $0x1  }
0x1: {  	s0 =	rddreg [dreg:$0x0]  }
0x2: {  	s3 =	rddreg [dreg:$0x1]  }
0x3: {  	s1 =	rddreg [dreg:$0x2]  }
0x4: {  	s2 =	rddreg [dreg:$0x3]  }
0x5: {  	s6 =	rddreg [dreg:$0x4]  }
0x6: {  	s9 =	rddreg [dreg:$0x5]  }
0x7: {  	s4 =	simm.s32 $0x0;
	s5 =	srdreg.scid;
	s8 =	stileid.u32;
	v0 =	vlaneseq.u32  }
0x8: {  	s15 =	simm.s32 $0x7A1400;
	s16 =	simm.s32 $0x400;
	s17 =	simm.s32 $0x1400;
	v0 =	vmul.u32 $0x1000, v0  }
0x9: {  	s18 =	simm.s32 $0x2400;
	s19 =	simm.s32 $0x3400;
	s20 =	simm.s32 $0x4400  }
0xa: {  	s21 =	simm.s32 $0x5400;
	s22 =	simm.s32 $0x6400;
	s23 =	simm.s32 $0x7400;
	v1 =	vor.u32 $0x80, v0  }
0xb: {  	s24 =	simm.s32 $0x8400;
	s25 =	simm.s32 $0x9400;
	s28 =	simm.s32 $0xB400;
	v2 =	vor.u32 $0x100, v0;
	v3 =	vor.u32 $0x180, v0;
	v4 =	vor.u32 $0x200, v0  }
0xc: {  	s29 =	simm.s32 $0xC400;
	s30 =	simm.s32 $0xD400;
	s31 =	simm.s32 $0xE400;
	v5 =	vor.u32 $0x280, v0;
	v6 =	vor.u32 $0x300, v0;
	v7 =	vor.u32 $0x380, v0  }
0xd: {  	s13 =	simm.s32 $0x0;
	[smem:$0x7FF] =	sst s4;
	s5 =	sand.u32 $0x1, s5;
	v8 =	vor.u32 $0x400, v0;
	v9 =	vor.u32 $0x480, v0;
	v10 =	vor.u32 $0x500, v0  }
0xe: {  	s8 =	sshll.u32 s8, $0x7;
	s26 =	sadd.s32 $0x200, s6;
	s6 =	sadd.s32 $0x400, s6;
	v11 =	vor.u32 $0x580, v0;
	v12 =	vor.u32 $0x600, v0;
	v13 =	vor.u32 $0x680, v0  }
0xf: {  	_ =	strace $0x80000047;
	s7 =	ssub.s32 $0x2, s5;
	s10 =	sshll.u32 s5, $0x6;
	v14 =	vor.u32 $0x700, v0;
	v15 =	vor.u32 $0x780, v0;
	v16 =	vor.u32 $0x800, v0  }
0x10: {  	[dreg:$0x7] =	wrdreg s26;
	s11 =	sshrl.u32 s7, $0x1;
	s10 =	sor.u32 s10, s8;
	v17 =	vor.u32 $0x880, v0;
	v18 =	vor.u32 $0x900, v0;
	v19 =	vor.u32 $0x980, v0  }
0x11: {  	s26 =	simm.s32 $0xA400;
	v20 =	vor.u32 $0xA00, v0;
	v21 =	vor.u32 $0xA80, v0;
	v22 =	vor.u32 $0xB00, v0;
	s11 =	ssub.s32 s7, s11;
	s7 =	sadd.s32 s0, s10  }
0x12: {  	v23 =	vor.u32 $0xB80, v0;
	v24 =	vor.u32 $0xC00, v0;
	v25 =	vor.u32 $0xC80, v0;
	s8 =	sadd.s32 s3, s10;
	s9 =	sadd.s32 s9, s10;
	s0 =	simm.s32 $0xF400  }
0x13: {  	v26 =	vor.u32 $0xD00, v0;
	v27 =	vor.u32 $0xD80, v0;
	v28 =	vor.u32 $0xE00, v0;
	s3 =	simm.s32 $0x1;
	s10 =	smax.u32 s11, $0x1;
	s11 =	simm.s32 $0x2  }
.LBB2_1:
0x14: {  	[tilespmem:s4], [sflag:$0x2] =	stream.linear.gather [hbm4b:s7+s4], $0x200, $0x38;
	[tilespmem:$0x11780] =	vst v63  }
0x15: {  	_ =	swait.ge [sflag:s11], $0x200  }
0x16: {  	[sflag:s11] =	ssyncset.done $0x0  }
0x17: {  	s5 =	simm.s32 $0x200;
	[sflag:s11] =	ssyncadd.s32 $0xFFFFFE00  }
0x18: {  	[tilespmem:s5], [sflag:$0x2] =	stream.linear.gather [hbm4b:s8+s4], $0x200, $0x38;
	[tilespmem:$0x11780] =	vst v63  }
0x19: {  	_ =	swait.ge [sflag:s11], $0x200  }
0x1a: {  	[sflag:s11] =	ssyncset.done $0x0  }
0x1b: {  	s12 =	simm.s32 $0x11400;
	s14 =	rddreg [dreg:$0x7];
	[sflag:s11] =	ssyncadd.s32 $0xFFFFFE00  }
0x1c: {  	[tilespmem:s12], [sflag:$0x2] =	stream.linear.gather [hbm4b:s14+s4], $0x100, $0x38;
	[tilespmem:$0x11780] =	vst v63  }
0x1d: {  	_ =	swait.ge [sflag:s11], $0x100  }
0x1e: {  	[sflag:s11] =	ssyncset.done $0x0  }
0x1f: {  	s14 =	simm.s32 $0x11500;
	[sflag:s11] =	ssyncadd.s32 $0xFFFFFF00  }
0x20: {  	[tilespmem:s14], [sflag:$0x2] =	stream.linear.gather [hbm4b:s6+s4], $0x80, $0x38;
	[tilespmem:$0x11780] =	vst v63  }
0x21: {  	_ =	swait.ge [sflag:s11], $0x80  }
0x22: {  	[sflag:s11] =	ssyncset.done $0x0  }
0x23: {  	[sflag:s11] =	ssyncadd.s32 $0xFFFFFF80  }
0x24: {  	v29 =	vld [tilespmem:$0x11400];
	_ =	sdelay $0x4  }
0x25: {  	v30 =	vbroadcast v29, $0x0  }
0x26: {  	v31 =	vbroadcast v29, $0x6  }
0x27: {  	[tilespmem:$0x1FF20] =	vst v30;
	v30 =	vbroadcast v29, $0x1  }
0x28: {  	[tilespmem:$0x1FF80] =	vst v31;
	v31 =	vbroadcast v29, $0x7  }
0x29: {  	[tilespmem:$0x1FF30] =	vst v30;
	v30 =	vbroadcast v29, $0x2  }
0x2a: {  	[tilespmem:$0x1FF90] =	vst v31;
	v31 =	vbroadcast v29, $0x8  }
0x2b: {  	[tilespmem:$0x1FF40] =	vst v30;
	v30 =	vbroadcast v29, $0x3  }
0x2c: {  	[tilespmem:$0x1FFA0] =	vst v31;
	v31 =	vbroadcast v29, $0x9  }
0x2d: {  	[tilespmem:$0x1FF50] =	vst v30;
	v30 =	vbroadcast v29, $0x4  }
0x2e: {  	[tilespmem:$0x1FFB0] =	vst v31;
	v31 =	vbroadcast v29, $0xA  }
0x2f: {  	[tilespmem:$0x1FF60] =	vst v30;
	v30 =	vbroadcast v29, $0x5  }
0x30: {  	[tilespmem:$0x1FFC0] =	vst v31  }
0x31: {  	v31 =	vbroadcast v29, $0xB;
	[tilespmem:$0x1FF70] =	vst v30;
	v30 =	vld [tilespmem:$0x11480];
	_ =	sdelay $0x1  }
0x32: {  	[tilespmem:$0x1FFD0] =	vst v31;
	v31 =	vbroadcast v29, $0xC  }
0x33: {  	v43 =	vbroadcast v29, $0xE  }
0x34: {  	v44 =	vbroadcast v29, $0xF;
	[tilespmem:$0x1FFE0] =	vst v31;
	v31 =	vbroadcast v29, $0xD  }
0x35: {  	v45 =	vbroadcast v30, $0x0;
	v46 =	vbroadcast v30, $0x1  }
0x36: {  	v47 =	vbroadcast v30, $0x2;
	v48 =	vbroadcast v30, $0x3  }
0x37: {  	v49 =	vbroadcast v30, $0x4;
	v50 =	vbroadcast v30, $0x5  }
0x38: {  	v51 =	vbroadcast v30, $0x6;
	v52 =	vbroadcast v30, $0x7  }
0x39: {  	v53 =	vbroadcast v30, $0x8;
	v54 =	vbroadcast v30, $0x9  }
0x3a: {  	v55 =	vbroadcast v30, $0xA;
	v56 =	vbroadcast v30, $0xB  }
0x3b: {  	v57 =	vbroadcast v30, $0xC;
	v58 =	vbroadcast v30, $0xD  }
0x3c: {  	s14 =	simm.s32 $0x0;
	v59 =	vld [tilespmem:$0x11500];
	[tilespmem:$0x1FFF0] =	vst v31;
	v60 =	vbroadcast v30, $0xE;
	v61 =	vbroadcast v30, $0xF  }
.LBB2_2:
0x3d: {  	s12 =	sshra.s32 s14, $0x2  }
0x3e: {  	v29 =	vld [tilespmem:s12+$0x0];
	_ =	sdelay $0x4  }
0x3f: {  	v30 =	vshrl.u32 v29, $0x7  }
0x40: {  	v30 =	vshll.u32 v30, $0x7  }
0x41: {  	(v2sf) =	vpush v30, $0x0;
	_ =	sdelay $0x3  }
0x42: {  	(v2sf) =	vpush v30, $0x1;
	_ =	sdelay $0x3  }
0x43: {  	(v2sf) =	vpush v30, $0x2;
	_ =	sdelay $0x3  }
0x44: {  	(v2sf) =	vpush v30, $0x3;
	_ =	sdelay $0x2  }
0x45: {  	s5 =	spop (v2sf)  }
0x46: {  	(v2sf) =	vpush v30, $0x4;
	s5 =	sand.u32 $0x1FFFFF80, s5  }
0x47: {  	s5 =	sadd.s32 s1, s5  }
0x48: {  	v62 =	vld [tilespmem:s12+$0x200];
	[tilespmem:s16], [sflag:$0x1] =	stream.strided.gather [hbm4b:s5+s16], $0x1000, s15, s16, $0x38  }
0x49: {  	s5 =	spop (v2sf)  }
0x4a: {  	(v2sf) =	vpush v30, $0x5;
	s5 =	sand.u32 $0x1FFFFF80, s5  }
0x4b: {  	s5 =	sadd.s32 s1, s5  }
0x4c: {  	[tilespmem:s17], [sflag:$0x1] =	stream.strided.gather [hbm4b:s5+s16], $0x1000, s15, s16, $0x38;
	[tilespmem:$0x11780] =	vst v63  }
0x4d: {  	s5 =	spop (v2sf)  }
0x4e: {  	(v2sf) =	vpush v30, $0x6;
	s5 =	sand.u32 $0x1FFFFF80, s5  }
0x4f: {  	s5 =	sadd.s32 s1, s5  }
0x50: {  	[tilespmem:s18], [sflag:$0x1] =	stream.strided.gather [hbm4b:s5+s16], $0x1000, s15, s16, $0x38;
	[tilespmem:$0x11780] =	vst v63  }
0x51: {  	s5 =	spop (v2sf)  }
0x52: {  	(v2sf) =	vpush v30, $0x7;
	s5 =	sand.u32 $0x1FFFFF80, s5  }
0x53: {  	s5 =	sadd.s32 s1, s5  }
0x54: {  	[tilespmem:s19], [sflag:$0x1] =	stream.strided.gather [hbm4b:s5+s16], $0x1000, s15, s16, $0x38;
	[tilespmem:$0x11780] =	vst v63  }
0x55: {  	s5 =	spop (v2sf)  }
0x56: {  	(v2sf) =	vpush v30, $0x8;
	s5 =	sand.u32 $0x1FFFFF80, s5  }
0x57: {  	s5 =	sadd.s32 s1, s5  }
0x58: {  	[tilespmem:s20], [sflag:$0x1] =	stream.strided.gather [hbm4b:s5+s16], $0x1000, s15, s16, $0x38;
	[tilespmem:$0x11780] =	vst v63  }
0x59: {  	s5 =	spop (v2sf)  }
0x5a: {  	(v2sf) =	vpush v30, $0x9;
	s5 =	sand.u32 $0x1FFFFF80, s5  }
0x5b: {  	s5 =	sadd.s32 s1, s5  }
0x5c: {  	[tilespmem:s21], [sflag:$0x1] =	stream.strided.gather [hbm4b:s5+s16], $0x1000, s15, s16, $0x38;
	[tilespmem:$0x11780] =	vst v63  }
0x5d: {  	s5 =	spop (v2sf)  }
0x5e: {  	(v2sf) =	vpush v30, $0xA;
	s5 =	sand.u32 $0x1FFFFF80, s5  }
0x5f: {  	s5 =	sadd.s32 s1, s5  }
0x60: {  	[tilespmem:s22], [sflag:$0x1] =	stream.strided.gather [hbm4b:s5+s16], $0x1000, s15, s16, $0x38;
	[tilespmem:$0x11780] =	vst v63  }
0x61: {  	s5 =	spop (v2sf)  }
0x62: {  	(v2sf) =	vpush v30, $0xB;
	s5 =	sand.u32 $0x1FFFFF80, s5  }
0x63: {  	s5 =	sadd.s32 s1, s5  }
0x64: {  	[tilespmem:s23], [sflag:$0x1] =	stream.strided.gather [hbm4b:s5+s16], $0x1000, s15, s16, $0x38;
	[tilespmem:$0x11780] =	vst v63  }
0x65: {  	s5 =	spop (v2sf)  }
0x66: {  	(v2sf) =	vpush v30, $0xC;
	s5 =	sand.u32 $0x1FFFFF80, s5  }
0x67: {  	s5 =	sadd.s32 s1, s5  }
0x68: {  	[tilespmem:s24], [sflag:$0x1] =	stream.strided.gather [hbm4b:s5+s16], $0x1000, s15, s16, $0x38;
	[tilespmem:$0x11780] =	vst v63  }
0x69: {  	s5 =	spop (v2sf)  }
0x6a: {  	(v2sf) =	vpush v30, $0xD;
	s5 =	sand.u32 $0x1FFFFF80, s5  }
0x6b: {  	s5 =	sadd.s32 s1, s5  }
0x6c: {  	[tilespmem:s25], [sflag:$0x1] =	stream.strided.gather [hbm4b:s5+s16], $0x1000, s15, s16, $0x38;
	[tilespmem:$0x11780] =	vst v63  }
0x6d: {  	s5 =	spop (v2sf)  }
0x6e: {  	(v2sf) =	vpush v30, $0xE;
	s5 =	sand.u32 $0x1FFFFF80, s5  }
0x6f: {  	s5 =	sadd.s32 s1, s5  }
0x70: {  	[tilespmem:s26], [sflag:$0x1] =	stream.strided.gather [hbm4b:s5+s16], $0x1000, s15, s16, $0x38;
	[tilespmem:$0x11780] =	vst v63  }
0x71: {  	s5 =	spop (v2sf)  }
0x72: {  	(v2sf) =	vpush v30, $0xF;
	s5 =	sand.u32 $0x1FFFFF80, s5  }
0x73: {  	s5 =	sadd.s32 s1, s5  }
0x74: {  	[tilespmem:s28], [sflag:$0x1] =	stream.strided.gather [hbm4b:s5+s16], $0x1000, s15, s16, $0x38;
	[tilespmem:$0x11780] =	vst v63  }
0x75: {  	s5 =	spop (v2sf)  }
0x76: {  	s5 =	sand.u32 $0x1FFFFF80, s5  }
0x77: {  	s5 =	sadd.s32 s1, s5  }
0x78: {  	[tilespmem:s29], [sflag:$0x1] =	stream.strided.gather [hbm4b:s5+s16], $0x1000, s15, s16, $0x38;
	[tilespmem:$0x11780] =	vst v63  }
0x79: {  	s5 =	spop (v2sf)  }
0x7a: {  	s5 =	sand.u32 $0x1FFFFF80, s5  }
0x7b: {  	s5 =	sadd.s32 s1, s5  }
0x7c: {  	[tilespmem:s30], [sflag:$0x1] =	stream.strided.gather [hbm4b:s5+s16], $0x1000, s15, s16, $0x38;
	[tilespmem:$0x11780] =	vst v63  }
0x7d: {  	s5 =	spop (v2sf)  }
0x7e: {  	s5 =	sand.u32 $0x1FFFFF80, s5  }
0x7f: {  	s5 =	sadd.s32 s1, s5  }
0x80: {  	[tilespmem:s31], [sflag:$0x1] =	stream.strided.gather [hbm4b:s5+s16], $0x1000, s15, s16, $0x38;
	[tilespmem:$0x11780] =	vst v63  }
0x81: {  	s5 =	spop (v2sf)  }
0x82: {  	s5 =	sand.u32 $0x1FFFFF80, s5  }
0x83: {  	s5 =	sadd.s32 s1, s5  }
0x84: {  	[tilespmem:s0], [sflag:$0x1] =	stream.strided.gather [hbm4b:s5+s16], $0x1000, s15, s16, $0x38;
	[tilespmem:$0x11780] =	vst v63  }
0x85: {  	_ =	swait.ge [sflag:s3], $0x1000  }
0x86: {  	[sflag:s3] =	ssyncset.done $0x0  }
0x87: {  	[sflag:s3] =	ssyncadd.s32 $0xFFFFF000  }
0x88: {  	_ =	swait.ge [sflag:s3], $0x1000  }
0x89: {  	[sflag:s3] =	ssyncset.done $0x0  }
0x8a: {  	[sflag:s3] =	ssyncadd.s32 $0xFFFFF000  }
0x8b: {  	_ =	swait.ge [sflag:s3], $0x1000  }
0x8c: {  	[sflag:s3] =	ssyncset.done $0x0  }
0x8d: {  	[sflag:s3] =	ssyncadd.s32 $0xFFFFF000  }
0x8e: {  	_ =	swait.ge [sflag:s3], $0x1000  }
0x8f: {  	[sflag:s3] =	ssyncset.done $0x0  }
0x90: {  	[sflag:s3] =	ssyncadd.s32 $0xFFFFF000  }
0x91: {  	_ =	swait.ge [sflag:s3], $0x1000  }
0x92: {  	[sflag:s3] =	ssyncset.done $0x0  }
0x93: {  	[sflag:s3] =	ssyncadd.s32 $0xFFFFF000  }
0x94: {  	_ =	swait.ge [sflag:s3], $0x1000  }
0x95: {  	[sflag:s3] =	ssyncset.done $0x0  }
0x96: {  	[sflag:s3] =	ssyncadd.s32 $0xFFFFF000  }
0x97: {  	_ =	swait.ge [sflag:s3], $0x1000  }
0x98: {  	[sflag:s3] =	ssyncset.done $0x0  }
0x99: {  	[sflag:s3] =	ssyncadd.s32 $0xFFFFF000  }
0x9a: {  	_ =	swait.ge [sflag:s3], $0x1000  }
0x9b: {  	[sflag:s3] =	ssyncset.done $0x0  }
0x9c: {  	[sflag:s3] =	ssyncadd.s32 $0xFFFFF000  }
0x9d: {  	_ =	swait.ge [sflag:s3], $0x1000  }
0x9e: {  	[sflag:s3] =	ssyncset.done $0x0  }
0x9f: {  	[sflag:s3] =	ssyncadd.s32 $0xFFFFF000  }
0xa0: {  	_ =	swait.ge [sflag:s3], $0x1000  }
0xa1: {  	[sflag:s3] =	ssyncset.done $0x0  }
0xa2: {  	[sflag:s3] =	ssyncadd.s32 $0xFFFFF000  }
0xa3: {  	_ =	swait.ge [sflag:s3], $0x1000  }
0xa4: {  	[sflag:s3] =	ssyncset.done $0x0  }
0xa5: {  	[sflag:s3] =	ssyncadd.s32 $0xFFFFF000  }
0xa6: {  	_ =	swait.ge [sflag:s3], $0x1000  }
0xa7: {  	[sflag:s3] =	ssyncset.done $0x0  }
0xa8: {  	[sflag:s3] =	ssyncadd.s32 $0xFFFFF000  }
0xa9: {  	_ =	swait.ge [sflag:s3], $0x1000  }
0xaa: {  	[sflag:s3] =	ssyncset.done $0x0  }
0xab: {  	[sflag:s3] =	ssyncadd.s32 $0xFFFFF000  }
0xac: {  	_ =	swait.ge [sflag:s3], $0x1000  }
0xad: {  	[sflag:s3] =	ssyncset.done $0x0  }
0xae: {  	[sflag:s3] =	ssyncadd.s32 $0xFFFFF000  }
0xaf: {  	v31 =	vand.u32 $0x7F, v29;
	_ =	swait.ge [sflag:s3], $0x1000  }
0xb0: {  	v29 =	vor.u32 v0, v31;
	[sflag:s3] =	ssyncset.done $0x0  }
0xb1: {  	[sflag:s3] =	ssyncadd.s32 $0xFFFFF000  }
0xb2: {  	_ =	swait.ge [sflag:s3], $0x1000  }
0xb3: {  	[sflag:s3] =	ssyncset.done $0x0  }
0xb4: {  	[sflag:s3] =	ssyncadd.s32 $0xFFFFF000  }
0xb5: {  	v29 =	vld.idx.msk [tilespmem:v29+s16+$0x0], $0xffff  }
0xb6: {  	v30 =	vor.u32 v1, v31;
	_ =	sdelay $0x3  }
0xb7: {  	[tilespmem:$0x10400] =	vst v29  }
0xb8: {  	v29 =	vld.idx.msk [tilespmem:v30+s16+$0x0], $0xffff  }
0xb9: {  	v30 =	vor.u32 v2, v31;
	_ =	sdelay $0x3  }
0xba: {  	[tilespmem:$0x10480] =	vst v29  }
0xbb: {  	v29 =	vld.idx.msk [tilespmem:v30+s16+$0x0], $0xffff  }
0xbc: {  	v30 =	vor.u32 v3, v31;
	_ =	sdelay $0x3  }
0xbd: {  	[tilespmem:$0x10500] =	vst v29  }
0xbe: {  	v29 =	vld.idx.msk [tilespmem:v30+s16+$0x0], $0xffff  }
0xbf: {  	v30 =	vor.u32 v4, v31;
	_ =	sdelay $0x3  }
0xc0: {  	[tilespmem:$0x10580] =	vst v29  }
0xc1: {  	v29 =	vld.idx.msk [tilespmem:v30+s16+$0x0], $0xffff  }
0xc2: {  	v30 =	vor.u32 v5, v31;
	_ =	sdelay $0x3  }
0xc3: {  	[tilespmem:$0x10600] =	vst v29  }
0xc4: {  	v29 =	vld.idx.msk [tilespmem:v30+s16+$0x0], $0xffff  }
0xc5: {  	v30 =	vor.u32 v6, v31;
	_ =	sdelay $0x3  }
0xc6: {  	[tilespmem:$0x10680] =	vst v29  }
0xc7: {  	v29 =	vld.idx.msk [tilespmem:v30+s16+$0x0], $0xffff  }
0xc8: {  	v30 =	vor.u32 v7, v31;
	_ =	sdelay $0x3  }
0xc9: {  	[tilespmem:$0x10700] =	vst v29  }
0xca: {  	v29 =	vld.idx.msk [tilespmem:v30+s16+$0x0], $0xffff  }
0xcb: {  	v30 =	vor.u32 v8, v31;
	_ =	sdelay $0x3  }
0xcc: {  	[tilespmem:$0x10780] =	vst v29  }
0xcd: {  	v29 =	vld.idx.msk [tilespmem:v30+s16+$0x0], $0xffff  }
0xce: {  	v30 =	vor.u32 v9, v31;
	_ =	sdelay $0x3  }
0xcf: {  	[tilespmem:$0x10800] =	vst v29  }
0xd0: {  	v29 =	vld.idx.msk [tilespmem:v30+s16+$0x0], $0xffff  }
0xd1: {  	v30 =	vor.u32 v10, v31;
	_ =	sdelay $0x3  }
0xd2: {  	[tilespmem:$0x10880] =	vst v29  }
0xd3: {  	v29 =	vld.idx.msk [tilespmem:v30+s16+$0x0], $0xffff  }
0xd4: {  	v30 =	vor.u32 v11, v31;
	_ =	sdelay $0x3  }
0xd5: {  	[tilespmem:$0x10900] =	vst v29  }
0xd6: {  	v29 =	vld.idx.msk [tilespmem:v30+s16+$0x0], $0xffff  }
0xd7: {  	v30 =	vor.u32 v12, v31;
	_ =	sdelay $0x3  }
0xd8: {  	[tilespmem:$0x10980] =	vst v29  }
0xd9: {  	v29 =	vld.idx.msk [tilespmem:v30+s16+$0x0], $0xffff  }
0xda: {  	v30 =	vor.u32 v13, v31;
	_ =	sdelay $0x3  }
0xdb: {  	[tilespmem:$0x10A00] =	vst v29  }
0xdc: {  	v29 =	vld.idx.msk [tilespmem:v30+s16+$0x0], $0xffff  }
0xdd: {  	v30 =	vor.u32 v14, v31;
	_ =	sdelay $0x3  }
0xde: {  	[tilespmem:$0x10A80] =	vst v29  }
0xdf: {  	v29 =	vld.idx.msk [tilespmem:v30+s16+$0x0], $0xffff  }
0xe0: {  	v30 =	vor.u32 v15, v31;
	_ =	sdelay $0x3  }
0xe1: {  	[tilespmem:$0x10B00] =	vst v29  }
0xe2: {  	v29 =	vld.idx.msk [tilespmem:v30+s16+$0x0], $0xffff  }
0xe3: {  	v30 =	vor.u32 v16, v31;
	_ =	sdelay $0x3  }
0xe4: {  	[tilespmem:$0x10B80] =	vst v29  }
0xe5: {  	v29 =	vld.idx.msk [tilespmem:v30+s16+$0x0], $0xffff  }
0xe6: {  	v30 =	vor.u32 v17, v31;
	_ =	sdelay $0x3  }
0xe7: {  	[tilespmem:$0x10C00] =	vst v29  }
0xe8: {  	v29 =	vld.idx.msk [tilespmem:v30+s16+$0x0], $0xffff  }
0xe9: {  	v30 =	vor.u32 v18, v31;
	_ =	sdelay $0x3  }
0xea: {  	[tilespmem:$0x10C80] =	vst v29  }
0xeb: {  	v29 =	vld.idx.msk [tilespmem:v30+s16+$0x0], $0xffff  }
0xec: {  	v30 =	vor.u32 v19, v31;
	_ =	sdelay $0x3  }
0xed: {  	[tilespmem:$0x10D00] =	vst v29  }
0xee: {  	v29 =	vld.idx.msk [tilespmem:v30+s16+$0x0], $0xffff  }
0xef: {  	v30 =	vor.u32 v20, v31;
	_ =	sdelay $0x3  }
0xf0: {  	[tilespmem:$0x10D80] =	vst v29  }
0xf1: {  	v29 =	vld.idx.msk [tilespmem:v30+s16+$0x0], $0xffff  }
0xf2: {  	v30 =	vor.u32 v21, v31;
	_ =	sdelay $0x3  }
0xf3: {  	[tilespmem:$0x10E00] =	vst v29  }
0xf4: {  	v29 =	vld.idx.msk [tilespmem:v30+s16+$0x0], $0xffff  }
0xf5: {  	v30 =	vor.u32 v22, v31;
	_ =	sdelay $0x3  }
0xf6: {  	[tilespmem:$0x10E80] =	vst v29  }
0xf7: {  	v29 =	vld.idx.msk [tilespmem:v30+s16+$0x0], $0xffff  }
0xf8: {  	v30 =	vor.u32 v23, v31;
	_ =	sdelay $0x3  }
0xf9: {  	[tilespmem:$0x10F00] =	vst v29  }
0xfa: {  	v29 =	vld.idx.msk [tilespmem:v30+s16+$0x0], $0xffff  }
0xfb: {  	v30 =	vor.u32 v24, v31;
	_ =	sdelay $0x3  }
0xfc: {  	[tilespmem:$0x10F80] =	vst v29  }
0xfd: {  	v29 =	vld.idx.msk [tilespmem:v30+s16+$0x0], $0xffff  }
0xfe: {  	v30 =	vor.u32 v25, v31;
	_ =	sdelay $0x3  }
0xff: {  	[tilespmem:$0x11000] =	vst v29  }
0x100: {  	v29 =	vld.idx.msk [tilespmem:v30+s16+$0x0], $0xffff  }
0x101: {  	v30 =	vor.u32 v26, v31;
	_ =	sdelay $0x3  }
0x102: {  	[tilespmem:$0x11080] =	vst v29  }
0x103: {  	v29 =	vld.idx.msk [tilespmem:v30+s16+$0x0], $0xffff  }
0x104: {  	v30 =	vor.u32 v27, v31;
	_ =	sdelay $0x3  }
0x105: {  	[tilespmem:$0x11100] =	vst v29  }
0x106: {  	v29 =	vld.idx.msk [tilespmem:v30+s16+$0x0], $0xffff  }
0x107: {  	v30 =	vor.u32 v28, v31;
	_ =	sdelay $0x3  }
0x108: {  	[tilespmem:$0x11180] =	vst v29  }
0x109: {  	v63 =	vor.u32 $0xE80, v0;
	v29 =	vld.idx.msk [tilespmem:v30+s16+$0x0], $0xffff  }
0x10a: {  	v30 =	vor.u32 v63, v31;
	_ =	sdelay $0x2  }
0x10b: {  	v32 =	vshrl.u32 v62, $0x7  }
0x10c: {  	v32 =	vshll.u32 v32, $0x7;
	[tilespmem:$0x11200] =	vst v29  }
0x10d: {  	(v2sf) =	vpush v32, $0x0;
	v29 =	vor.u32 $0xF00, v0;
	v30 =	vld.idx.msk [tilespmem:v30+s16+$0x0], $0xffff  }
0x10e: {  	v33 =	vor.u32 v29, v31;
	_ =	sdelay $0x2  }
0x10f: {  	(v2sf) =	vpush v32, $0x1  }
0x110: {  	[tilespmem:$0x11280] =	vst v30  }
0x111: {  	v30 =	vor.u32 $0xF80, v0;
	v33 =	vld.idx.msk [tilespmem:v33+s16+$0x0], $0xffff  }
0x112: {  	v31 =	vor.u32 v30, v31  }
0x113: {  	(v2sf) =	vpush v32, $0x2;
	_ =	sdelay $0x2  }
0x114: {  	[tilespmem:$0x11300] =	vst v33  }
0x115: {  	(v2sf) =	vpush v32, $0x3;
	v31 =	vld.idx.msk [tilespmem:v31+s16+$0x0], $0xffff;
	_ =	sdelay $0x2  }
0x116: {  	s5 =	spop (v2sf)  }
0x117: {  	(v2sf) =	vpush v32, $0x4;
	s5 =	sand.u32 $0x1FFFFF80, s5  }
0x118: {  	s5 =	sadd.s32 s2, s5;
	[tilespmem:$0x11380] =	vst v31  }
0x119: {  	[tilespmem:s16], [sflag:$0x1] =	stream.strided.gather [hbm4b:s5+s16], $0x1000, s15, s16, $0x38;
	[tilespmem:$0x11780] =	vst v63  }
0x11a: {  	s5 =	spop (v2sf)  }
0x11b: {  	(v2sf) =	vpush v32, $0x5;
	s5 =	sand.u32 $0x1FFFFF80, s5  }
0x11c: {  	s5 =	sadd.s32 s2, s5  }
0x11d: {  	[tilespmem:s17], [sflag:$0x1] =	stream.strided.gather [hbm4b:s5+s16], $0x1000, s15, s16, $0x38;
	[tilespmem:$0x11780] =	vst v63  }
0x11e: {  	s5 =	spop (v2sf)  }
0x11f: {  	(v2sf) =	vpush v32, $0x6;
	s5 =	sand.u32 $0x1FFFFF80, s5  }
0x120: {  	s5 =	sadd.s32 s2, s5  }
0x121: {  	[tilespmem:s18], [sflag:$0x1] =	stream.strided.gather [hbm4b:s5+s16], $0x1000, s15, s16, $0x38;
	[tilespmem:$0x11780] =	vst v63  }
0x122: {  	s5 =	spop (v2sf)  }
0x123: {  	(v2sf) =	vpush v32, $0x7;
	s5 =	sand.u32 $0x1FFFFF80, s5  }
0x124: {  	s5 =	sadd.s32 s2, s5  }
0x125: {  	[tilespmem:s19], [sflag:$0x1] =	stream.strided.gather [hbm4b:s5+s16], $0x1000, s15, s16, $0x38;
	[tilespmem:$0x11780] =	vst v63  }
0x126: {  	s5 =	spop (v2sf)  }
0x127: {  	(v2sf) =	vpush v32, $0x8;
	s5 =	sand.u32 $0x1FFFFF80, s5  }
0x128: {  	s5 =	sadd.s32 s2, s5  }
0x129: {  	[tilespmem:s20], [sflag:$0x1] =	stream.strided.gather [hbm4b:s5+s16], $0x1000, s15, s16, $0x38;
	[tilespmem:$0x11780] =	vst v63  }
0x12a: {  	s5 =	spop (v2sf)  }
0x12b: {  	(v2sf) =	vpush v32, $0x9;
	s5 =	sand.u32 $0x1FFFFF80, s5  }
0x12c: {  	s5 =	sadd.s32 s2, s5  }
0x12d: {  	[tilespmem:s21], [sflag:$0x1] =	stream.strided.gather [hbm4b:s5+s16], $0x1000, s15, s16, $0x38;
	[tilespmem:$0x11780] =	vst v63  }
0x12e: {  	s5 =	spop (v2sf)  }
0x12f: {  	(v2sf) =	vpush v32, $0xA;
	s5 =	sand.u32 $0x1FFFFF80, s5  }
0x130: {  	s5 =	sadd.s32 s2, s5  }
0x131: {  	[tilespmem:s22], [sflag:$0x1] =	stream.strided.gather [hbm4b:s5+s16], $0x1000, s15, s16, $0x38;
	[tilespmem:$0x11780] =	vst v63  }
0x132: {  	s5 =	spop (v2sf)  }
0x133: {  	(v2sf) =	vpush v32, $0xB;
	s5 =	sand.u32 $0x1FFFFF80, s5  }
0x134: {  	s5 =	sadd.s32 s2, s5  }
0x135: {  	[tilespmem:s23], [sflag:$0x1] =	stream.strided.gather [hbm4b:s5+s16], $0x1000, s15, s16, $0x38;
	[tilespmem:$0x11780] =	vst v63  }
0x136: {  	s5 =	spop (v2sf)  }
0x137: {  	(v2sf) =	vpush v32, $0xC;
	s5 =	sand.u32 $0x1FFFFF80, s5  }
0x138: {  	s5 =	sadd.s32 s2, s5  }
0x139: {  	[tilespmem:s24], [sflag:$0x1] =	stream.strided.gather [hbm4b:s5+s16], $0x1000, s15, s16, $0x38;
	[tilespmem:$0x11780] =	vst v63  }
0x13a: {  	s5 =	spop (v2sf)  }
0x13b: {  	(v2sf) =	vpush v32, $0xD;
	s5 =	sand.u32 $0x1FFFFF80, s5  }
0x13c: {  	s5 =	sadd.s32 s2, s5  }
0x13d: {  	[tilespmem:s25], [sflag:$0x1] =	stream.strided.gather [hbm4b:s5+s16], $0x1000, s15, s16, $0x38;
	[tilespmem:$0x11780] =	vst v63  }
0x13e: {  	s5 =	spop (v2sf)  }
0x13f: {  	(v2sf) =	vpush v32, $0xE;
	s5 =	sand.u32 $0x1FFFFF80, s5  }
0x140: {  	s5 =	sadd.s32 s2, s5  }
0x141: {  	[tilespmem:s26], [sflag:$0x1] =	stream.strided.gather [hbm4b:s5+s16], $0x1000, s15, s16, $0x38;
	[tilespmem:$0x11780] =	vst v63  }
0x142: {  	s5 =	spop (v2sf)  }
0x143: {  	(v2sf) =	vpush v32, $0xF;
	s5 =	sand.u32 $0x1FFFFF80, s5  }
0x144: {  	s5 =	sadd.s32 s2, s5  }
0x145: {  	[tilespmem:s28], [sflag:$0x1] =	stream.strided.gather [hbm4b:s5+s16], $0x1000, s15, s16, $0x38;
	[tilespmem:$0x11780] =	vst v63  }
0x146: {  	s5 =	spop (v2sf)  }
0x147: {  	s5 =	sand.u32 $0x1FFFFF80, s5  }
0x148: {  	s5 =	sadd.s32 s2, s5  }
0x149: {  	[tilespmem:s29], [sflag:$0x1] =	stream.strided.gather [hbm4b:s5+s16], $0x1000, s15, s16, $0x38;
	[tilespmem:$0x11780] =	vst v63  }
0x14a: {  	s5 =	spop (v2sf)  }
0x14b: {  	s5 =	sand.u32 $0x1FFFFF80, s5  }
0x14c: {  	s5 =	sadd.s32 s2, s5  }
0x14d: {  	[tilespmem:s30], [sflag:$0x1] =	stream.strided.gather [hbm4b:s5+s16], $0x1000, s15, s16, $0x38;
	[tilespmem:$0x11780] =	vst v63  }
0x14e: {  	s5 =	spop (v2sf)  }
0x14f: {  	s5 =	sand.u32 $0x1FFFFF80, s5  }
0x150: {  	s5 =	sadd.s32 s2, s5  }
0x151: {  	[tilespmem:s31], [sflag:$0x1] =	stream.strided.gather [hbm4b:s5+s16], $0x1000, s15, s16, $0x38;
	[tilespmem:$0x11780] =	vst v63  }
0x152: {  	s5 =	spop (v2sf)  }
0x153: {  	s5 =	sand.u32 $0x1FFFFF80, s5  }
0x154: {  	s5 =	sadd.s32 s2, s5  }
0x155: {  	[tilespmem:s0], [sflag:$0x1] =	stream.strided.gather [hbm4b:s5+s16], $0x1000, s15, s16, $0x38;
	[tilespmem:$0x11780] =	vst v63  }
0x156: {  	_ =	swait.ge [sflag:s3], $0x1000  }
0x157: {  	[sflag:s3] =	ssyncset.done $0x0  }
0x158: {  	[sflag:s3] =	ssyncadd.s32 $0xFFFFF000  }
0x159: {  	_ =	swait.ge [sflag:s3], $0x1000  }
0x15a: {  	[sflag:s3] =	ssyncset.done $0x0  }
0x15b: {  	[sflag:s3] =	ssyncadd.s32 $0xFFFFF000  }
0x15c: {  	_ =	swait.ge [sflag:s3], $0x1000  }
0x15d: {  	[sflag:s3] =	ssyncset.done $0x0  }
0x15e: {  	[sflag:s3] =	ssyncadd.s32 $0xFFFFF000  }
0x15f: {  	_ =	swait.ge [sflag:s3], $0x1000  }
0x160: {  	[sflag:s3] =	ssyncset.done $0x0  }
0x161: {  	[sflag:s3] =	ssyncadd.s32 $0xFFFFF000  }
0x162: {  	_ =	swait.ge [sflag:s3], $0x1000  }
0x163: {  	[sflag:s3] =	ssyncset.done $0x0  }
0x164: {  	[sflag:s3] =	ssyncadd.s32 $0xFFFFF000  }
0x165: {  	_ =	swait.ge [sflag:s3], $0x1000  }
0x166: {  	[sflag:s3] =	ssyncset.done $0x0  }
0x167: {  	[sflag:s3] =	ssyncadd.s32 $0xFFFFF000  }
0x168: {  	_ =	swait.ge [sflag:s3], $0x1000  }
0x169: {  	[sflag:s3] =	ssyncset.done $0x0  }
0x16a: {  	[sflag:s3] =	ssyncadd.s32 $0xFFFFF000  }
0x16b: {  	_ =	swait.ge [sflag:s3], $0x1000  }
0x16c: {  	[sflag:s3] =	ssyncset.done $0x0  }
0x16d: {  	[sflag:s3] =	ssyncadd.s32 $0xFFFFF000  }
0x16e: {  	_ =	swait.ge [sflag:s3], $0x1000  }
0x16f: {  	[sflag:s3] =	ssyncset.done $0x0  }
0x170: {  	[sflag:s3] =	ssyncadd.s32 $0xFFFFF000  }
0x171: {  	_ =	swait.ge [sflag:s3], $0x1000  }
0x172: {  	[sflag:s3] =	ssyncset.done $0x0  }
0x173: {  	[sflag:s3] =	ssyncadd.s32 $0xFFFFF000  }
0x174: {  	_ =	swait.ge [sflag:s3], $0x1000  }
0x175: {  	[sflag:s3] =	ssyncset.done $0x0  }
0x176: {  	[sflag:s3] =	ssyncadd.s32 $0xFFFFF000  }
0x177: {  	_ =	swait.ge [sflag:s3], $0x1000  }
0x178: {  	[sflag:s3] =	ssyncset.done $0x0  }
0x179: {  	[sflag:s3] =	ssyncadd.s32 $0xFFFFF000  }
0x17a: {  	_ =	swait.ge [sflag:s3], $0x1000  }
0x17b: {  	[sflag:s3] =	ssyncset.done $0x0  }
0x17c: {  	[sflag:s3] =	ssyncadd.s32 $0xFFFFF000  }
0x17d: {  	_ =	swait.ge [sflag:s3], $0x1000  }
0x17e: {  	[sflag:s3] =	ssyncset.done $0x0  }
0x17f: {  	[sflag:s3] =	ssyncadd.s32 $0xFFFFF000  }
0x180: {  	v62 =	vand.u32 $0x7F, v62;
	_ =	swait.ge [sflag:s3], $0x1000  }
0x181: {  	v31 =	vor.u32 v0, v62;
	[sflag:s3] =	ssyncset.done $0x0  }
0x182: {  	[sflag:s3] =	ssyncadd.s32 $0xFFFFF000  }
0x183: {  	v41 =	vor.u32 v1, v62;
	_ =	swait.ge [sflag:s3], $0x1000  }
0x184: {  	[sflag:s3] =	ssyncset.done $0x0  }
0x185: {  	[sflag:s3] =	ssyncadd.s32 $0xFFFFF000  }
0x186: {  	v42 =	vor.u32 v2, v62;
	v31 =	vld.idx.msk [tilespmem:v31+s16+$0x0], $0xffff  }
0x187: {  	v34 =	vld [tilespmem:$0x10400]  }
0x188: {  	v32 =	vld.idx.msk [tilespmem:v41+s16+$0x0], $0xffff  }
0x189: {  	v36 =	vld [tilespmem:$0x10480]  }
0x18a: {  	v41 =	vld [tilespmem:$0x1FF20]  }
0x18b: {  	v33 =	vld.idx.msk [tilespmem:v42+s16+$0x0], $0xffff  }
0x18c: {  	v42 =	vld [tilespmem:$0x1FF30]  }
0x18d: {  	v31 =	vmul.f32 v34, v31;
	_ =	sdelay $0x1  }
0x18e: {  	v32 =	vmul.f32 v36, v32;
	v31 =	vmul.f32 v31, v41;
	_ =	sdelay $0x1  }
0x18f: {  	v38 =	vld [tilespmem:$0x10500];
	v32 =	vmul.f32 v32, v42;
	v31 =	vadd.f32 $0.0e+00, v31  }
0x190: {  	v35 =	vor.u32 v3, v62  }
0x191: {  	v31 =	vadd.f32 v32, v31;
	v32 =	vld [tilespmem:$0x1FF40];
	_ =	sdelay $0x2  }
0x192: {  	v33 =	vmul.f32 v38, v33  }
0x193: {  	v34 =	vld.idx.msk [tilespmem:v35+s16+$0x0], $0xffff  }
0x194: {  	v35 =	vld [tilespmem:$0x10580];
	v32 =	vmul.f32 v33, v32  }
0x195: {  	v37 =	vor.u32 v4, v62  }
0x196: {  	v31 =	vadd.f32 v32, v31;
	v32 =	vld [tilespmem:$0x1FF50];
	_ =	sdelay $0x2  }
0x197: {  	v33 =	vmul.f32 v35, v34  }
0x198: {  	v36 =	vld.idx.msk [tilespmem:v37+s16+$0x0], $0xffff  }
0x199: {  	v37 =	vld [tilespmem:$0x10600];
	v32 =	vmul.f32 v33, v32  }
0x19a: {  	v39 =	vor.u32 v5, v62  }
0x19b: {  	v31 =	vadd.f32 v32, v31;
	v32 =	vld [tilespmem:$0x1FF60];
	_ =	sdelay $0x2  }
0x19c: {  	v33 =	vmul.f32 v37, v36  }
0x19d: {  	v38 =	vld.idx.msk [tilespmem:v39+s16+$0x0], $0xffff  }
0x19e: {  	v39 =	vld [tilespmem:$0x10680];
	v32 =	vmul.f32 v33, v32  }
0x19f: {  	v40 =	vor.u32 v6, v62  }
0x1a0: {  	v31 =	vadd.f32 v32, v31;
	v32 =	vld [tilespmem:$0x1FF70];
	_ =	sdelay $0x2  }
0x1a1: {  	v33 =	vmul.f32 v39, v38  }
0x1a2: {  	v34 =	vld.idx.msk [tilespmem:v40+s16+$0x0], $0xffff  }
0x1a3: {  	v35 =	vld [tilespmem:$0x10700];
	v32 =	vmul.f32 v33, v32  }
0x1a4: {  	v41 =	vor.u32 v7, v62  }
0x1a5: {  	v31 =	vadd.f32 v32, v31;
	v32 =	vld [tilespmem:$0x1FF80];
	_ =	sdelay $0x2  }
0x1a6: {  	v33 =	vmul.f32 v35, v34  }
0x1a7: {  	v36 =	vld.idx.msk [tilespmem:v41+s16+$0x0], $0xffff  }
0x1a8: {  	v37 =	vld [tilespmem:$0x10780];
	v32 =	vmul.f32 v33, v32  }
0x1a9: {  	v42 =	vor.u32 v8, v62  }
0x1aa: {  	v31 =	vadd.f32 v32, v31;
	v32 =	vld [tilespmem:$0x1FF90];
	_ =	sdelay $0x2  }
0x1ab: {  	v33 =	vmul.f32 v37, v36  }
0x1ac: {  	v38 =	vld.idx.msk [tilespmem:v42+s16+$0x0], $0xffff  }
0x1ad: {  	v39 =	vld [tilespmem:$0x10800];
	v32 =	vmul.f32 v33, v32  }
0x1ae: {  	v40 =	vor.u32 v9, v62  }
0x1af: {  	v31 =	vadd.f32 v32, v31;
	v32 =	vld [tilespmem:$0x1FFA0];
	_ =	sdelay $0x2  }
0x1b0: {  	v33 =	vmul.f32 v39, v38  }
0x1b1: {  	v34 =	vld.idx.msk [tilespmem:v40+s16+$0x0], $0xffff  }
0x1b2: {  	v35 =	vld [tilespmem:$0x10880];
	v32 =	vmul.f32 v33, v32  }
0x1b3: {  	v41 =	vor.u32 v10, v62  }
0x1b4: {  	v31 =	vadd.f32 v32, v31;
	v32 =	vld [tilespmem:$0x1FFB0];
	_ =	sdelay $0x2  }
0x1b5: {  	v33 =	vmul.f32 v35, v34  }
0x1b6: {  	v36 =	vld.idx.msk [tilespmem:v41+s16+$0x0], $0xffff  }
0x1b7: {  	v37 =	vld [tilespmem:$0x10900];
	v32 =	vmul.f32 v33, v32  }
0x1b8: {  	v42 =	vor.u32 v11, v62  }
0x1b9: {  	v31 =	vadd.f32 v32, v31;
	v32 =	vld [tilespmem:$0x1FFC0];
	_ =	sdelay $0x2  }
0x1ba: {  	v33 =	vmul.f32 v37, v36  }
0x1bb: {  	v38 =	vld.idx.msk [tilespmem:v42+s16+$0x0], $0xffff  }
0x1bc: {  	v39 =	vld [tilespmem:$0x10980];
	v32 =	vmul.f32 v33, v32  }
0x1bd: {  	v40 =	vor.u32 v12, v62  }
0x1be: {  	v31 =	vadd.f32 v32, v31;
	v32 =	vld [tilespmem:$0x1FFD0];
	_ =	sdelay $0x2  }
0x1bf: {  	v33 =	vmul.f32 v39, v38  }
0x1c0: {  	v34 =	vld.idx.msk [tilespmem:v40+s16+$0x0], $0xffff  }
0x1c1: {  	v41 =	vor.u32 v13, v62;
	v35 =	vld [tilespmem:$0x10A00];
	v32 =	vmul.f32 v33, v32;
	_ =	sdelay $0x1  }
0x1c2: {  	v42 =	vor.u32 v14, v62;
	v31 =	vadd.f32 v32, v31;
	v32 =	vld [tilespmem:$0x1FFE0];
	_ =	sdelay $0x2  }
0x1c3: {  	v40 =	vor.u32 v15, v62;
	v36 =	vld.idx.msk [tilespmem:v41+s16+$0x0], $0xffff;
	v33 =	vmul.f32 v35, v34  }
0x1c4: {  	v37 =	vld [tilespmem:$0x10A80]  }
0x1c5: {  	v41 =	vor.u32 v16, v62;
	v38 =	vld.idx.msk [tilespmem:v42+s16+$0x0], $0xffff;
	v32 =	vmul.f32 v33, v32  }
0x1c6: {  	v39 =	vld [tilespmem:$0x10B00]  }
0x1c7: {  	v42 =	vor.u32 v17, v62;
	v31 =	vadd.f32 v32, v31;
	v32 =	vld [tilespmem:$0x1FFF0]  }
0x1c8: {  	v34 =	vld.idx.msk [tilespmem:v40+s16+$0x0], $0xffff  }
0x1c9: {  	v35 =	vld [tilespmem:$0x10B80];
	v40 =	vor.u32 v18, v62  }
0x1ca: {  	v33 =	vmul.f32 v37, v36;
	v36 =	vld.idx.msk [tilespmem:v41+s16+$0x0], $0xffff  }
0x1cb: {  	v37 =	vld [tilespmem:$0x10C00];
	v41 =	vor.u32 v19, v62  }
0x1cc: {  	v32 =	vmul.f32 v33, v32;
	v33 =	vmul.f32 v39, v38;
	v38 =	vld.idx.msk [tilespmem:v42+s16+$0x0], $0xffff  }
0x1cd: {  	v39 =	vld [tilespmem:$0x10C80];
	v42 =	vor.u32 v20, v62  }
0x1ce: {  	v31 =	vadd.f32 v32, v31;
	v32 =	vmul.f32 v33, v43;
	v33 =	vmul.f32 v35, v34;
	v34 =	vld.idx.msk [tilespmem:v40+s16+$0x0], $0xffff  }
0x1cf: {  	v35 =	vld [tilespmem:$0x10D00];
	v40 =	vor.u32 v21, v62  }
0x1d0: {  	v31 =	vadd.f32 v32, v31;
	v32 =	vmul.f32 v33, v44;
	v33 =	vmul.f32 v37, v36;
	v36 =	vld.idx.msk [tilespmem:v41+s16+$0x0], $0xffff  }
0x1d1: {  	v37 =	vld [tilespmem:$0x10D80];
	v41 =	vor.u32 v22, v62  }
0x1d2: {  	v31 =	vadd.f32 v32, v31;
	v32 =	vmul.f32 v33, v45;
	v33 =	vmul.f32 v39, v38;
	v38 =	vld.idx.msk [tilespmem:v42+s16+$0x0], $0xffff  }
0x1d3: {  	v39 =	vld [tilespmem:$0x10E00];
	v42 =	vor.u32 v23, v62  }
0x1d4: {  	v31 =	vadd.f32 v32, v31;
	v32 =	vmul.f32 v33, v46;
	v33 =	vmul.f32 v35, v34;
	v34 =	vld.idx.msk [tilespmem:v40+s16+$0x0], $0xffff  }
0x1d5: {  	v35 =	vld [tilespmem:$0x10E80];
	v40 =	vor.u32 v24, v62  }
0x1d6: {  	v31 =	vadd.f32 v32, v31;
	v32 =	vmul.f32 v33, v47;
	v33 =	vmul.f32 v37, v36;
	v36 =	vld.idx.msk [tilespmem:v41+s16+$0x0], $0xffff  }
0x1d7: {  	v37 =	vld [tilespmem:$0x10F00];
	v41 =	vor.u32 v25, v62  }
0x1d8: {  	v31 =	vadd.f32 v32, v31;
	v32 =	vmul.f32 v33, v48;
	v33 =	vmul.f32 v39, v38;
	v38 =	vld.idx.msk [tilespmem:v42+s16+$0x0], $0xffff  }
0x1d9: {  	v39 =	vld [tilespmem:$0x10F80];
	v42 =	vor.u32 v26, v62  }
0x1da: {  	v31 =	vadd.f32 v32, v31;
	v32 =	vmul.f32 v33, v49;
	v33 =	vmul.f32 v35, v34;
	v34 =	vld.idx.msk [tilespmem:v40+s16+$0x0], $0xffff  }
0x1db: {  	v35 =	vld [tilespmem:$0x11000];
	v40 =	vor.u32 v27, v62  }
0x1dc: {  	v31 =	vadd.f32 v32, v31;
	v32 =	vmul.f32 v33, v50;
	v33 =	vmul.f32 v37, v36;
	v36 =	vld.idx.msk [tilespmem:v41+s16+$0x0], $0xffff  }
0x1dd: {  	v37 =	vld [tilespmem:$0x11080];
	v41 =	vor.u32 v28, v62  }
0x1de: {  	v31 =	vadd.f32 v32, v31;
	v32 =	vmul.f32 v33, v51;
	v33 =	vmul.f32 v39, v38;
	v38 =	vld.idx.msk [tilespmem:v42+s16+$0x0], $0xffff  }
0x1df: {  	v39 =	vld [tilespmem:$0x11100];
	v42 =	vor.u32 v63, v62  }
0x1e0: {  	v63 =	vmul.f32 v35, v34;
	v34 =	vld.idx.msk [tilespmem:v40+s16+$0x0], $0xffff;
	v31 =	vadd.f32 v32, v31;
	v32 =	vmul.f32 v33, v52  }
0x1e1: {  	v29 =	vor.u32 v29, v62;
	v35 =	vld [tilespmem:$0x11180]  }
0x1e2: {  	v40 =	vmul.f32 v37, v36;
	v33 =	vmul.f32 v63, v53;
	v36 =	vld.idx.msk [tilespmem:v41+s16+$0x0], $0xffff;
	v31 =	vadd.f32 v32, v31  }
0x1e3: {  	v30 =	vor.u32 v30, v62;
	v37 =	vld [tilespmem:$0x11200]  }
0x1e4: {  	v32 =	vmul.f32 v40, v54;
	v63 =	vmul.f32 v39, v38;
	v38 =	vld.idx.msk [tilespmem:v42+s16+$0x0], $0xffff;
	v31 =	vadd.f32 v33, v31  }
0x1e5: {  	v39 =	vld [tilespmem:$0x11280]  }
0x1e6: {  	v29 =	vld.idx.msk [tilespmem:v29+s16+$0x0], $0xffff;
	v62 =	vmul.f32 v63, v55;
	v63 =	vmul.f32 v35, v34;
	v31 =	vadd.f32 v32, v31  }
0x1e7: {  	v40 =	vld [tilespmem:$0x11300]  }
0x1e8: {  	v30 =	vld.idx.msk [tilespmem:v30+s16+$0x0], $0xffff;
	v42 =	vmul.f32 v37, v36;
	v41 =	vmul.f32 v63, v56;
	v31 =	vadd.f32 v62, v31  }
0x1e9: {  	v62 =	vld [tilespmem:$0x11380]  }
0x1ea: {  	v63 =	vmul.f32 v39, v38;
	v33 =	vmul.f32 v42, v57;
	v31 =	vadd.f32 v41, v31;
	_ =	sdelay $0x1  }
0x1eb: {  	v29 =	vmul.f32 v40, v29;
	v32 =	vmul.f32 v63, v58;
	v31 =	vadd.f32 v33, v31;
	_ =	sdelay $0x1  }
0x1ec: {  	v29 =	vmul.f32 v29, v60;
	v30 =	vmul.f32 v62, v30;
	v31 =	vadd.f32 v32, v31;
	_ =	sdelay $0x1  }
0x1ed: {  	v30 =	vmul.f32 v30, v61;
	v29 =	vadd.f32 v29, v31  }
0x1ee: {  	p0 =	sne.s32 s14, $0x7C0  }
.Ltmp0:
0x1ef: {  	v29 =	vadd.f32 v30, v29;
	(pc) =	sbr.rel @p0 .LBB2_2-.Ltmp0, $3  }
0x1f0: {  	_ = 	snop  }
0x1f1: {  	v29 =	vadd.f32 v29, v59;
	_ =	sdelay $0x1  }
0x1f2: {  	s14 =	sadd.s32 $0x40, s14;
	[tilespmem:s12+$0x11580] =	vst v29  }
0x1f3: {  	s13 =	sadd.s32 $0x1, s13  }
0x1f4: {  	p0 =	sne.s32 s13, s10  }
.Ltmp1:
0x1f5: {  	s5 =	simm.s32 $0x11580;
	(pc) =	sbr.rel @p0 .LBB2_1-.Ltmp1, $4  }
0x1f6: {  	[hbm4b:s9+s4] =	stream.linear.scatter [tilespmem:s5], [sflag:$0x2], $0x200, $0x38;
	[tilespmem:$0x11780] =	vst v63  }
0x1f7: {  	_ =	swait.ge [sflag:s11], $0x200  }
0x1f8: {  	[sflag:s11] =	ssyncset.done $0x0  }
0x1f9: {  	[sflag:s11] =	ssyncadd.s32 $0xFFFFFE00  }
0x1fa: {  	_ =	sfence.sel $0x180000  }
0x1fb: {  	[bflag:$0x0] =	sbarrier.arrive $0xFFFF  }
0x1fc: {  	_ =	strace $0x90000047  }
0x1fd: {  	s0 =	stileid.u32;
	[bflag:$0x2] =	sbarrier.arrive $0xFFFF  }
0x1fe: {  	p0 =	sne.s32 s0, $0x0;
	s0 =	rddreg [dreg:$0x6]  }
0x1ff: {  	s0 =	sadd.s32 @!p0 $0x100000, s0  }
0x200: {  	[sflag:s0] =	ssyncadd.tile.s32 @!p0 $0x1;
	_ =	shalt  }
.Lfunc_end2:
_tile_overlayer_lowered:
.L_overlay_start_2:
0x201: {  	(tag) =	ssettag $0x2  }
0x202: {  	s0 =	rddreg [dreg:$0x0];
	s2 =	stileid.u32  }
0x203: {  	s1 =	rddreg [dreg:$0x1];
	p0 =	sne.s32 s2, $0x0  }
0x204: {  	s3 =	rddreg [dreg:$0x2];
	[bflag:$0x3] =	sbarrier.arrive $0xFFFF;
	s2 =	simm.s32 @!p0 $0x1C02  }
0x205: {  	[timem:s3], [sflag:s2] =	dma.local @!p0 [hbm:s0], s1  }
0x206: {  	s0 =	simm.s32 @!p0 $0x2  }
0x207: {  	_ =	swait.ge @!p0 [sflag:s0], s1  }
0x208: {  	s1 =	ssub.s32 @!p0 $0x0, s1;
	[sflag:s0] =	ssyncset.done @!p0 $0x0  }
0x209: {  	[sflag:s0] =	ssyncadd.s32 @!p0 s1  }
0x20a: {  	[bflag:$0x3] =	sbarrier.arrive $0xFFFF  }
0x20b: {  	_ =	shalt  }

</sc_bundles>
